<compile_context>
chip_gen: v7x
topology: tpu7x:2x2x1
jax: 0.10.2.dev20260603
libtpu: 0.0.44.dev20260713+nightly
codegen_flags: <defaults>
</compile_context>

<pallas_src>
import functools

import jax
import jax.numpy as jnp
from jax import lax
from jax.experimental import pallas as pl
from jax.experimental.pallas import tpu as pltpu
from jax.experimental.pallas import tpu_sc as plsc

B, N, E = 256, 192, 3072
C_IN = 128
GB = 64

NSC, NTILES = 2, 16
EPT = E // (NSC * NTILES)
CSLICE = (N * N) // NTILES


def _sc_counts_body(ei_hbm, out_hbm, s_v, d_v, idx_v, ones_v, zero_v, c_sh):
    cid = lax.axis_index("c")
    sid = lax.axis_index("s")
    goff = (cid * NTILES + sid) * EPT
    pltpu.sync_copy(ei_hbm.at[pl.ds(goff, EPT)], s_v)
    pltpu.sync_copy(ei_hbm.at[pl.ds(E + goff, EPT)], d_v)
    for j in range(EPT // 16):
        sl = pl.ds(16 * j, 16)
        idx_v[sl] = d_v[sl] * N + s_v[sl]
        ones_v[sl] = jnp.full((16,), 1.0, jnp.float32)

    def _z(i, carry):
        zero_v[pl.ds(i * 16, 16)] = jnp.zeros((16,), jnp.float32)
        return carry

    lax.fori_loop(0, CSLICE // 16, _z, 0)
    pltpu.sync_copy(zero_v, c_sh.at[pl.ds(sid * CSLICE, CSLICE)])
    plsc.subcore_barrier()
    pltpu.sync_copy(ones_v, c_sh.at[idx_v], add=True)
    plsc.subcore_barrier()
    pltpu.sync_copy(c_sh.at[pl.ds(sid * CSLICE, CSLICE)],
                    out_hbm.at[pl.ds(cid * (N * N) + sid * CSLICE, CSLICE)])


def _sc_counts(edge_index):
    mesh = plsc.VectorSubcoreMesh(core_axis_name="c", subcore_axis_name="s")
    run = functools.partial(
        pl.kernel,
        out_type=jax.ShapeDtypeStruct((NSC * N * N,), jnp.float32),
        mesh=mesh,
        scratch_types=[
            pltpu.VMEM((EPT,), jnp.int32),
            pltpu.VMEM((EPT,), jnp.int32),
            pltpu.VMEM((EPT,), jnp.int32),
            pltpu.VMEM((EPT,), jnp.float32),
            pltpu.VMEM((CSLICE,), jnp.float32),
            pltpu.VMEM_SHARED((N * N,), jnp.float32),
        ],
    )(_sc_counts_body)
    return run(edge_index.reshape(2 * E).astype(jnp.int32))


def _conv_s2(X, w_ref, b_ref, K, pad):
    T = X.shape[0] // 2
    gb, Cin = X.shape[1], X.shape[2]
    Cout = w_ref.shape[2]
    Xp = X.reshape(T, 2, gb, Cin)
    z = jnp.zeros((2, 2, gb, Cin), X.dtype)
    Xpad = jnp.concatenate([z, Xp, z], axis=0)
    acc = None
    for k in range(K):
        j = k - pad
        m, r = j // 2, j % 2
        sl = Xpad[2 + m:2 + m + T, r]
        term = jnp.dot(sl.reshape(T * gb, Cin), w_ref[k],
                       preferred_element_type=jnp.float32)
        acc = term if acc is None else acc + term
    acc = acc.reshape(T, gb, Cout) + b_ref[...].reshape(1, 1, Cout)
    return jnp.maximum(acc, 0.0)


def _main_body(src_ref, c_ref, w1t_ref, b1t_ref, w2t_ref, b2t_ref,
               cw1_ref, cb1_ref, cw2_ref, cb2_ref, cw3_ref, cb3_ref,
               out_ref, a2_s, s1t, s2t, x4_s):
    i = pl.program_id(0)

    @pl.when(i == 0)
    def _():
        C = c_ref[0] + c_ref[1]
        r = lax.broadcasted_iota(jnp.int32, (N, N), 0)
        c = lax.broadcasted_iota(jnp.int32, (N, N), 1)
        C = C + (r == c).astype(jnp.float32)
        CT = C.T
        deg_col = jnp.sum(C, axis=1, keepdims=True)
        deg_row = jnp.sum(CT, axis=0, keepdims=True)
        a2_s[...] = CT * lax.rsqrt(deg_col) * lax.rsqrt(deg_row)

    A2 = a2_s[...]
    w1t = w1t_ref[...]
    w2t = w2t_ref[...]
    for b in range(GB):
        s1t[64 * b:64 * (b + 1), :] = jax.lax.dot_general(
            w1t, src_ref[b], (((1,), (1,)), ((), ())),
            preferred_element_type=jnp.float32)
    z1 = jnp.dot(s1t[...], A2, preferred_element_type=jnp.float32)
    z1 = z1.reshape(GB, 64, N) + b1t_ref[...].reshape(1, 64, 1)
    s1t[...] = jnp.maximum(z1, 0.0).reshape(GB * 64, N)
    for b in range(GB):
        s2t[32 * b:32 * (b + 1), :] = jax.lax.dot_general(
            w2t, s1t[64 * b:64 * (b + 1), :], (((1,), (0,)), ((), ())),
            preferred_element_type=jnp.float32)
    z2 = jnp.dot(s2t[...], A2, preferred_element_type=jnp.float32)
    z2 = z2.reshape(GB, 32, N) + b2t_ref[...].reshape(1, 32, 1)
    s2t[...] = jnp.maximum(z2, 0.0).reshape(GB * 32, N)
    for b in range(GB):
        x4_s[:, b, :] = s2t[32 * b:32 * (b + 1), :].T
    x4 = x4_s[...]
    y = _conv_s2(x4, cw1_ref, cb1_ref, K=7, pad=3)
    y = _conv_s2(y, cw2_ref, cb2_ref, K=5, pad=2)
    y = _conv_s2(y, cw3_ref, cb3_ref, K=3, pad=1)
    out_ref[...] = y


def _run_main(srcT, counts, w1t, b_g1, w2t, b_g2, cw1, cb1, cw2, cb2,
              cw3, cb3):
    nsteps = B // GB
    full = lambda shape: pl.BlockSpec(shape, lambda i: (0,) * len(shape))
    return pl.pallas_call(
        _main_body,
        grid=(nsteps,),
        in_specs=[
            pl.BlockSpec((GB, N, C_IN), lambda i: (i, 0, 0)),
            full((NSC, N, N)),
            full((64, C_IN)), full((64, 1)),
            full((32, 64)), full((32, 1)),
            full((7, 32, 32)), full((1, 32)),
            full((5, 32, 64)), full((1, 64)),
            full((3, 64, 128)), full((1, 128)),
        ],
        out_specs=pl.BlockSpec((24, GB, 128), lambda i: (0, i, 0)),
        out_shape=jax.ShapeDtypeStruct((24, B, 128), jnp.float32),
        scratch_shapes=[pltpu.VMEM((N, N), jnp.float32),
                        pltpu.VMEM((GB * 64, N), jnp.float32),
                        pltpu.VMEM((GB * 32, N), jnp.float32),
                        pltpu.VMEM((N, GB, 32), jnp.float32)],
    )(srcT, counts, w1t, b_g1.reshape(64, 1),
      w2t, b_g2.reshape(32, 1),
      cw1, cb1.reshape(1, 32), cw2, cb2.reshape(1, 64), cw3, cb3.reshape(1, 128))


def _mlp_body(f_ref, wr_ref, fb_ref, c1wt_ref, c1b_ref, c2wt_ref, c2b_ref,
              logitsT_ref, featT_ref):
    acc = jnp.zeros((B, 256), jnp.float32)
    for t in range(24):
        acc = acc + jnp.dot(f_ref[t], wr_ref[t],
                            preferred_element_type=jnp.float32)
    feat = acc + fb_ref[...]
    featT = feat.T
    featT_ref[...] = featT
    hT = jnp.maximum(featT, 0.0)
    hT = jnp.maximum(jnp.dot(c1wt_ref[...], hT,
                             preferred_element_type=jnp.float32)
                     + c1b_ref[...], 0.0)
    logitsT_ref[...] = jnp.dot(c2wt_ref[...], hT,
                               preferred_element_type=jnp.float32) + c2b_ref[...]


def _run_mlp(feats, wr, fc1_b, c1wt, cls1_b, c2wt, cls2_b):
    return pl.pallas_call(
        _mlp_body,
        out_shape=(jax.ShapeDtypeStruct((210, B), jnp.float32),
                   jax.ShapeDtypeStruct((256, B), jnp.float32)),
    )(feats, wr, fc1_b.reshape(1, 256), c1wt, cls1_b.reshape(256, 1),
      c2wt, cls2_b.reshape(210, 1))


def kernel(src, edge_index, W_g1, b_g1, W_g2, b_g2, conv1_w, conv1_b,
           conv2_w, conv2_b, conv3_w, conv3_b, fc1_w, fc1_b,
           cls1_w, cls1_b, cls2_w, cls2_b):
    counts = _sc_counts(edge_index).reshape(NSC, N, N)
    srcT = jnp.transpose(src, (0, 2, 1))
    w1t = W_g1.T
    w2t = W_g2.T
    c1wt = cls1_w.T
    c2wt = cls2_w.T
    cw1 = conv1_w.transpose(2, 1, 0)
    cw2 = conv2_w.transpose(2, 1, 0)
    cw3 = conv3_w.transpose(2, 1, 0)
    wr = fc1_w.reshape(128, 24, 256).transpose(1, 0, 2)
    feats = _run_main(srcT, counts, w1t, b_g1, w2t, b_g2,
                      cw1, conv1_b, cw2, conv2_b, cw3, conv3_b)
    logitsT, featT = _run_mlp(feats, wr, fc1_b, c1wt, cls1_b, c2wt, cls2_b)
    return (logitsT.T, featT.T)

# --- scband reference (transcript-rebuilt; emitter-appended) ---
"""Pipeline reference for scband-time-series-gcn-79499844649193 (READ-ONLY COPY).

The authoritative reference and input builder live on the scoring server;
editing this copy changes nothing except your own understanding.
"""

import jax, jax.numpy as jnp
import numpy as np

B, N, E = 256, 192, 3072
C_IN, NF, EMB = 128, 32, 256

def _p(k, shape, fan_in):
    return jax.random.normal(k, shape, dtype=jnp.float32) * (1.0 / np.sqrt(fan_in))

def setup_inputs(seed: int = 0) -> dict:
    key = jax.random.key(seed)
    ks = jax.random.split(key, 20)
    inp = {}
    inp['src'] = jax.random.normal(ks[0], (B, C_IN, N), dtype=jnp.float32)
    inp['edge_index'] = jax.random.randint(ks[1], (2, E), 0, N)
    inp['W_g1'] = _p(ks[2], (C_IN, 64), C_IN)
    inp['b_g1'] = jnp.zeros((64,), jnp.float32)
    inp['W_g2'] = _p(ks[3], (64, 32), 64)
    inp['b_g2'] = jnp.zeros((32,), jnp.float32)
    inp['conv1_w'] = _p(ks[4], (NF, 32, 7), 32 * 7)
    inp['conv1_b'] = jnp.zeros((NF,), jnp.float32)
    inp['conv2_w'] = _p(ks[5], (NF * 2, NF, 5), NF * 5)
    inp['conv2_b'] = jnp.zeros((NF * 2,), jnp.float32)
    inp['conv3_w'] = _p(ks[6], (NF * 4, NF * 2, 3), NF * 2 * 3)
    inp['conv3_b'] = jnp.zeros((NF * 4,), jnp.float32)
    inp['fc1_w'] = _p(ks[7], (3072, EMB), 3072)
    inp['fc1_b'] = jnp.zeros((EMB,), jnp.float32)
    inp['cls1_w'] = _p(ks[8], (EMB, EMB), EMB)
    inp['cls1_b'] = jnp.zeros((EMB,), jnp.float32)
    inp['cls2_w'] = _p(ks[9], (EMB, 210), EMB)
    inp['cls2_b'] = jnp.zeros((210,), jnp.float32)
    return inp

def _gcn(x, ei, W, b):
    # x: [B, N, Cin]; GCNConv with added self-loops and symmetric normalization
    n = x.shape[1]
    loop = jnp.arange(n, dtype=ei.dtype)
    s = jnp.concatenate([ei[0], loop])
    d = jnp.concatenate([ei[1], loop])
    deg = jnp.zeros((n,), x.dtype).at[d].add(1.0)
    dinv = jax.lax.rsqrt(jnp.maximum(deg, 1e-12))
    norm = dinv[s] * dinv[d]
    h = x @ W  # [B, N, Cout]
    msgs = h[:, s, :] * norm[None, :, None]  # gather over nodes
    out = jnp.zeros_like(h).at[:, d, :].add(msgs)  # scatter-add to dst
    return out + b

def _conv1d(x, w, b, stride, pad):
    y = jax.lax.conv_general_dilated(x, w, window_strides=(stride,), padding=[(pad, pad)], dimension_numbers=('NCH', 'OIH', 'NCH'))
    return y + b[None, :, None]

def reference(src, edge_index, W_g1, b_g1, W_g2, b_g2, conv1_w, conv1_b, conv2_w, conv2_b, conv3_w, conv3_b, fc1_w, fc1_b, cls1_w, cls1_b, cls2_w, cls2_b):
    x = jnp.transpose(src, (0, 2, 1))  # [B, N, C_in]
    x = jax.nn.relu(_gcn(x, edge_index, W_g1, b_g1))
    x = jax.nn.relu(_gcn(x, edge_index, W_g2, b_g2))
    x = jnp.transpose(x, (0, 2, 1))  # [B, 32, N]
    x = jax.nn.relu(_conv1d(x, conv1_w, conv1_b, 2, 3))
    x = jax.nn.relu(_conv1d(x, conv2_w, conv2_b, 2, 2))
    x = jax.nn.relu(_conv1d(x, conv3_w, conv3_b, 2, 1))  # [B, 128, 24]
    x = x.reshape(x.shape[0], -1)  # [B, 3072]
    feat = x @ fc1_w + fc1_b
    x = jax.nn.relu(feat)
    x = jax.nn.relu(x @ cls1_w + cls1_b)
    logits = x @ cls2_w + cls2_b
    return (logits, feat)

if __name__ == "__main__":
    import jax
    _d = setup_inputs()
    print(jax.jit(kernel)(*tuple(_d.values())))

</pallas_src>

<mosaic_0001>
#map = affine_map<(d0, d1) -> (0)>
module attributes {stable_mosaic.version = 14 : i64} {
  func.func @_sc_counts_body(%arg0: i32, %arg1: i32, %arg2: memref<6144xi32, #tpu.memory_space<hbm>>, %arg3: memref<73728xf32, #tpu.memory_space<hbm>>, %arg4: memref<96xi32, #tpu.memory_space<vmem>>, %arg5: memref<96xi32, #tpu.memory_space<vmem>>, %arg6: memref<96xi32, #tpu.memory_space<vmem>>, %arg7: memref<96xf32, #tpu.memory_space<vmem>>, %arg8: memref<2304xf32, #tpu.memory_space<vmem>>, %arg9: memref<36864xf32, #tpu.memory_space<vmem_shared>>) attributes {dimension_semantics = [#tpu.dimension_semantics<core_parallel>, #tpu.dimension_semantics<subcore_parallel>], iteration_bounds = array<i64: 2, 16>, scalar_prefetch = 0 : i64, scratch_operands = 6 : i64, tpu.core_type = #tpu.core_type<sc_vector_subcore>, window_params = [{transform_indices = #map}, {transform_indices = #map}]} {
    %mul3A = arith.constant 16 : i32
    %mul3A_0 = arith.muli %arg0, %mul3A : i32
    %add3A = arith.addi %mul3A_0, %arg1 : i32
    %mul3A_1 = arith.constant 96 : i32
    %mul3A_2 = arith.muli %add3A, %mul3A_1 : i32
    "tpu.region"() ({
      %run_scoped3A = tpu.sem_alloc : memref<!tpu.dma_semaphore, #tpu.memory_space<semaphore_mem>>
      %dma_start3A = tpu.memref_slice %arg2[%mul3A_2] : memref<6144xi32, #tpu.memory_space<hbm>> -> memref<96xi32, #tpu.memory_space<hbm>>
      %dma_start3A_137 = tpu.memref_slice %arg2[%mul3A_2] : memref<6144xi32, #tpu.memory_space<hbm>> -> memref<96xi32, #tpu.memory_space<hbm>>
      tpu.enqueue_dma source(%dma_start3A_137 : memref<96xi32, #tpu.memory_space<hbm>>) target(%arg4 : memref<96xi32, #tpu.memory_space<vmem>>) target_semaphore(%run_scoped3A : memref<!tpu.dma_semaphore, #tpu.memory_space<semaphore_mem>>)
      %dma_wait3A = tpu.memref_slice %arg2[%mul3A_2] : memref<6144xi32, #tpu.memory_space<hbm>> -> memref<96xi32, #tpu.memory_space<hbm>>
      %dma_wait3A_138 = tpu.memref_slice %arg2[%mul3A_2] : memref<6144xi32, #tpu.memory_space<hbm>> -> memref<96xi32, #tpu.memory_space<hbm>>
      tpu.wait_dma2 semaphore(%run_scoped3A : memref<!tpu.dma_semaphore, #tpu.memory_space<semaphore_mem>>) src(%dma_wait3A_138 : memref<96xi32, #tpu.memory_space<hbm>>) dst(%arg4 : memref<96xi32, #tpu.memory_space<vmem>>)
      tpu.yield
    }) : () -> ()
    %add3A_3 = arith.constant 3072 : i32
    %add3A_4 = arith.addi %add3A_3, %mul3A_2 : i32
    "tpu.region"() ({
      %run_scoped3A = tpu.sem_alloc : memref<!tpu.dma_semaphore, #tpu.memory_space<semaphore_mem>>
      %dma_start3A = tpu.memref_slice %arg2[%add3A_4] : memref<6144xi32, #tpu.memory_space<hbm>> -> memref<96xi32, #tpu.memory_space<hbm>>
      %dma_start3A_137 = tpu.memref_slice %arg2[%add3A_4] : memref<6144xi32, #tpu.memory_space<hbm>> -> memref<96xi32, #tpu.memory_space<hbm>>
      tpu.enqueue_dma source(%dma_start3A_137 : memref<96xi32, #tpu.memory_space<hbm>>) target(%arg5 : memref<96xi32, #tpu.memory_space<vmem>>) target_semaphore(%run_scoped3A : memref<!tpu.dma_semaphore, #tpu.memory_space<semaphore_mem>>)
      %dma_wait3A = tpu.memref_slice %arg2[%add3A_4] : memref<6144xi32, #tpu.memory_space<hbm>> -> memref<96xi32, #tpu.memory_space<hbm>>
      %dma_wait3A_138 = tpu.memref_slice %arg2[%add3A_4] : memref<6144xi32, #tpu.memory_space<hbm>> -> memref<96xi32, #tpu.memory_space<hbm>>
      tpu.wait_dma2 semaphore(%run_scoped3A : memref<!tpu.dma_semaphore, #tpu.memory_space<semaphore_mem>>) src(%dma_wait3A_138 : memref<96xi32, #tpu.memory_space<hbm>>) dst(%arg5 : memref<96xi32, #tpu.memory_space<vmem>>)
      tpu.yield
    }) : () -> ()
    %get3A = arith.constant 0 : index
    %get3A_5 = tpu.vector_load %arg5[%get3A] {strides = array<i32>} : memref<96xi32, #tpu.memory_space<vmem>>, vector<16xi32>,
    %get3A_6 = vector.shape_cast %get3A_5 : vector<16xi32> to vector<16xi32>
    %mul3A_7 = arith.constant 192 : i32
    %mul3A_8 = vector.broadcast %mul3A_7 : i32 to vector<16xi32>
    %mul3A_9 = arith.muli %get3A_6, %mul3A_8 : vector<16xi32>
    %get3A_10 = arith.constant 0 : index
    %get3A_11 = tpu.vector_load %arg4[%get3A_10] {strides = array<i32>} : memref<96xi32, #tpu.memory_space<vmem>>, vector<16xi32>,
    %get3A_12 = vector.shape_cast %get3A_11 : vector<16xi32> to vector<16xi32>
    %add3A_13 = arith.addi %mul3A_9, %get3A_12 : vector<16xi32>
    %swap3A = arith.constant 0 : index
    %swap3A_14 = tpu.vector_load %arg6[%swap3A] {strides = array<i32>} : memref<96xi32, #tpu.memory_space<vmem>>, vector<16xi32>,
    %swap3A_15 = vector.shape_cast %swap3A_14 : vector<16xi32> to vector<16xi32>
    %swap3A_16 = vector.shape_cast %add3A_13 : vector<16xi32> to vector<16xi32>
    tpu.vector_store %arg6[%swap3A], %swap3A_16 {strides = array<i32>} : memref<96xi32, #tpu.memory_space<vmem>>, vector<16xi32>,
    %broadcast_in_dim3A = arith.constant 1.000000e+00 : f32
    %broadcast_in_dim3A_17 = vector.broadcast %broadcast_in_dim3A : f32 to vector<16xf32>
    %swap3A_18 = arith.constant 0 : index
    %swap3A_19 = tpu.vector_load %arg7[%swap3A_18] {strides = array<i32>} : memref<96xf32, #tpu.memory_space<vmem>>, vector<16xf32>,
    %swap3A_20 = vector.shape_cast %swap3A_19 : vector<16xf32> to vector<16xf32>
    %swap3A_21 = vector.shape_cast %broadcast_in_dim3A_17 : vector<16xf32> to vector<16xf32>
    tpu.vector_store %arg7[%swap3A_18], %swap3A_21 {strides = array<i32>} : memref<96xf32, #tpu.memory_space<vmem>>, vector<16xf32>,
    %get3A_22 = arith.constant 16 : index
    %get3A_23 = tpu.vector_load %arg5[%get3A_22] {strides = array<i32>} : memref<96xi32, #tpu.memory_space<vmem>>, vector<16xi32>,
    %get3A_24 = vector.shape_cast %get3A_23 : vector<16xi32> to vector<16xi32>
    %mul3A_25 = arith.constant 192 : i32
    %mul3A_26 = vector.broadcast %mul3A_25 : i32 to vector<16xi32>
    %mul3A_27 = arith.muli %get3A_24, %mul3A_26 : vector<16xi32>
    %get3A_28 = arith.constant 16 : index
    %get3A_29 = tpu.vector_load %arg4[%get3A_28] {strides = array<i32>} : memref<96xi32, #tpu.memory_space<vmem>>, vector<16xi32>,
    %get3A_30 = vector.shape_cast %get3A_29 : vector<16xi32> to vector<16xi32>
    %add3A_31 = arith.addi %mul3A_27, %get3A_30 : vector<16xi32>
    %swap3A_32 = arith.constant 16 : index
    %swap3A_33 = tpu.vector_load %arg6[%swap3A_32] {strides = array<i32>} : memref<96xi32, #tpu.memory_space<vmem>>, vector<16xi32>,
    %swap3A_34 = vector.shape_cast %swap3A_33 : vector<16xi32> to vector<16xi32>
    %swap3A_35 = vector.shape_cast %add3A_31 : vector<16xi32> to vector<16xi32>
    tpu.vector_store %arg6[%swap3A_32], %swap3A_35 {strides = array<i32>} : memref<96xi32, #tpu.memory_space<vmem>>, vector<16xi32>,
    %broadcast_in_dim3A_36 = arith.constant 1.000000e+00 : f32
    %broadcast_in_dim3A_37 = vector.broadcast %broadcast_in_dim3A_36 : f32 to vector<16xf32>
    %swap3A_38 = arith.constant 16 : index
    %swap3A_39 = tpu.vector_load %arg7[%swap3A_38] {strides = array<i32>} : memref<96xf32, #tpu.memory_space<vmem>>, vector<16xf32>,
    %swap3A_40 = vector.shape_cast %swap3A_39 : vector<16xf32> to vector<16xf32>
    %swap3A_41 = vector.shape_cast %broadcast_in_dim3A_37 : vector<16xf32> to vector<16xf32>
    tpu.vector_store %arg7[%swap3A_38], %swap3A_41 {strides = array<i32>} : memref<96xf32, #tpu.memory_space<vmem>>, vector<16xf32>,
    %get3A_42 = arith.constant 32 : index
    %get3A_43 = tpu.vector_load %arg5[%get3A_42] {strides = array<i32>} : memref<96xi32, #tpu.memory_space<vmem>>, vector<16xi32>,
    %get3A_44 = vector.shape_cast %get3A_43 : vector<16xi32> to vector<16xi32>
    %mul3A_45 = arith.constant 192 : i32
    %mul3A_46 = vector.broadcast %mul3A_45 : i32 to vector<16xi32>
    %mul3A_47 = arith.muli %get3A_44, %mul3A_46 : vector<16xi32>
    %get3A_48 = arith.constant 32 : index
    %get3A_49 = tpu.vector_load %arg4[%get3A_48] {strides = array<i32>} : memref<96xi32, #tpu.memory_space<vmem>>, vector<16xi32>,
    %get3A_50 = vector.shape_cast %get3A_49 : vector<16xi32> to vector<16xi32>
    %add3A_51 = arith.addi %mul3A_47, %get3A_50 : vector<16xi32>
    %swap3A_52 = arith.constant 32 : index
    %swap3A_53 = tpu.vector_load %arg6[%swap3A_52] {strides = array<i32>} : memref<96xi32, #tpu.memory_space<vmem>>, vector<16xi32>,
    %swap3A_54 = vector.shape_cast %swap3A_53 : vector<16xi32> to vector<16xi32>
    %swap3A_55 = vector.shape_cast %add3A_51 : vector<16xi32> to vector<16xi32>
    tpu.vector_store %arg6[%swap3A_52], %swap3A_55 {strides = array<i32>} : memref<96xi32, #tpu.memory_space<vmem>>, vector<16xi32>,
    %broadcast_in_dim3A_56 = arith.constant 1.000000e+00 : f32
    %broadcast_in_dim3A_57 = vector.broadcast %broadcast_in_dim3A_56 : f32 to vector<16xf32>
    %swap3A_58 = arith.constant 32 : index
    %swap3A_59 = tpu.vector_load %arg7[%swap3A_58] {strides = array<i32>} : memref<96xf32, #tpu.memory_space<vmem>>, vector<16xf32>,
    %swap3A_60 = vector.shape_cast %swap3A_59 : vector<16xf32> to vector<16xf32>
    %swap3A_61 = vector.shape_cast %broadcast_in_dim3A_57 : vector<16xf32> to vector<16xf32>
    tpu.vector_store %arg7[%swap3A_58], %swap3A_61 {strides = array<i32>} : memref<96xf32, #tpu.memory_space<vmem>>, vector<16xf32>,
    %get3A_62 = arith.constant 48 : index
    %get3A_63 = tpu.vector_load %arg5[%get3A_62] {strides = array<i32>} : memref<96xi32, #tpu.memory_space<vmem>>, vector<16xi32>,
    %get3A_64 = vector.shape_cast %get3A_63 : vector<16xi32> to vector<16xi32>
    %mul3A_65 = arith.constant 192 : i32
    %mul3A_66 = vector.broadcast %mul3A_65 : i32 to vector<16xi32>
    %mul3A_67 = arith.muli %get3A_64, %mul3A_66 : vector<16xi32>
    %get3A_68 = arith.constant 48 : index
    %get3A_69 = tpu.vector_load %arg4[%get3A_68] {strides = array<i32>} : memref<96xi32, #tpu.memory_space<vmem>>, vector<16xi32>,
    %get3A_70 = vector.shape_cast %get3A_69 : vector<16xi32> to vector<16xi32>
    %add3A_71 = arith.addi %mul3A_67, %get3A_70 : vector<16xi32>
    %swap3A_72 = arith.constant 48 : index
    %swap3A_73 = tpu.vector_load %arg6[%swap3A_72] {strides = array<i32>} : memref<96xi32, #tpu.memory_space<vmem>>, vector<16xi32>,
    %swap3A_74 = vector.shape_cast %swap3A_73 : vector<16xi32> to vector<16xi32>
    %swap3A_75 = vector.shape_cast %add3A_71 : vector<16xi32> to vector<16xi32>
    tpu.vector_store %arg6[%swap3A_72], %swap3A_75 {strides = array<i32>} : memref<96xi32, #tpu.memory_space<vmem>>, vector<16xi32>,
    %broadcast_in_dim3A_76 = arith.constant 1.000000e+00 : f32
    %broadcast_in_dim3A_77 = vector.broadcast %broadcast_in_dim3A_76 : f32 to vector<16xf32>
    %swap3A_78 = arith.constant 48 : index
    %swap3A_79 = tpu.vector_load %arg7[%swap3A_78] {strides = array<i32>} : memref<96xf32, #tpu.memory_space<vmem>>, vector<16xf32>,
    %swap3A_80 = vector.shape_cast %swap3A_79 : vector<16xf32> to vector<16xf32>
    %swap3A_81 = vector.shape_cast %broadcast_in_dim3A_77 : vector<16xf32> to vector<16xf32>
    tpu.vector_store %arg7[%swap3A_78], %swap3A_81 {strides = array<i32>} : memref<96xf32, #tpu.memory_space<vmem>>, vector<16xf32>,
    %get3A_82 = arith.constant 64 : index
    %get3A_83 = tpu.vector_load %arg5[%get3A_82] {strides = array<i32>} : memref<96xi32, #tpu.memory_space<vmem>>, vector<16xi32>,
    %get3A_84 = vector.shape_cast %get3A_83 : vector<16xi32> to vector<16xi32>
    %mul3A_85 = arith.constant 192 : i32
    %mul3A_86 = vector.broadcast %mul3A_85 : i32 to vector<16xi32>
    %mul3A_87 = arith.muli %get3A_84, %mul3A_86 : vector<16xi32>
    %get3A_88 = arith.constant 64 : index
    %get3A_89 = tpu.vector_load %arg4[%get3A_88] {strides = array<i32>} : memref<96xi32, #tpu.memory_space<vmem>>, vector<16xi32>,
    %get3A_90 = vector.shape_cast %get3A_89 : vector<16xi32> to vector<16xi32>
    %add3A_91 = arith.addi %mul3A_87, %get3A_90 : vector<16xi32>
    %swap3A_92 = arith.constant 64 : index
    %swap3A_93 = tpu.vector_load %arg6[%swap3A_92] {strides = array<i32>} : memref<96xi32, #tpu.memory_space<vmem>>, vector<16xi32>,
    %swap3A_94 = vector.shape_cast %swap3A_93 : vector<16xi32> to vector<16xi32>
    %swap3A_95 = vector.shape_cast %add3A_91 : vector<16xi32> to vector<16xi32>
    tpu.vector_store %arg6[%swap3A_92], %swap3A_95 {strides = array<i32>} : memref<96xi32, #tpu.memory_space<vmem>>, vector<16xi32>,
    %broadcast_in_dim3A_96 = arith.constant 1.000000e+00 : f32
    %broadcast_in_dim3A_97 = vector.broadcast %broadcast_in_dim3A_96 : f32 to vector<16xf32>
    %swap3A_98 = arith.constant 64 : index
    %swap3A_99 = tpu.vector_load %arg7[%swap3A_98] {strides = array<i32>} : memref<96xf32, #tpu.memory_space<vmem>>, vector<16xf32>,
    %swap3A_100 = vector.shape_cast %swap3A_99 : vector<16xf32> to vector<16xf32>
    %swap3A_101 = vector.shape_cast %broadcast_in_dim3A_97 : vector<16xf32> to vector<16xf32>
    tpu.vector_store %arg7[%swap3A_98], %swap3A_101 {strides = array<i32>} : memref<96xf32, #tpu.memory_space<vmem>>, vector<16xf32>,
    %get3A_102 = arith.constant 80 : index
    %get3A_103 = tpu.vector_load %arg5[%get3A_102] {strides = array<i32>} : memref<96xi32, #tpu.memory_space<vmem>>, vector<16xi32>,
    %get3A_104 = vector.shape_cast %get3A_103 : vector<16xi32> to vector<16xi32>
    %mul3A_105 = arith.constant 192 : i32
    %mul3A_106 = vector.broadcast %mul3A_105 : i32 to vector<16xi32>
    %mul3A_107 = arith.muli %get3A_104, %mul3A_106 : vector<16xi32>
    %get3A_108 = arith.constant 80 : index
    %get3A_109 = tpu.vector_load %arg4[%get3A_108] {strides = array<i32>} : memref<96xi32, #tpu.memory_space<vmem>>, vector<16xi32>,
    %get3A_110 = vector.shape_cast %get3A_109 : vector<16xi32> to vector<16xi32>
    %add3A_111 = arith.addi %mul3A_107, %get3A_110 : vector<16xi32>
    %swap3A_112 = arith.constant 80 : index
    %swap3A_113 = tpu.vector_load %arg6[%swap3A_112] {strides = array<i32>} : memref<96xi32, #tpu.memory_space<vmem>>, vector<16xi32>,
    %swap3A_114 = vector.shape_cast %swap3A_113 : vector<16xi32> to vector<16xi32>
    %swap3A_115 = vector.shape_cast %add3A_111 : vector<16xi32> to vector<16xi32>
    tpu.vector_store %arg6[%swap3A_112], %swap3A_115 {strides = array<i32>} : memref<96xi32, #tpu.memory_space<vmem>>, vector<16xi32>,
    %broadcast_in_dim3A_116 = arith.constant 1.000000e+00 : f32
    %broadcast_in_dim3A_117 = vector.broadcast %broadcast_in_dim3A_116 : f32 to vector<16xf32>
    %swap3A_118 = arith.constant 80 : index
    %swap3A_119 = tpu.vector_load %arg7[%swap3A_118] {strides = array<i32>} : memref<96xf32, #tpu.memory_space<vmem>>, vector<16xf32>,
    %swap3A_120 = vector.shape_cast %swap3A_119 : vector<16xf32> to vector<16xf32>
    %swap3A_121 = vector.shape_cast %broadcast_in_dim3A_117 : vector<16xf32> to vector<16xf32>
    tpu.vector_store %arg7[%swap3A_118], %swap3A_121 {strides = array<i32>} : memref<96xf32, #tpu.memory_space<vmem>>, vector<16xf32>,
    %scan3A = arith.constant 0 : i32
    %scan3A_122 = arith.constant 0 : i32
    %scan3A_123 = arith.constant 144 : i32
    %scan3A_124 = arith.addi %scan3A_122, %scan3A_123 : i32
    %scan3A_125 = arith.constant 1 : i32
    scf.for %scan3A_137 = %scan3A_122 to %scan3A_124 step %scan3A_125  : i32 {
      %broadcast_in_dim3A_138 = arith.constant 0.000000e+00 : f32
      %broadcast_in_dim3A_139 = vector.broadcast %broadcast_in_dim3A_138 : f32 to vector<16xf32>
      %mul3A_140 = arith.constant 16 : i32
      %mul3A_141 = arith.muli %scan3A_137, %mul3A_140 : i32
      %swap3A_142 = arith.index_cast %mul3A_141 : i32 to index
      %swap3A_143 = tpu.vector_load %arg8[%swap3A_142] {strides = array<i32>} : memref<2304xf32, #tpu.memory_space<vmem>>, vector<16xf32>,
      %swap3A_144 = vector.shape_cast %swap3A_143 : vector<16xf32> to vector<16xf32>
      %swap3A_145 = vector.shape_cast %broadcast_in_dim3A_139 : vector<16xf32> to vector<16xf32>
      tpu.vector_store %arg8[%swap3A_142], %swap3A_145 {strides = array<i32>} : memref<2304xf32, #tpu.memory_space<vmem>>, vector<16xf32>,
    }
    %scan3A_126 = arith.constant 144 : i32
    %mul3A_127 = arith.constant 2304 : i32
    %mul3A_128 = arith.muli %arg1, %mul3A_127 : i32
    "tpu.region"() ({
      %run_scoped3A = tpu.sem_alloc : memref<!tpu.dma_semaphore, #tpu.memory_space<semaphore_mem>>
      %dma_start3A = tpu.memref_slice %arg9[%mul3A_128] : memref<36864xf32, #tpu.memory_space<vmem_shared>> -> memref<2304xf32, #tpu.memory_space<vmem_shared>>
      %dma_start3A_137 = tpu.memref_slice %arg9[%mul3A_128] : memref<36864xf32, #tpu.memory_space<vmem_shared>> -> memref<2304xf32, #tpu.memory_space<vmem_shared>>
      tpu.enqueue_dma source(%arg8 : memref<2304xf32, #tpu.memory_space<vmem>>) target(%dma_start3A_137 : memref<2304xf32, #tpu.memory_space<vmem_shared>>) target_semaphore(%run_scoped3A : memref<!tpu.dma_semaphore, #tpu.memory_space<semaphore_mem>>)
      %dma_wait3A = tpu.memref_slice %arg9[%mul3A_128] : memref<36864xf32, #tpu.memory_space<vmem_shared>> -> memref<2304xf32, #tpu.memory_space<vmem_shared>>
      %dma_wait3A_138 = tpu.memref_slice %arg9[%mul3A_128] : memref<36864xf32, #tpu.memory_space<vmem_shared>> -> memref<2304xf32, #tpu.memory_space<vmem_shared>>
      tpu.wait_dma2 semaphore(%run_scoped3A : memref<!tpu.dma_semaphore, #tpu.memory_space<semaphore_mem>>) src(%arg8 : memref<2304xf32, #tpu.memory_space<vmem>>) dst(%dma_wait3A_138 : memref<2304xf32, #tpu.memory_space<vmem_shared>>)
      tpu.yield
    }) : () -> ()
    %barrier3A = arith.constant 0 : index
    tpu.barrier barrier_id(%barrier3A)
    "tpu.region"() ({
      %run_scoped3A = tpu.sem_alloc : memref<!tpu.dma_semaphore, #tpu.memory_space<semaphore_mem>>
      %dma_start3A = arith.constant 0 : i32
      %dma_start3A_137 = tpu.memref_slice %arg9[%dma_start3A] : memref<36864xf32, #tpu.memory_space<vmem_shared>> -> memref<36864xf32, #tpu.memory_space<vmem_shared>>
      tpu.enqueue_indirect_dma source(%arg7 : memref<96xf32, #tpu.memory_space<vmem>>) target(%dma_start3A_137 : memref<36864xf32, #tpu.memory_space<vmem_shared>>) offsets(%arg6 : memref<96xi32, #tpu.memory_space<vmem>>) semaphore(%run_scoped3A : memref<!tpu.dma_semaphore, #tpu.memory_space<semaphore_mem>>) {add = true}
      %dma_wait3A = arith.constant 0 : i32
      %dma_wait3A_138 = tpu.memref_slice %arg9[%dma_wait3A] : memref<36864xf32, #tpu.memory_space<vmem_shared>> -> memref<36864xf32, #tpu.memory_space<vmem_shared>>
      tpu.wait_indirect_dma semaphore(%run_scoped3A : memref<!tpu.dma_semaphore, #tpu.memory_space<semaphore_mem>>) src(%arg7 : memref<96xf32, #tpu.memory_space<vmem>>) dst(%dma_wait3A_138 : memref<36864xf32, #tpu.memory_space<vmem_shared>>)
      tpu.yield
    }) : () -> ()
    %barrier3A_129 = arith.constant 0 : index
    tpu.barrier barrier_id(%barrier3A_129)
    %mul3A_130 = arith.constant 2304 : i32
    %mul3A_131 = arith.muli %arg1, %mul3A_130 : i32
    %mul3A_132 = arith.constant 36864 : i32
    %mul3A_133 = arith.muli %arg0, %mul3A_132 : i32
    %mul3A_134 = arith.constant 2304 : i32
    %mul3A_135 = arith.muli %arg1, %mul3A_134 : i32
    %add3A_136 = arith.addi %mul3A_133, %mul3A_135 : i32
    "tpu.region"() ({
      %run_scoped3A = tpu.sem_alloc : memref<!tpu.dma_semaphore, #tpu.memory_space<semaphore_mem>>
      %dma_start3A = tpu.memref_slice %arg3[%add3A_136] : memref<73728xf32, #tpu.memory_space<hbm>> -> memref<2304xf32, #tpu.memory_space<hbm>>
      %dma_start3A_137 = tpu.memref_slice %arg9[%mul3A_131] : memref<36864xf32, #tpu.memory_space<vmem_shared>> -> memref<2304xf32, #tpu.memory_space<vmem_shared>>
      tpu.enqueue_dma source(%dma_start3A_137 : memref<2304xf32, #tpu.memory_space<vmem_shared>>) target(%dma_start3A : memref<2304xf32, #tpu.memory_space<hbm>>) target_semaphore(%run_scoped3A : memref<!tpu.dma_semaphore, #tpu.memory_space<semaphore_mem>>)
      %dma_wait3A = tpu.memref_slice %arg3[%add3A_136] : memref<73728xf32, #tpu.memory_space<hbm>> -> memref<2304xf32, #tpu.memory_space<hbm>>
      %dma_wait3A_138 = tpu.memref_slice %arg9[%mul3A_131] : memref<36864xf32, #tpu.memory_space<vmem_shared>> -> memref<2304xf32, #tpu.memory_space<vmem_shared>>
      tpu.wait_dma2 semaphore(%run_scoped3A : memref<!tpu.dma_semaphore, #tpu.memory_space<semaphore_mem>>) src(%dma_wait3A_138 : memref<2304xf32, #tpu.memory_space<vmem_shared>>) dst(%dma_wait3A : memref<2304xf32, #tpu.memory_space<hbm>>)
      tpu.yield
    }) : () -> ()
    return
  }
}

module attributes {stable_mosaic.version = 14 : i64} {
  func.func @_mlp_body(%arg0: memref<24x256x128xf32, #tpu.memory_space<vmem>>, %arg1: memref<24x128x256xf32, #tpu.memory_space<vmem>>, %arg2: memref<1x256xf32, #tpu.memory_space<vmem>>, %arg3: memref<256x256xf32, #tpu.memory_space<vmem>>, %arg4: memref<256x1xf32, #tpu.memory_space<vmem>>, %arg5: memref<210x256xf32, #tpu.memory_space<vmem>>, %arg6: memref<210x1xf32, #tpu.memory_space<vmem>>, %arg7: memref<210x256xf32, #tpu.memory_space<vmem>>, %arg8: memref<256x256xf32, #tpu.memory_space<vmem>>) attributes {dimension_semantics = [], scalar_prefetch = 0 : i64, scratch_operands = 0 : i64, tpu.core_type = #tpu.core_type<tc>} {
    %broadcast_in_dim3A = arith.constant 0.000000e+00 : f32
    %broadcast_in_dim3A_0 = vector.broadcast %broadcast_in_dim3A : f32 to vector<256x256xf32>
    %get3A = arith.constant 0 : index
    %get3A_1 = arith.constant 0 : index
    %get3A_2 = arith.constant 0 : index
    %get3A_3 = vector.load %arg0[%get3A, %get3A_1, %get3A_2] : memref<24x256x128xf32, #tpu.memory_space<vmem>>, vector<1x256x128xf32>
    %get3A_4 = vector.shape_cast %get3A_3 : vector<1x256x128xf32> to vector<256x128xf32>
    %get3A_5 = arith.constant 0 : index
    %get3A_6 = arith.constant 0 : index
    %get3A_7 = arith.constant 0 : index
    %get3A_8 = vector.load %arg1[%get3A_5, %get3A_6, %get3A_7] : memref<24x128x256xf32, #tpu.memory_space<vmem>>, vector<1x128x256xf32>
    %get3A_9 = vector.shape_cast %get3A_8 : vector<1x128x256xf32> to vector<128x256xf32>
    %dot_general3A = arith.constant dense<0.000000e+00> : vector<256x256xf32>
    %dot_general3A_10 = tpu.matmul %get3A_4, %get3A_9, %dot_general3A {dimension_numbers = #tpu.dot_dimension_numbers<[1], [0], [0], [1], [0, 0, 1, 1], [], []>, transpose_lhs_hint = false} : vector<256x128xf32>, vector<128x256xf32>, vector<256x256xf32> -> vector<256x256xf32>
    %add3A = arith.addf %broadcast_in_dim3A_0, %dot_general3A_10 : vector<256x256xf32>
    %get3A_11 = arith.constant 1 : index
    %get3A_12 = arith.constant 0 : index
    %get3A_13 = arith.constant 0 : index
    %get3A_14 = vector.load %arg0[%get3A_11, %get3A_12, %get3A_13] : memref<24x256x128xf32, #tpu.memory_space<vmem>>, vector<1x256x128xf32>
    %get3A_15 = vector.shape_cast %get3A_14 : vector<1x256x128xf32> to vector<256x128xf32>
    %get3A_16 = arith.constant 1 : index
    %get3A_17 = arith.constant 0 : index
    %get3A_18 = arith.constant 0 : index
    %get3A_19 = vector.load %arg1[%get3A_16, %get3A_17, %get3A_18] : memref<24x128x256xf32, #tpu.memory_space<vmem>>, vector<1x128x256xf32>
    %get3A_20 = vector.shape_cast %get3A_19 : vector<1x128x256xf32> to vector<128x256xf32>
    %dot_general3A_21 = arith.constant dense<0.000000e+00> : vector<256x256xf32>
    %dot_general3A_22 = tpu.matmul %get3A_15, %get3A_20, %dot_general3A_21 {dimension_numbers = #tpu.dot_dimension_numbers<[1], [0], [0], [1], [0, 0, 1, 1], [], []>, transpose_lhs_hint = false} : vector<256x128xf32>, vector<128x256xf32>, vector<256x256xf32> -> vector<256x256xf32>
    %add3A_23 = arith.addf %add3A, %dot_general3A_22 : vector<256x256xf32>
    %get3A_24 = arith.constant 2 : index
    %get3A_25 = arith.constant 0 : index
    %get3A_26 = arith.constant 0 : index
    %get3A_27 = vector.load %arg0[%get3A_24, %get3A_25, %get3A_26] : memref<24x256x128xf32, #tpu.memory_space<vmem>>, vector<1x256x128xf32>
    %get3A_28 = vector.shape_cast %get3A_27 : vector<1x256x128xf32> to vector<256x128xf32>
    %get3A_29 = arith.constant 2 : index
    %get3A_30 = arith.constant 0 : index
    %get3A_31 = arith.constant 0 : index
    %get3A_32 = vector.load %arg1[%get3A_29, %get3A_30, %get3A_31] : memref<24x128x256xf32, #tpu.memory_space<vmem>>, vector<1x128x256xf32>
    %get3A_33 = vector.shape_cast %get3A_32 : vector<1x128x256xf32> to vector<128x256xf32>
    %dot_general3A_34 = arith.constant dense<0.000000e+00> : vector<256x256xf32>
    %dot_general3A_35 = tpu.matmul %get3A_28, %get3A_33, %dot_general3A_34 {dimension_numbers = #tpu.dot_dimension_numbers<[1], [0], [0], [1], [0, 0, 1, 1], [], []>, transpose_lhs_hint = false} : vector<256x128xf32>, vector<128x256xf32>, vector<256x256xf32> -> vector<256x256xf32>
    %add3A_36 = arith.addf %add3A_23, %dot_general3A_35 : vector<256x256xf32>
    %get3A_37 = arith.constant 3 : index
    %get3A_38 = arith.constant 0 : index
    %get3A_39 = arith.constant 0 : index
    %get3A_40 = vector.load %arg0[%get3A_37, %get3A_38, %get3A_39] : memref<24x256x128xf32, #tpu.memory_space<vmem>>, vector<1x256x128xf32>
    %get3A_41 = vector.shape_cast %get3A_40 : vector<1x256x128xf32> to vector<256x128xf32>
    %get3A_42 = arith.constant 3 : index
    %get3A_43 = arith.constant 0 : index
    %get3A_44 = arith.constant 0 : index
    %get3A_45 = vector.load %arg1[%get3A_42, %get3A_43, %get3A_44] : memref<24x128x256xf32, #tpu.memory_space<vmem>>, vector<1x128x256xf32>
    %get3A_46 = vector.shape_cast %get3A_45 : vector<1x128x256xf32> to vector<128x256xf32>
    %dot_general3A_47 = arith.constant dense<0.000000e+00> : vector<256x256xf32>
    %dot_general3A_48 = tpu.matmul %get3A_41, %get3A_46, %dot_general3A_47 {dimension_numbers = #tpu.dot_dimension_numbers<[1], [0], [0], [1], [0, 0, 1, 1], [], []>, transpose_lhs_hint = false} : vector<256x128xf32>, vector<128x256xf32>, vector<256x256xf32> -> vector<256x256xf32>
    %add3A_49 = arith.addf %add3A_36, %dot_general3A_48 : vector<256x256xf32>
    %get3A_50 = arith.constant 4 : index
    %get3A_51 = arith.constant 0 : index
    %get3A_52 = arith.constant 0 : index
    %get3A_53 = vector.load %arg0[%get3A_50, %get3A_51, %get3A_52] : memref<24x256x128xf32, #tpu.memory_space<vmem>>, vector<1x256x128xf32>
    %get3A_54 = vector.shape_cast %get3A_53 : vector<1x256x128xf32> to vector<256x128xf32>
    %get3A_55 = arith.constant 4 : index
    %get3A_56 = arith.constant 0 : index
    %get3A_57 = arith.constant 0 : index
    %get3A_58 = vector.load %arg1[%get3A_55, %get3A_56, %get3A_57] : memref<24x128x256xf32, #tpu.memory_space<vmem>>, vector<1x128x256xf32>
    %get3A_59 = vector.shape_cast %get3A_58 : vector<1x128x256xf32> to vector<128x256xf32>
    %dot_general3A_60 = arith.constant dense<0.000000e+00> : vector<256x256xf32>
    %dot_general3A_61 = tpu.matmul %get3A_54, %get3A_59, %dot_general3A_60 {dimension_numbers = #tpu.dot_dimension_numbers<[1], [0], [0], [1], [0, 0, 1, 1], [], []>, transpose_lhs_hint = false} : vector<256x128xf32>, vector<128x256xf32>, vector<256x256xf32> -> vector<256x256xf32>
    %add3A_62 = arith.addf %add3A_49, %dot_general3A_61 : vector<256x256xf32>
    %get3A_63 = arith.constant 5 : index
    %get3A_64 = arith.constant 0 : index
    %get3A_65 = arith.constant 0 : index
    %get3A_66 = vector.load %arg0[%get3A_63, %get3A_64, %get3A_65] : memref<24x256x128xf32, #tpu.memory_space<vmem>>, vector<1x256x128xf32>
    %get3A_67 = vector.shape_cast %get3A_66 : vector<1x256x128xf32> to vector<256x128xf32>
    %get3A_68 = arith.constant 5 : index
    %get3A_69 = arith.constant 0 : index
    %get3A_70 = arith.constant 0 : index
    %get3A_71 = vector.load %arg1[%get3A_68, %get3A_69, %get3A_70] : memref<24x128x256xf32, #tpu.memory_space<vmem>>, vector<1x128x256xf32>
    %get3A_72 = vector.shape_cast %get3A_71 : vector<1x128x256xf32> to vector<128x256xf32>
    %dot_general3A_73 = arith.constant dense<0.000000e+00> : vector<256x256xf32>
    %dot_general3A_74 = tpu.matmul %get3A_67, %get3A_72, %dot_general3A_73 {dimension_numbers = #tpu.dot_dimension_numbers<[1], [0], [0], [1], [0, 0, 1, 1], [], []>, transpose_lhs_hint = false} : vector<256x128xf32>, vector<128x256xf32>, vector<256x256xf32> -> vector<256x256xf32>
    %add3A_75 = arith.addf %add3A_62, %dot_general3A_74 : vector<256x256xf32>
    %get3A_76 = arith.constant 6 : index
    %get3A_77 = arith.constant 0 : index
    %get3A_78 = arith.constant 0 : index
    %get3A_79 = vector.load %arg0[%get3A_76, %get3A_77, %get3A_78] : memref<24x256x128xf32, #tpu.memory_space<vmem>>, vector<1x256x128xf32>
    %get3A_80 = vector.shape_cast %get3A_79 : vector<1x256x128xf32> to vector<256x128xf32>
    %get3A_81 = arith.constant 6 : index
    %get3A_82 = arith.constant 0 : index
    %get3A_83 = arith.constant 0 : index
    %get3A_84 = vector.load %arg1[%get3A_81, %get3A_82, %get3A_83] : memref<24x128x256xf32, #tpu.memory_space<vmem>>, vector<1x128x256xf32>
    %get3A_85 = vector.shape_cast %get3A_84 : vector<1x128x256xf32> to vector<128x256xf32>
    %dot_general3A_86 = arith.constant dense<0.000000e+00> : vector<256x256xf32>
    %dot_general3A_87 = tpu.matmul %get3A_80, %get3A_85, %dot_general3A_86 {dimension_numbers = #tpu.dot_dimension_numbers<[1], [0], [0], [1], [0, 0, 1, 1], [], []>, transpose_lhs_hint = false} : vector<256x128xf32>, vector<128x256xf32>, vector<256x256xf32> -> vector<256x256xf32>
    %add3A_88 = arith.addf %add3A_75, %dot_general3A_87 : vector<256x256xf32>
    %get3A_89 = arith.constant 7 : index
    %get3A_90 = arith.constant 0 : index
    %get3A_91 = arith.constant 0 : index
    %get3A_92 = vector.load %arg0[%get3A_89, %get3A_90, %get3A_91] : memref<24x256x128xf32, #tpu.memory_space<vmem>>, vector<1x256x128xf32>
    %get3A_93 = vector.shape_cast %get3A_92 : vector<1x256x128xf32> to vector<256x128xf32>
    %get3A_94 = arith.constant 7 : index
    %get3A_95 = arith.constant 0 : index
    %get3A_96 = arith.constant 0 : index
    %get3A_97 = vector.load %arg1[%get3A_94, %get3A_95, %get3A_96] : memref<24x128x256xf32, #tpu.memory_space<vmem>>, vector<1x128x256xf32>
    %get3A_98 = vector.shape_cast %get3A_97 : vector<1x128x256xf32> to vector<128x256xf32>
    %dot_general3A_99 = arith.constant dense<0.000000e+00> : vector<256x256xf32>
    %dot_general3A_100 = tpu.matmul %get3A_93, %get3A_98, %dot_general3A_99 {dimension_numbers = #tpu.dot_dimension_numbers<[1], [0], [0], [1], [0, 0, 1, 1], [], []>, transpose_lhs_hint = false} : vector<256x128xf32>, vector<128x256xf32>, vector<256x256xf32> -> vector<256x256xf32>
    %add3A_101 = arith.addf %add3A_88, %dot_general3A_100 : vector<256x256xf32>
    %get3A_102 = arith.constant 8 : index
    %get3A_103 = arith.constant 0 : index
    %get3A_104 = arith.constant 0 : index
    %get3A_105 = vector.load %arg0[%get3A_102, %get3A_103, %get3A_104] : memref<24x256x128xf32, #tpu.memory_space<vmem>>, vector<1x256x128xf32>
    %get3A_106 = vector.shape_cast %get3A_105 : vector<1x256x128xf32> to vector<256x128xf32>
    %get3A_107 = arith.constant 8 : index
    %get3A_108 = arith.constant 0 : index
    %get3A_109 = arith.constant 0 : index
    %get3A_110 = vector.load %arg1[%get3A_107, %get3A_108, %get3A_109] : memref<24x128x256xf32, #tpu.memory_space<vmem>>, vector<1x128x256xf32>
    %get3A_111 = vector.shape_cast %get3A_110 : vector<1x128x256xf32> to vector<128x256xf32>
    %dot_general3A_112 = arith.constant dense<0.000000e+00> : vector<256x256xf32>
    %dot_general3A_113 = tpu.matmul %get3A_106, %get3A_111, %dot_general3A_112 {dimension_numbers = #tpu.dot_dimension_numbers<[1], [0], [0], [1], [0, 0, 1, 1], [], []>, transpose_lhs_hint = false} : vector<256x128xf32>, vector<128x256xf32>, vector<256x256xf32> -> vector<256x256xf32>
    %add3A_114 = arith.addf %add3A_101, %dot_general3A_113 : vector<256x256xf32>
    %get3A_115 = arith.constant 9 : index
    %get3A_116 = arith.constant 0 : index
    %get3A_117 = arith.constant 0 : index
    %get3A_118 = vector.load %arg0[%get3A_115, %get3A_116, %get3A_117] : memref<24x256x128xf32, #tpu.memory_space<vmem>>, vector<1x256x128xf32>
    %get3A_119 = vector.shape_cast %get3A_118 : vector<1x256x128xf32> to vector<256x128xf32>
    %get3A_120 = arith.constant 9 : index
    %get3A_121 = arith.constant 0 : index
    %get3A_122 = arith.constant 0 : index
    %get3A_123 = vector.load %arg1[%get3A_120, %get3A_121, %get3A_122] : memref<24x128x256xf32, #tpu.memory_space<vmem>>, vector<1x128x256xf32>
    %get3A_124 = vector.shape_cast %get3A_123 : vector<1x128x256xf32> to vector<128x256xf32>
    %dot_general3A_125 = arith.constant dense<0.000000e+00> : vector<256x256xf32>
    %dot_general3A_126 = tpu.matmul %get3A_119, %get3A_124, %dot_general3A_125 {dimension_numbers = #tpu.dot_dimension_numbers<[1], [0], [0], [1], [0, 0, 1, 1], [], []>, transpose_lhs_hint = false} : vector<256x128xf32>, vector<128x256xf32>, vector<256x256xf32> -> vector<256x256xf32>
    %add3A_127 = arith.addf %add3A_114, %dot_general3A_126 : vector<256x256xf32>
    %get3A_128 = arith.constant 10 : index
    %get3A_129 = arith.constant 0 : index
    %get3A_130 = arith.constant 0 : index
    %get3A_131 = vector.load %arg0[%get3A_128, %get3A_129, %get3A_130] : memref<24x256x128xf32, #tpu.memory_space<vmem>>, vector<1x256x128xf32>
    %get3A_132 = vector.shape_cast %get3A_131 : vector<1x256x128xf32> to vector<256x128xf32>
    %get3A_133 = arith.constant 10 : index
    %get3A_134 = arith.constant 0 : index
    %get3A_135 = arith.constant 0 : index
    %get3A_136 = vector.load %arg1[%get3A_133, %get3A_134, %get3A_135] : memref<24x128x256xf32, #tpu.memory_space<vmem>>, vector<1x128x256xf32>
    %get3A_137 = vector.shape_cast %get3A_136 : vector<1x128x256xf32> to vector<128x256xf32>
    %dot_general3A_138 = arith.constant dense<0.000000e+00> : vector<256x256xf32>
    %dot_general3A_139 = tpu.matmul %get3A_132, %get3A_137, %dot_general3A_138 {dimension_numbers = #tpu.dot_dimension_numbers<[1], [0], [0], [1], [0, 0, 1, 1], [], []>, transpose_lhs_hint = false} : vector<256x128xf32>, vector<128x256xf32>, vector<256x256xf32> -> vector<256x256xf32>
    %add3A_140 = arith.addf %add3A_127, %dot_general3A_139 : vector<256x256xf32>
    %get3A_141 = arith.constant 11 : index
    %get3A_142 = arith.constant 0 : index
    %get3A_143 = arith.constant 0 : index
    %get3A_144 = vector.load %arg0[%get3A_141, %get3A_142, %get3A_143] : memref<24x256x128xf32, #tpu.memory_space<vmem>>, vector<1x256x128xf32>
    %get3A_145 = vector.shape_cast %get3A_144 : vector<1x256x128xf32> to vector<256x128xf32>
    %get3A_146 = arith.constant 11 : index
    %get3A_147 = arith.constant 0 : index
    %get3A_148 = arith.constant 0 : index
    %get3A_149 = vector.load %arg1[%get3A_146, %get3A_147, %get3A_148] : memref<24x128x256xf32, #tpu.memory_space<vmem>>, vector<1x128x256xf32>
    %get3A_150 = vector.shape_cast %get3A_149 : vector<1x128x256xf32> to vector<128x256xf32>
    %dot_general3A_151 = arith.constant dense<0.000000e+00> : vector<256x256xf32>
    %dot_general3A_152 = tpu.matmul %get3A_145, %get3A_150, %dot_general3A_151 {dimension_numbers = #tpu.dot_dimension_numbers<[1], [0], [0], [1], [0, 0, 1, 1], [], []>, transpose_lhs_hint = false} : vector<256x128xf32>, vector<128x256xf32>, vector<256x256xf32> -> vector<256x256xf32>
    %add3A_153 = arith.addf %add3A_140, %dot_general3A_152 : vector<256x256xf32>
    %get3A_154 = arith.constant 12 : index
    %get3A_155 = arith.constant 0 : index
    %get3A_156 = arith.constant 0 : index
    %get3A_157 = vector.load %arg0[%get3A_154, %get3A_155, %get3A_156] : memref<24x256x128xf32, #tpu.memory_space<vmem>>, vector<1x256x128xf32>
    %get3A_158 = vector.shape_cast %get3A_157 : vector<1x256x128xf32> to vector<256x128xf32>
    %get3A_159 = arith.constant 12 : index
    %get3A_160 = arith.constant 0 : index
    %get3A_161 = arith.constant 0 : index
    %get3A_162 = vector.load %arg1[%get3A_159, %get3A_160, %get3A_161] : memref<24x128x256xf32, #tpu.memory_space<vmem>>, vector<1x128x256xf32>
    %get3A_163 = vector.shape_cast %get3A_162 : vector<1x128x256xf32> to vector<128x256xf32>
    %dot_general3A_164 = arith.constant dense<0.000000e+00> : vector<256x256xf32>
    %dot_general3A_165 = tpu.matmul %get3A_158, %get3A_163, %dot_general3A_164 {dimension_numbers = #tpu.dot_dimension_numbers<[1], [0], [0], [1], [0, 0, 1, 1], [], []>, transpose_lhs_hint = false} : vector<256x128xf32>, vector<128x256xf32>, vector<256x256xf32> -> vector<256x256xf32>
    %add3A_166 = arith.addf %add3A_153, %dot_general3A_165 : vector<256x256xf32>
    %get3A_167 = arith.constant 13 : index
    %get3A_168 = arith.constant 0 : index
    %get3A_169 = arith.constant 0 : index
    %get3A_170 = vector.load %arg0[%get3A_167, %get3A_168, %get3A_169] : memref<24x256x128xf32, #tpu.memory_space<vmem>>, vector<1x256x128xf32>
    %get3A_171 = vector.shape_cast %get3A_170 : vector<1x256x128xf32> to vector<256x128xf32>
    %get3A_172 = arith.constant 13 : index
    %get3A_173 = arith.constant 0 : index
    %get3A_174 = arith.constant 0 : index
    %get3A_175 = vector.load %arg1[%get3A_172, %get3A_173, %get3A_174] : memref<24x128x256xf32, #tpu.memory_space<vmem>>, vector<1x128x256xf32>
    %get3A_176 = vector.shape_cast %get3A_175 : vector<1x128x256xf32> to vector<128x256xf32>
    %dot_general3A_177 = arith.constant dense<0.000000e+00> : vector<256x256xf32>
    %dot_general3A_178 = tpu.matmul %get3A_171, %get3A_176, %dot_general3A_177 {dimension_numbers = #tpu.dot_dimension_numbers<[1], [0], [0], [1], [0, 0, 1, 1], [], []>, transpose_lhs_hint = false} : vector<256x128xf32>, vector<128x256xf32>, vector<256x256xf32> -> vector<256x256xf32>
    %add3A_179 = arith.addf %add3A_166, %dot_general3A_178 : vector<256x256xf32>
    %get3A_180 = arith.constant 14 : index
    %get3A_181 = arith.constant 0 : index
    %get3A_182 = arith.constant 0 : index
    %get3A_183 = vector.load %arg0[%get3A_180, %get3A_181, %get3A_182] : memref<24x256x128xf32, #tpu.memory_space<vmem>>, vector<1x256x128xf32>
    %get3A_184 = vector.shape_cast %get3A_183 : vector<1x256x128xf32> to vector<256x128xf32>
    %get3A_185 = arith.constant 14 : index
    %get3A_186 = arith.constant 0 : index
    %get3A_187 = arith.constant 0 : index
    %get3A_188 = vector.load %arg1[%get3A_185, %get3A_186, %get3A_187] : memref<24x128x256xf32, #tpu.memory_space<vmem>>, vector<1x128x256xf32>
    %get3A_189 = vector.shape_cast %get3A_188 : vector<1x128x256xf32> to vector<128x256xf32>
    %dot_general3A_190 = arith.constant dense<0.000000e+00> : vector<256x256xf32>
    %dot_general3A_191 = tpu.matmul %get3A_184, %get3A_189, %dot_general3A_190 {dimension_numbers = #tpu.dot_dimension_numbers<[1], [0], [0], [1], [0, 0, 1, 1], [], []>, transpose_lhs_hint = false} : vector<256x128xf32>, vector<128x256xf32>, vector<256x256xf32> -> vector<256x256xf32>
    %add3A_192 = arith.addf %add3A_179, %dot_general3A_191 : vector<256x256xf32>
    %get3A_193 = arith.constant 15 : index
    %get3A_194 = arith.constant 0 : index
    %get3A_195 = arith.constant 0 : index
    %get3A_196 = vector.load %arg0[%get3A_193, %get3A_194, %get3A_195] : memref<24x256x128xf32, #tpu.memory_space<vmem>>, vector<1x256x128xf32>
    %get3A_197 = vector.shape_cast %get3A_196 : vector<1x256x128xf32> to vector<256x128xf32>
    %get3A_198 = arith.constant 15 : index
    %get3A_199 = arith.constant 0 : index
    %get3A_200 = arith.constant 0 : index
    %get3A_201 = vector.load %arg1[%get3A_198, %get3A_199, %get3A_200] : memref<24x128x256xf32, #tpu.memory_space<vmem>>, vector<1x128x256xf32>
    %get3A_202 = vector.shape_cast %get3A_201 : vector<1x128x256xf32> to vector<128x256xf32>
    %dot_general3A_203 = arith.constant dense<0.000000e+00> : vector<256x256xf32>
    %dot_general3A_204 = tpu.matmul %get3A_197, %get3A_202, %dot_general3A_203 {dimension_numbers = #tpu.dot_dimension_numbers<[1], [0], [0], [1], [0, 0, 1, 1], [], []>, transpose_lhs_hint = false} : vector<256x128xf32>, vector<128x256xf32>, vector<256x256xf32> -> vector<256x256xf32>
    %add3A_205 = arith.addf %add3A_192, %dot_general3A_204 : vector<256x256xf32>
    %get3A_206 = arith.constant 16 : index
    %get3A_207 = arith.constant 0 : index
    %get3A_208 = arith.constant 0 : index
    %get3A_209 = vector.load %arg0[%get3A_206, %get3A_207, %get3A_208] : memref<24x256x128xf32, #tpu.memory_space<vmem>>, vector<1x256x128xf32>
    %get3A_210 = vector.shape_cast %get3A_209 : vector<1x256x128xf32> to vector<256x128xf32>
    %get3A_211 = arith.constant 16 : index
    %get3A_212 = arith.constant 0 : index
    %get3A_213 = arith.constant 0 : index
    %get3A_214 = vector.load %arg1[%get3A_211, %get3A_212, %get3A_213] : memref<24x128x256xf32, #tpu.memory_space<vmem>>, vector<1x128x256xf32>
    %get3A_215 = vector.shape_cast %get3A_214 : vector<1x128x256xf32> to vector<128x256xf32>
    %dot_general3A_216 = arith.constant dense<0.000000e+00> : vector<256x256xf32>
    %dot_general3A_217 = tpu.matmul %get3A_210, %get3A_215, %dot_general3A_216 {dimension_numbers = #tpu.dot_dimension_numbers<[1], [0], [0], [1], [0, 0, 1, 1], [], []>, transpose_lhs_hint = false} : vector<256x128xf32>, vector<128x256xf32>, vector<256x256xf32> -> vector<256x256xf32>
    %add3A_218 = arith.addf %add3A_205, %dot_general3A_217 : vector<256x256xf32>
    %get3A_219 = arith.constant 17 : index
    %get3A_220 = arith.constant 0 : index
    %get3A_221 = arith.constant 0 : index
    %get3A_222 = vector.load %arg0[%get3A_219, %get3A_220, %get3A_221] : memref<24x256x128xf32, #tpu.memory_space<vmem>>, vector<1x256x128xf32>
    %get3A_223 = vector.shape_cast %get3A_222 : vector<1x256x128xf32> to vector<256x128xf32>
    %get3A_224 = arith.constant 17 : index
    %get3A_225 = arith.constant 0 : index
    %get3A_226 = arith.constant 0 : index
    %get3A_227 = vector.load %arg1[%get3A_224, %get3A_225, %get3A_226] : memref<24x128x256xf32, #tpu.memory_space<vmem>>, vector<1x128x256xf32>
    %get3A_228 = vector.shape_cast %get3A_227 : vector<1x128x256xf32> to vector<128x256xf32>
    %dot_general3A_229 = arith.constant dense<0.000000e+00> : vector<256x256xf32>
    %dot_general3A_230 = tpu.matmul %get3A_223, %get3A_228, %dot_general3A_229 {dimension_numbers = #tpu.dot_dimension_numbers<[1], [0], [0], [1], [0, 0, 1, 1], [], []>, transpose_lhs_hint = false} : vector<256x128xf32>, vector<128x256xf32>, vector<256x256xf32> -> vector<256x256xf32>
    %add3A_231 = arith.addf %add3A_218, %dot_general3A_230 : vector<256x256xf32>
    %get3A_232 = arith.constant 18 : index
    %get3A_233 = arith.constant 0 : index
    %get3A_234 = arith.constant 0 : index
    %get3A_235 = vector.load %arg0[%get3A_232, %get3A_233, %get3A_234] : memref<24x256x128xf32, #tpu.memory_space<vmem>>, vector<1x256x128xf32>
    %get3A_236 = vector.shape_cast %get3A_235 : vector<1x256x128xf32> to vector<256x128xf32>
    %get3A_237 = arith.constant 18 : index
    %get3A_238 = arith.constant 0 : index
    %get3A_239 = arith.constant 0 : index
    %get3A_240 = vector.load %arg1[%get3A_237, %get3A_238, %get3A_239] : memref<24x128x256xf32, #tpu.memory_space<vmem>>, vector<1x128x256xf32>
    %get3A_241 = vector.shape_cast %get3A_240 : vector<1x128x256xf32> to vector<128x256xf32>
    %dot_general3A_242 = arith.constant dense<0.000000e+00> : vector<256x256xf32>
    %dot_general3A_243 = tpu.matmul %get3A_236, %get3A_241, %dot_general3A_242 {dimension_numbers = #tpu.dot_dimension_numbers<[1], [0], [0], [1], [0, 0, 1, 1], [], []>, transpose_lhs_hint = false} : vector<256x128xf32>, vector<128x256xf32>, vector<256x256xf32> -> vector<256x256xf32>
    %add3A_244 = arith.addf %add3A_231, %dot_general3A_243 : vector<256x256xf32>
    %get3A_245 = arith.constant 19 : index
    %get3A_246 = arith.constant 0 : index
    %get3A_247 = arith.constant 0 : index
    %get3A_248 = vector.load %arg0[%get3A_245, %get3A_246, %get3A_247] : memref<24x256x128xf32, #tpu.memory_space<vmem>>, vector<1x256x128xf32>
    %get3A_249 = vector.shape_cast %get3A_248 : vector<1x256x128xf32> to vector<256x128xf32>
    %get3A_250 = arith.constant 19 : index
    %get3A_251 = arith.constant 0 : index
    %get3A_252 = arith.constant 0 : index
    %get3A_253 = vector.load %arg1[%get3A_250, %get3A_251, %get3A_252] : memref<24x128x256xf32, #tpu.memory_space<vmem>>, vector<1x128x256xf32>
    %get3A_254 = vector.shape_cast %get3A_253 : vector<1x128x256xf32> to vector<128x256xf32>
    %dot_general3A_255 = arith.constant dense<0.000000e+00> : vector<256x256xf32>
    %dot_general3A_256 = tpu.matmul %get3A_249, %get3A_254, %dot_general3A_255 {dimension_numbers = #tpu.dot_dimension_numbers<[1], [0], [0], [1], [0, 0, 1, 1], [], []>, transpose_lhs_hint = false} : vector<256x128xf32>, vector<128x256xf32>, vector<256x256xf32> -> vector<256x256xf32>
    %add3A_257 = arith.addf %add3A_244, %dot_general3A_256 : vector<256x256xf32>
    %get3A_258 = arith.constant 20 : index
    %get3A_259 = arith.constant 0 : index
    %get3A_260 = arith.constant 0 : index
    %get3A_261 = vector.load %arg0[%get3A_258, %get3A_259, %get3A_260] : memref<24x256x128xf32, #tpu.memory_space<vmem>>, vector<1x256x128xf32>
    %get3A_262 = vector.shape_cast %get3A_261 : vector<1x256x128xf32> to vector<256x128xf32>
    %get3A_263 = arith.constant 20 : index
    %get3A_264 = arith.constant 0 : index
    %get3A_265 = arith.constant 0 : index
    %get3A_266 = vector.load %arg1[%get3A_263, %get3A_264, %get3A_265] : memref<24x128x256xf32, #tpu.memory_space<vmem>>, vector<1x128x256xf32>
    %get3A_267 = vector.shape_cast %get3A_266 : vector<1x128x256xf32> to vector<128x256xf32>
    %dot_general3A_268 = arith.constant dense<0.000000e+00> : vector<256x256xf32>
    %dot_general3A_269 = tpu.matmul %get3A_262, %get3A_267, %dot_general3A_268 {dimension_numbers = #tpu.dot_dimension_numbers<[1], [0], [0], [1], [0, 0, 1, 1], [], []>, transpose_lhs_hint = false} : vector<256x128xf32>, vector<128x256xf32>, vector<256x256xf32> -> vector<256x256xf32>
    %add3A_270 = arith.addf %add3A_257, %dot_general3A_269 : vector<256x256xf32>
    %get3A_271 = arith.constant 21 : index
    %get3A_272 = arith.constant 0 : index
    %get3A_273 = arith.constant 0 : index
    %get3A_274 = vector.load %arg0[%get3A_271, %get3A_272, %get3A_273] : memref<24x256x128xf32, #tpu.memory_space<vmem>>, vector<1x256x128xf32>
    %get3A_275 = vector.shape_cast %get3A_274 : vector<1x256x128xf32> to vector<256x128xf32>
    %get3A_276 = arith.constant 21 : index
    %get3A_277 = arith.constant 0 : index
    %get3A_278 = arith.constant 0 : index
    %get3A_279 = vector.load %arg1[%get3A_276, %get3A_277, %get3A_278] : memref<24x128x256xf32, #tpu.memory_space<vmem>>, vector<1x128x256xf32>
    %get3A_280 = vector.shape_cast %get3A_279 : vector<1x128x256xf32> to vector<128x256xf32>
    %dot_general3A_281 = arith.constant dense<0.000000e+00> : vector<256x256xf32>
    %dot_general3A_282 = tpu.matmul %get3A_275, %get3A_280, %dot_general3A_281 {dimension_numbers = #tpu.dot_dimension_numbers<[1], [0], [0], [1], [0, 0, 1, 1], [], []>, transpose_lhs_hint = false} : vector<256x128xf32>, vector<128x256xf32>, vector<256x256xf32> -> vector<256x256xf32>
    %add3A_283 = arith.addf %add3A_270, %dot_general3A_282 : vector<256x256xf32>
    %get3A_284 = arith.constant 22 : index
    %get3A_285 = arith.constant 0 : index
    %get3A_286 = arith.constant 0 : index
    %get3A_287 = vector.load %arg0[%get3A_284, %get3A_285, %get3A_286] : memref<24x256x128xf32, #tpu.memory_space<vmem>>, vector<1x256x128xf32>
    %get3A_288 = vector.shape_cast %get3A_287 : vector<1x256x128xf32> to vector<256x128xf32>
    %get3A_289 = arith.constant 22 : index
    %get3A_290 = arith.constant 0 : index
    %get3A_291 = arith.constant 0 : index
    %get3A_292 = vector.load %arg1[%get3A_289, %get3A_290, %get3A_291] : memref<24x128x256xf32, #tpu.memory_space<vmem>>, vector<1x128x256xf32>
    %get3A_293 = vector.shape_cast %get3A_292 : vector<1x128x256xf32> to vector<128x256xf32>
    %dot_general3A_294 = arith.constant dense<0.000000e+00> : vector<256x256xf32>
    %dot_general3A_295 = tpu.matmul %get3A_288, %get3A_293, %dot_general3A_294 {dimension_numbers = #tpu.dot_dimension_numbers<[1], [0], [0], [1], [0, 0, 1, 1], [], []>, transpose_lhs_hint = false} : vector<256x128xf32>, vector<128x256xf32>, vector<256x256xf32> -> vector<256x256xf32>
    %add3A_296 = arith.addf %add3A_283, %dot_general3A_295 : vector<256x256xf32>
    %get3A_297 = arith.constant 23 : index
    %get3A_298 = arith.constant 0 : index
    %get3A_299 = arith.constant 0 : index
    %get3A_300 = vector.load %arg0[%get3A_297, %get3A_298, %get3A_299] : memref<24x256x128xf32, #tpu.memory_space<vmem>>, vector<1x256x128xf32>
    %get3A_301 = vector.shape_cast %get3A_300 : vector<1x256x128xf32> to vector<256x128xf32>
    %get3A_302 = arith.constant 23 : index
    %get3A_303 = arith.constant 0 : index
    %get3A_304 = arith.constant 0 : index
    %get3A_305 = vector.load %arg1[%get3A_302, %get3A_303, %get3A_304] : memref<24x128x256xf32, #tpu.memory_space<vmem>>, vector<1x128x256xf32>
    %get3A_306 = vector.shape_cast %get3A_305 : vector<1x128x256xf32> to vector<128x256xf32>
    %dot_general3A_307 = arith.constant dense<0.000000e+00> : vector<256x256xf32>
    %dot_general3A_308 = tpu.matmul %get3A_301, %get3A_306, %dot_general3A_307 {dimension_numbers = #tpu.dot_dimension_numbers<[1], [0], [0], [1], [0, 0, 1, 1], [], []>, transpose_lhs_hint = false} : vector<256x128xf32>, vector<128x256xf32>, vector<256x256xf32> -> vector<256x256xf32>
    %add3A_309 = arith.addf %add3A_296, %dot_general3A_308 : vector<256x256xf32>
    %get3A_310 = arith.constant 0 : index
    %get3A_311 = arith.constant 0 : index
    %get3A_312 = vector.load %arg2[%get3A_310, %get3A_311] : memref<1x256xf32, #tpu.memory_space<vmem>>, vector<1x256xf32>
    %add3A_313 = vector.broadcast %get3A_312 : vector<1x256xf32> to vector<256x256xf32>
    %add3A_314 = arith.addf %add3A_309, %add3A_313 : vector<256x256xf32>
    %transpose3A = tpu.transpose %add3A_314, [1, 0] : vector<256x256xf32> -> vector<256x256xf32>
    %swap3A = arith.constant 0 : index
    %swap3A_315 = arith.constant 0 : index
    %swap3A_316 = vector.load %arg8[%swap3A, %swap3A_315] : memref<256x256xf32, #tpu.memory_space<vmem>>, vector<256x256xf32>
    tpu.vector_store %arg8[%swap3A, %swap3A_315], %transpose3A {strides = array<i32>} : memref<256x256xf32, #tpu.memory_space<vmem>>, vector<256x256xf32>,
    %max3A = arith.constant 0.000000e+00 : f32
    %max3A_317 = vector.broadcast %max3A : f32 to vector<256x256xf32>
    %max3A_318 = arith.maximumf %transpose3A, %max3A_317 : vector<256x256xf32>
    %get3A_319 = arith.constant 0 : index
    %get3A_320 = arith.constant 0 : index
    %get3A_321 = vector.load %arg3[%get3A_319, %get3A_320] : memref<256x256xf32, #tpu.memory_space<vmem>>, vector<256x256xf32>
    %dot_general3A_322 = arith.constant dense<0.000000e+00> : vector<256x256xf32>
    %dot_general3A_323 = tpu.matmul %get3A_321, %max3A_318, %dot_general3A_322 {dimension_numbers = #tpu.dot_dimension_numbers<[1], [0], [0], [1], [0, 0, 1, 1], [], []>, transpose_lhs_hint = false} : vector<256x256xf32>, vector<256x256xf32>, vector<256x256xf32> -> vector<256x256xf32>
    %get3A_324 = arith.constant 0 : index
    %get3A_325 = arith.constant 0 : index
    %get3A_326 = vector.load %arg4[%get3A_324, %get3A_325] : memref<256x1xf32, #tpu.memory_space<vmem>>, vector<256x1xf32>
    %add3A_327 = vector.broadcast %get3A_326 : vector<256x1xf32> to vector<256x256xf32>
    %add3A_328 = arith.addf %dot_general3A_323, %add3A_327 : vector<256x256xf32>
    %max3A_329 = arith.constant 0.000000e+00 : f32
    %max3A_330 = vector.broadcast %max3A_329 : f32 to vector<256x256xf32>
    %max3A_331 = arith.maximumf %add3A_328, %max3A_330 : vector<256x256xf32>
    %get3A_332 = arith.constant 0 : index
    %get3A_333 = arith.constant 0 : index
    %get3A_334 = vector.load %arg5[%get3A_332, %get3A_333] : memref<210x256xf32, #tpu.memory_space<vmem>>, vector<210x256xf32>
    %dot_general3A_335 = arith.constant dense<0.000000e+00> : vector<210x256xf32>
    %dot_general3A_336 = tpu.matmul %get3A_334, %max3A_331, %dot_general3A_335 {dimension_numbers = #tpu.dot_dimension_numbers<[1], [0], [0], [1], [0, 0, 1, 1], [], []>, transpose_lhs_hint = false} : vector<210x256xf32>, vector<256x256xf32>, vector<210x256xf32> -> vector<210x256xf32>
    %get3A_337 = arith.constant 0 : index
    %get3A_338 = arith.constant 0 : index
    %get3A_339 = vector.load %arg6[%get3A_337, %get3A_338] : memref<210x1xf32, #tpu.memory_space<vmem>>, vector<210x1xf32>
    %add3A_340 = vector.broadcast %get3A_339 : vector<210x1xf32> to vector<210x256xf32>
    %add3A_341 = arith.addf %dot_general3A_336, %add3A_340 : vector<210x256xf32>
    %swap3A_342 = arith.constant 0 : index
    %swap3A_343 = arith.constant 0 : index
    %swap3A_344 = vector.load %arg7[%swap3A_342, %swap3A_343] : memref<210x256xf32, #tpu.memory_space<vmem>>, vector<210x256xf32>
    tpu.vector_store %arg7[%swap3A_342, %swap3A_343], %add3A_341 {strides = array<i32>} : memref<210x256xf32, #tpu.memory_space<vmem>>, vector<210x256xf32>,
    return
  }
}

module attributes {stable_mosaic.version = 14 : i64} {
  func.func @_main_body(%arg0: i32, %arg1: memref<64x192x128xf32, #tpu.memory_space<vmem>>, %arg2: memref<2x192x192xf32, #tpu.memory_space<vmem>>, %arg3: memref<64x128xf32, #tpu.memory_space<vmem>>, %arg4: memref<64x1xf32, #tpu.memory_space<vmem>>, %arg5: memref<32x64xf32, #tpu.memory_space<vmem>>, %arg6: memref<32x1xf32, #tpu.memory_space<vmem>>, %arg7: memref<7x32x32xf32, #tpu.memory_space<vmem>>, %arg8: memref<1x32xf32, #tpu.memory_space<vmem>>, %arg9: memref<5x32x64xf32, #tpu.memory_space<vmem>>, %arg10: memref<1x64xf32, #tpu.memory_space<vmem>>, %arg11: memref<3x64x128xf32, #tpu.memory_space<vmem>>, %arg12: memref<1x128xf32, #tpu.memory_space<vmem>>, %arg13: memref<24x64x128xf32, #tpu.memory_space<vmem>>, %arg14: memref<192x192xf32, #tpu.memory_space<vmem>>, %arg15: memref<4096x192xf32, #tpu.memory_space<vmem>>, %arg16: memref<2048x192xf32, #tpu.memory_space<vmem>>, %arg17: memref<192x64x32xf32, #tpu.memory_space<vmem>>) attributes {dimension_semantics = [#tpu.dimension_semantics<arbitrary>], iteration_bounds = array<i64: 4>, scalar_prefetch = 0 : i64, scratch_operands = 4 : i64, tpu.core_type = #tpu.core_type<tc>, window_params = [{transform_indices = @transform_0, window_bounds = array<i64: 64, 192, 128>}, {pipeline_mode = #tpu.pipeline_mode<synchronous>, transform_indices = @transform_1, window_bounds = array<i64: 2, 192, 192>}, {pipeline_mode = #tpu.pipeline_mode<synchronous>, transform_indices = @transform_2, window_bounds = array<i64: 64, 128>}, {pipeline_mode = #tpu.pipeline_mode<synchronous>, transform_indices = @transform_3, window_bounds = array<i64: 64, 1>}, {pipeline_mode = #tpu.pipeline_mode<synchronous>, transform_indices = @transform_4, window_bounds = array<i64: 32, 64>}, {pipeline_mode = #tpu.pipeline_mode<synchronous>, transform_indices = @transform_5, window_bounds = array<i64: 32, 1>}, {pipeline_mode = #tpu.pipeline_mode<synchronous>, transform_indices = @transform_6, window_bounds = array<i64: 7, 32, 32>}, {pipeline_mode = #tpu.pipeline_mode<synchronous>, transform_indices = @transform_7, window_bounds = array<i64: 1, 32>}, {pipeline_mode = #tpu.pipeline_mode<synchronous>, transform_indices = @transform_8, window_bounds = array<i64: 5, 32, 64>}, {pipeline_mode = #tpu.pipeline_mode<synchronous>, transform_indices = @transform_9, window_bounds = array<i64: 1, 64>}, {pipeline_mode = #tpu.pipeline_mode<synchronous>, transform_indices = @transform_10, window_bounds = array<i64: 3, 64, 128>}, {pipeline_mode = #tpu.pipeline_mode<synchronous>, transform_indices = @transform_11, window_bounds = array<i64: 1, 128>}, {transform_indices = @transform_12, window_bounds = array<i64: 24, 64, 128>}]} {
    %eq3A = arith.constant 0 : i32
    %eq3A_0 = arith.cmpi eq, %arg0, %eq3A : i32
    %convert_element_type3A = arith.extui %eq3A_0 : i1 to i32
    %cond3A = arith.constant 0 : i32
    %cond3A_1 = arith.cmpi ne, %convert_element_type3A, %cond3A : i32
    scf.if %cond3A_1 {
      %get3A_2042 = arith.constant 0 : index
      %get3A_2043 = arith.constant 0 : index
      %get3A_2044 = arith.constant 0 : index
      %get3A_2045 = vector.load %arg2[%get3A_2042, %get3A_2043, %get3A_2044] : memref<2x192x192xf32, #tpu.memory_space<vmem>>, vector<1x192x192xf32>
      %get3A_2046 = vector.shape_cast %get3A_2045 : vector<1x192x192xf32> to vector<192x192xf32>
      %get3A_2047 = arith.constant 1 : index
      %get3A_2048 = arith.constant 0 : index
      %get3A_2049 = arith.constant 0 : index
      %get3A_2050 = vector.load %arg2[%get3A_2047, %get3A_2048, %get3A_2049] : memref<2x192x192xf32, #tpu.memory_space<vmem>>, vector<1x192x192xf32>
      %get3A_2051 = vector.shape_cast %get3A_2050 : vector<1x192x192xf32> to vector<192x192xf32>
      %add3A_2052 = arith.addf %get3A_2046, %get3A_2051 : vector<192x192xf32>
      %iota3A = tpu.iota {dimensions = array<i32: 0>} : vector<192x192xi32>
      %iota3A_2053 = tpu.iota {dimensions = array<i32: 1>} : vector<192x192xi32>
      %eq3A_2054 = arith.cmpi eq, %iota3A, %iota3A_2053 : vector<192x192xi32>
      %convert_element_type3A_2055 = arith.extui %eq3A_2054 : vector<192x192xi1> to vector<192x192xi32>
      %convert_element_type3A_2056 = arith.sitofp %convert_element_type3A_2055 : vector<192x192xi32> to vector<192x192xf32>
      %add3A_2057 = arith.addf %add3A_2052, %convert_element_type3A_2056 : vector<192x192xf32>
      %transpose3A_2058 = tpu.transpose %add3A_2057, [1, 0] : vector<192x192xf32> -> vector<192x192xf32>
      %reduce_sum3A = arith.constant dense<0.000000e+00> : vector<192xf32>
      %reduce_sum3A_2059 = vector.multi_reduction <add>, %add3A_2057, %reduce_sum3A [1] : vector<192x192xf32> to vector<192xf32>
      %broadcast_in_dim3A_2060 = vector.shape_cast %reduce_sum3A_2059 : vector<192xf32> to vector<192x1xf32>
      %reduce_sum3A_2061 = arith.constant dense<0.000000e+00> : vector<192xf32>
      %reduce_sum3A_2062 = vector.multi_reduction <add>, %transpose3A_2058, %reduce_sum3A_2061 [0] : vector<192x192xf32> to vector<192xf32>
      %broadcast_in_dim3A_2063 = vector.shape_cast %reduce_sum3A_2062 : vector<192xf32> to vector<1x192xf32>
      %rsqrt3A = math.rsqrt %broadcast_in_dim3A_2060 : vector<192x1xf32>
      %mul3A = vector.broadcast %rsqrt3A : vector<192x1xf32> to vector<192x192xf32>
      %mul3A_2064 = arith.mulf %transpose3A_2058, %mul3A : vector<192x192xf32>
      %rsqrt3A_2065 = math.rsqrt %broadcast_in_dim3A_2063 : vector<1x192xf32>
      %mul3A_2066 = vector.broadcast %rsqrt3A_2065 : vector<1x192xf32> to vector<192x192xf32>
      %mul3A_2067 = arith.mulf %mul3A_2064, %mul3A_2066 : vector<192x192xf32>
      %swap3A_2068 = arith.constant 0 : index
      %swap3A_2069 = arith.constant 0 : index
      %swap3A_2070 = vector.load %arg14[%swap3A_2068, %swap3A_2069] : memref<192x192xf32, #tpu.memory_space<vmem>>, vector<192x192xf32>
      tpu.vector_store %arg14[%swap3A_2068, %swap3A_2069], %mul3A_2067 {strides = array<i32>} : memref<192x192xf32, #tpu.memory_space<vmem>>, vector<192x192xf32>,
    } else {
    }
    %get3A = arith.constant 0 : index
    %get3A_2 = arith.constant 0 : index
    %get3A_3 = vector.load %arg14[%get3A, %get3A_2] : memref<192x192xf32, #tpu.memory_space<vmem>>, vector<192x192xf32>
    %get3A_4 = arith.constant 0 : index
    %get3A_5 = arith.constant 0 : index
    %get3A_6 = vector.load %arg3[%get3A_4, %get3A_5] : memref<64x128xf32, #tpu.memory_space<vmem>>, vector<64x128xf32>
    %get3A_7 = arith.constant 0 : index
    %get3A_8 = arith.constant 0 : index
    %get3A_9 = vector.load %arg5[%get3A_7, %get3A_8] : memref<32x64xf32, #tpu.memory_space<vmem>>, vector<32x64xf32>
    %get3A_10 = arith.constant 0 : index
    %get3A_11 = arith.constant 0 : index
    %get3A_12 = arith.constant 0 : index
    %get3A_13 = vector.load %arg1[%get3A_10, %get3A_11, %get3A_12] : memref<64x192x128xf32, #tpu.memory_space<vmem>>, vector<1x192x128xf32>
    %get3A_14 = vector.shape_cast %get3A_13 : vector<1x192x128xf32> to vector<192x128xf32>
    %dot_general3A = arith.constant dense<0.000000e+00> : vector<64x192xf32>
    %dot_general3A_15 = tpu.matmul %get3A_6, %get3A_14, %dot_general3A {dimension_numbers = #tpu.dot_dimension_numbers<[1], [1], [0], [0], [0, 0, 1, 0], [], []>, transpose_lhs_hint = false} : vector<64x128xf32>, vector<192x128xf32>, vector<64x192xf32> -> vector<64x192xf32>
    %swap3A = arith.constant 0 : index
    %swap3A_16 = arith.constant 0 : index
    %swap3A_17 = vector.load %arg15[%swap3A, %swap3A_16] : memref<4096x192xf32, #tpu.memory_space<vmem>>, vector<64x192xf32>
    tpu.vector_store %arg15[%swap3A, %swap3A_16], %dot_general3A_15 {strides = array<i32>} : memref<4096x192xf32, #tpu.memory_space<vmem>>, vector<64x192xf32>,
    %get3A_18 = arith.constant 1 : index
    %get3A_19 = arith.constant 0 : index
    %get3A_20 = arith.constant 0 : index
    %get3A_21 = vector.load %arg1[%get3A_18, %get3A_19, %get3A_20] : memref<64x192x128xf32, #tpu.memory_space<vmem>>, vector<1x192x128xf32>
    %get3A_22 = vector.shape_cast %get3A_21 : vector<1x192x128xf32> to vector<192x128xf32>
    %dot_general3A_23 = arith.constant dense<0.000000e+00> : vector<64x192xf32>
    %dot_general3A_24 = tpu.matmul %get3A_6, %get3A_22, %dot_general3A_23 {dimension_numbers = #tpu.dot_dimension_numbers<[1], [1], [0], [0], [0, 0, 1, 0], [], []>, transpose_lhs_hint = false} : vector<64x128xf32>, vector<192x128xf32>, vector<64x192xf32> -> vector<64x192xf32>
    %swap3A_25 = arith.constant 64 : index
    %swap3A_26 = arith.constant 0 : index
    %swap3A_27 = vector.load %arg15[%swap3A_25, %swap3A_26] : memref<4096x192xf32, #tpu.memory_space<vmem>>, vector<64x192xf32>
    tpu.vector_store %arg15[%swap3A_25, %swap3A_26], %dot_general3A_24 {strides = array<i32>} : memref<4096x192xf32, #tpu.memory_space<vmem>>, vector<64x192xf32>,
    %get3A_28 = arith.constant 2 : index
    %get3A_29 = arith.constant 0 : index
    %get3A_30 = arith.constant 0 : index
    %get3A_31 = vector.load %arg1[%get3A_28, %get3A_29, %get3A_30] : memref<64x192x128xf32, #tpu.memory_space<vmem>>, vector<1x192x128xf32>
    %get3A_32 = vector.shape_cast %get3A_31 : vector<1x192x128xf32> to vector<192x128xf32>
    %dot_general3A_33 = arith.constant dense<0.000000e+00> : vector<64x192xf32>
    %dot_general3A_34 = tpu.matmul %get3A_6, %get3A_32, %dot_general3A_33 {dimension_numbers = #tpu.dot_dimension_numbers<[1], [1], [0], [0], [0, 0, 1, 0], [], []>, transpose_lhs_hint = false} : vector<64x128xf32>, vector<192x128xf32>, vector<64x192xf32> -> vector<64x192xf32>
    %swap3A_35 = arith.constant 128 : index
    %swap3A_36 = arith.constant 0 : index
    %swap3A_37 = vector.load %arg15[%swap3A_35, %swap3A_36] : memref<4096x192xf32, #tpu.memory_space<vmem>>, vector<64x192xf32>
    tpu.vector_store %arg15[%swap3A_35, %swap3A_36], %dot_general3A_34 {strides = array<i32>} : memref<4096x192xf32, #tpu.memory_space<vmem>>, vector<64x192xf32>,
    %get3A_38 = arith.constant 3 : index
    %get3A_39 = arith.constant 0 : index
    %get3A_40 = arith.constant 0 : index
    %get3A_41 = vector.load %arg1[%get3A_38, %get3A_39, %get3A_40] : memref<64x192x128xf32, #tpu.memory_space<vmem>>, vector<1x192x128xf32>
    %get3A_42 = vector.shape_cast %get3A_41 : vector<1x192x128xf32> to vector<192x128xf32>
    %dot_general3A_43 = arith.constant dense<0.000000e+00> : vector<64x192xf32>
    %dot_general3A_44 = tpu.matmul %get3A_6, %get3A_42, %dot_general3A_43 {dimension_numbers = #tpu.dot_dimension_numbers<[1], [1], [0], [0], [0, 0, 1, 0], [], []>, transpose_lhs_hint = false} : vector<64x128xf32>, vector<192x128xf32>, vector<64x192xf32> -> vector<64x192xf32>
    %swap3A_45 = arith.constant 192 : index
    %swap3A_46 = arith.constant 0 : index
    %swap3A_47 = vector.load %arg15[%swap3A_45, %swap3A_46] : memref<4096x192xf32, #tpu.memory_space<vmem>>, vector<64x192xf32>
    tpu.vector_store %arg15[%swap3A_45, %swap3A_46], %dot_general3A_44 {strides = array<i32>} : memref<4096x192xf32, #tpu.memory_space<vmem>>, vector<64x192xf32>,
    %get3A_48 = arith.constant 4 : index
    %get3A_49 = arith.constant 0 : index
    %get3A_50 = arith.constant 0 : index
    %get3A_51 = vector.load %arg1[%get3A_48, %get3A_49, %get3A_50] : memref<64x192x128xf32, #tpu.memory_space<vmem>>, vector<1x192x128xf32>
    %get3A_52 = vector.shape_cast %get3A_51 : vector<1x192x128xf32> to vector<192x128xf32>
    %dot_general3A_53 = arith.constant dense<0.000000e+00> : vector<64x192xf32>
    %dot_general3A_54 = tpu.matmul %get3A_6, %get3A_52, %dot_general3A_53 {dimension_numbers = #tpu.dot_dimension_numbers<[1], [1], [0], [0], [0, 0, 1, 0], [], []>, transpose_lhs_hint = false} : vector<64x128xf32>, vector<192x128xf32>, vector<64x192xf32> -> vector<64x192xf32>
    %swap3A_55 = arith.constant 256 : index
    %swap3A_56 = arith.constant 0 : index
    %swap3A_57 = vector.load %arg15[%swap3A_55, %swap3A_56] : memref<4096x192xf32, #tpu.memory_space<vmem>>, vector<64x192xf32>
    tpu.vector_store %arg15[%swap3A_55, %swap3A_56], %dot_general3A_54 {strides = array<i32>} : memref<4096x192xf32, #tpu.memory_space<vmem>>, vector<64x192xf32>,
    %get3A_58 = arith.constant 5 : index
    %get3A_59 = arith.constant 0 : index
    %get3A_60 = arith.constant 0 : index
    %get3A_61 = vector.load %arg1[%get3A_58, %get3A_59, %get3A_60] : memref<64x192x128xf32, #tpu.memory_space<vmem>>, vector<1x192x128xf32>
    %get3A_62 = vector.shape_cast %get3A_61 : vector<1x192x128xf32> to vector<192x128xf32>
    %dot_general3A_63 = arith.constant dense<0.000000e+00> : vector<64x192xf32>
    %dot_general3A_64 = tpu.matmul %get3A_6, %get3A_62, %dot_general3A_63 {dimension_numbers = #tpu.dot_dimension_numbers<[1], [1], [0], [0], [0, 0, 1, 0], [], []>, transpose_lhs_hint = false} : vector<64x128xf32>, vector<192x128xf32>, vector<64x192xf32> -> vector<64x192xf32>
    %swap3A_65 = arith.constant 320 : index
    %swap3A_66 = arith.constant 0 : index
    %swap3A_67 = vector.load %arg15[%swap3A_65, %swap3A_66] : memref<4096x192xf32, #tpu.memory_space<vmem>>, vector<64x192xf32>
    tpu.vector_store %arg15[%swap3A_65, %swap3A_66], %dot_general3A_64 {strides = array<i32>} : memref<4096x192xf32, #tpu.memory_space<vmem>>, vector<64x192xf32>,
    %get3A_68 = arith.constant 6 : index
    %get3A_69 = arith.constant 0 : index
    %get3A_70 = arith.constant 0 : index
    %get3A_71 = vector.load %arg1[%get3A_68, %get3A_69, %get3A_70] : memref<64x192x128xf32, #tpu.memory_space<vmem>>, vector<1x192x128xf32>
    %get3A_72 = vector.shape_cast %get3A_71 : vector<1x192x128xf32> to vector<192x128xf32>
    %dot_general3A_73 = arith.constant dense<0.000000e+00> : vector<64x192xf32>
    %dot_general3A_74 = tpu.matmul %get3A_6, %get3A_72, %dot_general3A_73 {dimension_numbers = #tpu.dot_dimension_numbers<[1], [1], [0], [0], [0, 0, 1, 0], [], []>, transpose_lhs_hint = false} : vector<64x128xf32>, vector<192x128xf32>, vector<64x192xf32> -> vector<64x192xf32>
    %swap3A_75 = arith.constant 384 : index
    %swap3A_76 = arith.constant 0 : index
    %swap3A_77 = vector.load %arg15[%swap3A_75, %swap3A_76] : memref<4096x192xf32, #tpu.memory_space<vmem>>, vector<64x192xf32>
    tpu.vector_store %arg15[%swap3A_75, %swap3A_76], %dot_general3A_74 {strides = array<i32>} : memref<4096x192xf32, #tpu.memory_space<vmem>>, vector<64x192xf32>,
    %get3A_78 = arith.constant 7 : index
    %get3A_79 = arith.constant 0 : index
    %get3A_80 = arith.constant 0 : index
    %get3A_81 = vector.load %arg1[%get3A_78, %get3A_79, %get3A_80] : memref<64x192x128xf32, #tpu.memory_space<vmem>>, vector<1x192x128xf32>
    %get3A_82 = vector.shape_cast %get3A_81 : vector<1x192x128xf32> to vector<192x128xf32>
    %dot_general3A_83 = arith.constant dense<0.000000e+00> : vector<64x192xf32>
    %dot_general3A_84 = tpu.matmul %get3A_6, %get3A_82, %dot_general3A_83 {dimension_numbers = #tpu.dot_dimension_numbers<[1], [1], [0], [0], [0, 0, 1, 0], [], []>, transpose_lhs_hint = false} : vector<64x128xf32>, vector<192x128xf32>, vector<64x192xf32> -> vector<64x192xf32>
    %swap3A_85 = arith.constant 448 : index
    %swap3A_86 = arith.constant 0 : index
    %swap3A_87 = vector.load %arg15[%swap3A_85, %swap3A_86] : memref<4096x192xf32, #tpu.memory_space<vmem>>, vector<64x192xf32>
    tpu.vector_store %arg15[%swap3A_85, %swap3A_86], %dot_general3A_84 {strides = array<i32>} : memref<4096x192xf32, #tpu.memory_space<vmem>>, vector<64x192xf32>,
    %get3A_88 = arith.constant 8 : index
    %get3A_89 = arith.constant 0 : index
    %get3A_90 = arith.constant 0 : index
    %get3A_91 = vector.load %arg1[%get3A_88, %get3A_89, %get3A_90] : memref<64x192x128xf32, #tpu.memory_space<vmem>>, vector<1x192x128xf32>
    %get3A_92 = vector.shape_cast %get3A_91 : vector<1x192x128xf32> to vector<192x128xf32>
    %dot_general3A_93 = arith.constant dense<0.000000e+00> : vector<64x192xf32>
    %dot_general3A_94 = tpu.matmul %get3A_6, %get3A_92, %dot_general3A_93 {dimension_numbers = #tpu.dot_dimension_numbers<[1], [1], [0], [0], [0, 0, 1, 0], [], []>, transpose_lhs_hint = false} : vector<64x128xf32>, vector<192x128xf32>, vector<64x192xf32> -> vector<64x192xf32>
    %swap3A_95 = arith.constant 512 : index
    %swap3A_96 = arith.constant 0 : index
    %swap3A_97 = vector.load %arg15[%swap3A_95, %swap3A_96] : memref<4096x192xf32, #tpu.memory_space<vmem>>, vector<64x192xf32>
    tpu.vector_store %arg15[%swap3A_95, %swap3A_96], %dot_general3A_94 {strides = array<i32>} : memref<4096x192xf32, #tpu.memory_space<vmem>>, vector<64x192xf32>,
    %get3A_98 = arith.constant 9 : index
    %get3A_99 = arith.constant 0 : index
    %get3A_100 = arith.constant 0 : index
    %get3A_101 = vector.load %arg1[%get3A_98, %get3A_99, %get3A_100] : memref<64x192x128xf32, #tpu.memory_space<vmem>>, vector<1x192x128xf32>
    %get3A_102 = vector.shape_cast %get3A_101 : vector<1x192x128xf32> to vector<192x128xf32>
    %dot_general3A_103 = arith.constant dense<0.000000e+00> : vector<64x192xf32>
    %dot_general3A_104 = tpu.matmul %get3A_6, %get3A_102, %dot_general3A_103 {dimension_numbers = #tpu.dot_dimension_numbers<[1], [1], [0], [0], [0, 0, 1, 0], [], []>, transpose_lhs_hint = false} : vector<64x128xf32>, vector<192x128xf32>, vector<64x192xf32> -> vector<64x192xf32>
    %swap3A_105 = arith.constant 576 : index
    %swap3A_106 = arith.constant 0 : index
    %swap3A_107 = vector.load %arg15[%swap3A_105, %swap3A_106] : memref<4096x192xf32, #tpu.memory_space<vmem>>, vector<64x192xf32>
    tpu.vector_store %arg15[%swap3A_105, %swap3A_106], %dot_general3A_104 {strides = array<i32>} : memref<4096x192xf32, #tpu.memory_space<vmem>>, vector<64x192xf32>,
    %get3A_108 = arith.constant 10 : index
    %get3A_109 = arith.constant 0 : index
    %get3A_110 = arith.constant 0 : index
    %get3A_111 = vector.load %arg1[%get3A_108, %get3A_109, %get3A_110] : memref<64x192x128xf32, #tpu.memory_space<vmem>>, vector<1x192x128xf32>
    %get3A_112 = vector.shape_cast %get3A_111 : vector<1x192x128xf32> to vector<192x128xf32>
    %dot_general3A_113 = arith.constant dense<0.000000e+00> : vector<64x192xf32>
    %dot_general3A_114 = tpu.matmul %get3A_6, %get3A_112, %dot_general3A_113 {dimension_numbers = #tpu.dot_dimension_numbers<[1], [1], [0], [0], [0, 0, 1, 0], [], []>, transpose_lhs_hint = false} : vector<64x128xf32>, vector<192x128xf32>, vector<64x192xf32> -> vector<64x192xf32>
    %swap3A_115 = arith.constant 640 : index
    %swap3A_116 = arith.constant 0 : index
    %swap3A_117 = vector.load %arg15[%swap3A_115, %swap3A_116] : memref<4096x192xf32, #tpu.memory_space<vmem>>, vector<64x192xf32>
    tpu.vector_store %arg15[%swap3A_115, %swap3A_116], %dot_general3A_114 {strides = array<i32>} : memref<4096x192xf32, #tpu.memory_space<vmem>>, vector<64x192xf32>,
    %get3A_118 = arith.constant 11 : index
    %get3A_119 = arith.constant 0 : index
    %get3A_120 = arith.constant 0 : index
    %get3A_121 = vector.load %arg1[%get3A_118, %get3A_119, %get3A_120] : memref<64x192x128xf32, #tpu.memory_space<vmem>>, vector<1x192x128xf32>
    %get3A_122 = vector.shape_cast %get3A_121 : vector<1x192x128xf32> to vector<192x128xf32>
    %dot_general3A_123 = arith.constant dense<0.000000e+00> : vector<64x192xf32>
    %dot_general3A_124 = tpu.matmul %get3A_6, %get3A_122, %dot_general3A_123 {dimension_numbers = #tpu.dot_dimension_numbers<[1], [1], [0], [0], [0, 0, 1, 0], [], []>, transpose_lhs_hint = false} : vector<64x128xf32>, vector<192x128xf32>, vector<64x192xf32> -> vector<64x192xf32>
    %swap3A_125 = arith.constant 704 : index
    %swap3A_126 = arith.constant 0 : index
    %swap3A_127 = vector.load %arg15[%swap3A_125, %swap3A_126] : memref<4096x192xf32, #tpu.memory_space<vmem>>, vector<64x192xf32>
    tpu.vector_store %arg15[%swap3A_125, %swap3A_126], %dot_general3A_124 {strides = array<i32>} : memref<4096x192xf32, #tpu.memory_space<vmem>>, vector<64x192xf32>,
    %get3A_128 = arith.constant 12 : index
    %get3A_129 = arith.constant 0 : index
    %get3A_130 = arith.constant 0 : index
    %get3A_131 = vector.load %arg1[%get3A_128, %get3A_129, %get3A_130] : memref<64x192x128xf32, #tpu.memory_space<vmem>>, vector<1x192x128xf32>
    %get3A_132 = vector.shape_cast %get3A_131 : vector<1x192x128xf32> to vector<192x128xf32>
    %dot_general3A_133 = arith.constant dense<0.000000e+00> : vector<64x192xf32>
    %dot_general3A_134 = tpu.matmul %get3A_6, %get3A_132, %dot_general3A_133 {dimension_numbers = #tpu.dot_dimension_numbers<[1], [1], [0], [0], [0, 0, 1, 0], [], []>, transpose_lhs_hint = false} : vector<64x128xf32>, vector<192x128xf32>, vector<64x192xf32> -> vector<64x192xf32>
    %swap3A_135 = arith.constant 768 : index
    %swap3A_136 = arith.constant 0 : index
    %swap3A_137 = vector.load %arg15[%swap3A_135, %swap3A_136] : memref<4096x192xf32, #tpu.memory_space<vmem>>, vector<64x192xf32>
    tpu.vector_store %arg15[%swap3A_135, %swap3A_136], %dot_general3A_134 {strides = array<i32>} : memref<4096x192xf32, #tpu.memory_space<vmem>>, vector<64x192xf32>,
    %get3A_138 = arith.constant 13 : index
    %get3A_139 = arith.constant 0 : index
    %get3A_140 = arith.constant 0 : index
    %get3A_141 = vector.load %arg1[%get3A_138, %get3A_139, %get3A_140] : memref<64x192x128xf32, #tpu.memory_space<vmem>>, vector<1x192x128xf32>
    %get3A_142 = vector.shape_cast %get3A_141 : vector<1x192x128xf32> to vector<192x128xf32>
    %dot_general3A_143 = arith.constant dense<0.000000e+00> : vector<64x192xf32>
    %dot_general3A_144 = tpu.matmul %get3A_6, %get3A_142, %dot_general3A_143 {dimension_numbers = #tpu.dot_dimension_numbers<[1], [1], [0], [0], [0, 0, 1, 0], [], []>, transpose_lhs_hint = false} : vector<64x128xf32>, vector<192x128xf32>, vector<64x192xf32> -> vector<64x192xf32>
    %swap3A_145 = arith.constant 832 : index
    %swap3A_146 = arith.constant 0 : index
    %swap3A_147 = vector.load %arg15[%swap3A_145, %swap3A_146] : memref<4096x192xf32, #tpu.memory_space<vmem>>, vector<64x192xf32>
    tpu.vector_store %arg15[%swap3A_145, %swap3A_146], %dot_general3A_144 {strides = array<i32>} : memref<4096x192xf32, #tpu.memory_space<vmem>>, vector<64x192xf32>,
    %get3A_148 = arith.constant 14 : index
    %get3A_149 = arith.constant 0 : index
    %get3A_150 = arith.constant 0 : index
    %get3A_151 = vector.load %arg1[%get3A_148, %get3A_149, %get3A_150] : memref<64x192x128xf32, #tpu.memory_space<vmem>>, vector<1x192x128xf32>
    %get3A_152 = vector.shape_cast %get3A_151 : vector<1x192x128xf32> to vector<192x128xf32>
    %dot_general3A_153 = arith.constant dense<0.000000e+00> : vector<64x192xf32>
    %dot_general3A_154 = tpu.matmul %get3A_6, %get3A_152, %dot_general3A_153 {dimension_numbers = #tpu.dot_dimension_numbers<[1], [1], [0], [0], [0, 0, 1, 0], [], []>, transpose_lhs_hint = false} : vector<64x128xf32>, vector<192x128xf32>, vector<64x192xf32> -> vector<64x192xf32>
    %swap3A_155 = arith.constant 896 : index
    %swap3A_156 = arith.constant 0 : index
    %swap3A_157 = vector.load %arg15[%swap3A_155, %swap3A_156] : memref<4096x192xf32, #tpu.memory_space<vmem>>, vector<64x192xf32>
    tpu.vector_store %arg15[%swap3A_155, %swap3A_156], %dot_general3A_154 {strides = array<i32>} : memref<4096x192xf32, #tpu.memory_space<vmem>>, vector<64x192xf32>,
    %get3A_158 = arith.constant 15 : index
    %get3A_159 = arith.constant 0 : index
    %get3A_160 = arith.constant 0 : index
    %get3A_161 = vector.load %arg1[%get3A_158, %get3A_159, %get3A_160] : memref<64x192x128xf32, #tpu.memory_space<vmem>>, vector<1x192x128xf32>
    %get3A_162 = vector.shape_cast %get3A_161 : vector<1x192x128xf32> to vector<192x128xf32>
    %dot_general3A_163 = arith.constant dense<0.000000e+00> : vector<64x192xf32>
    %dot_general3A_164 = tpu.matmul %get3A_6, %get3A_162, %dot_general3A_163 {dimension_numbers = #tpu.dot_dimension_numbers<[1], [1], [0], [0], [0, 0, 1, 0], [], []>, transpose_lhs_hint = false} : vector<64x128xf32>, vector<192x128xf32>, vector<64x192xf32> -> vector<64x192xf32>
    %swap3A_165 = arith.constant 960 : index
    %swap3A_166 = arith.constant 0 : index
    %swap3A_167 = vector.load %arg15[%swap3A_165, %swap3A_166] : memref<4096x192xf32, #tpu.memory_space<vmem>>, vector<64x192xf32>
    tpu.vector_store %arg15[%swap3A_165, %swap3A_166], %dot_general3A_164 {strides = array<i32>} : memref<4096x192xf32, #tpu.memory_space<vmem>>, vector<64x192xf32>,
    %get3A_168 = arith.constant 16 : index
    %get3A_169 = arith.constant 0 : index
    %get3A_170 = arith.constant 0 : index
    %get3A_171 = vector.load %arg1[%get3A_168, %get3A_169, %get3A_170] : memref<64x192x128xf32, #tpu.memory_space<vmem>>, vector<1x192x128xf32>
    %get3A_172 = vector.shape_cast %get3A_171 : vector<1x192x128xf32> to vector<192x128xf32>
    %dot_general3A_173 = arith.constant dense<0.000000e+00> : vector<64x192xf32>
    %dot_general3A_174 = tpu.matmul %get3A_6, %get3A_172, %dot_general3A_173 {dimension_numbers = #tpu.dot_dimension_numbers<[1], [1], [0], [0], [0, 0, 1, 0], [], []>, transpose_lhs_hint = false} : vector<64x128xf32>, vector<192x128xf32>, vector<64x192xf32> -> vector<64x192xf32>
    %swap3A_175 = arith.constant 1024 : index
    %swap3A_176 = arith.constant 0 : index
    %swap3A_177 = vector.load %arg15[%swap3A_175, %swap3A_176] : memref<4096x192xf32, #tpu.memory_space<vmem>>, vector<64x192xf32>
    tpu.vector_store %arg15[%swap3A_175, %swap3A_176], %dot_general3A_174 {strides = array<i32>} : memref<4096x192xf32, #tpu.memory_space<vmem>>, vector<64x192xf32>,
    %get3A_178 = arith.constant 17 : index
    %get3A_179 = arith.constant 0 : index
    %get3A_180 = arith.constant 0 : index
    %get3A_181 = vector.load %arg1[%get3A_178, %get3A_179, %get3A_180] : memref<64x192x128xf32, #tpu.memory_space<vmem>>, vector<1x192x128xf32>
    %get3A_182 = vector.shape_cast %get3A_181 : vector<1x192x128xf32> to vector<192x128xf32>
    %dot_general3A_183 = arith.constant dense<0.000000e+00> : vector<64x192xf32>
    %dot_general3A_184 = tpu.matmul %get3A_6, %get3A_182, %dot_general3A_183 {dimension_numbers = #tpu.dot_dimension_numbers<[1], [1], [0], [0], [0, 0, 1, 0], [], []>, transpose_lhs_hint = false} : vector<64x128xf32>, vector<192x128xf32>, vector<64x192xf32> -> vector<64x192xf32>
    %swap3A_185 = arith.constant 1088 : index
    %swap3A_186 = arith.constant 0 : index
    %swap3A_187 = vector.load %arg15[%swap3A_185, %swap3A_186] : memref<4096x192xf32, #tpu.memory_space<vmem>>, vector<64x192xf32>
    tpu.vector_store %arg15[%swap3A_185, %swap3A_186], %dot_general3A_184 {strides = array<i32>} : memref<4096x192xf32, #tpu.memory_space<vmem>>, vector<64x192xf32>,
    %get3A_188 = arith.constant 18 : index
    %get3A_189 = arith.constant 0 : index
    %get3A_190 = arith.constant 0 : index
    %get3A_191 = vector.load %arg1[%get3A_188, %get3A_189, %get3A_190] : memref<64x192x128xf32, #tpu.memory_space<vmem>>, vector<1x192x128xf32>
    %get3A_192 = vector.shape_cast %get3A_191 : vector<1x192x128xf32> to vector<192x128xf32>
    %dot_general3A_193 = arith.constant dense<0.000000e+00> : vector<64x192xf32>
    %dot_general3A_194 = tpu.matmul %get3A_6, %get3A_192, %dot_general3A_193 {dimension_numbers = #tpu.dot_dimension_numbers<[1], [1], [0], [0], [0, 0, 1, 0], [], []>, transpose_lhs_hint = false} : vector<64x128xf32>, vector<192x128xf32>, vector<64x192xf32> -> vector<64x192xf32>
    %swap3A_195 = arith.constant 1152 : index
    %swap3A_196 = arith.constant 0 : index
    %swap3A_197 = vector.load %arg15[%swap3A_195, %swap3A_196] : memref<4096x192xf32, #tpu.memory_space<vmem>>, vector<64x192xf32>
    tpu.vector_store %arg15[%swap3A_195, %swap3A_196], %dot_general3A_194 {strides = array<i32>} : memref<4096x192xf32, #tpu.memory_space<vmem>>, vector<64x192xf32>,
    %get3A_198 = arith.constant 19 : index
    %get3A_199 = arith.constant 0 : index
    %get3A_200 = arith.constant 0 : index
    %get3A_201 = vector.load %arg1[%get3A_198, %get3A_199, %get3A_200] : memref<64x192x128xf32, #tpu.memory_space<vmem>>, vector<1x192x128xf32>
    %get3A_202 = vector.shape_cast %get3A_201 : vector<1x192x128xf32> to vector<192x128xf32>
    %dot_general3A_203 = arith.constant dense<0.000000e+00> : vector<64x192xf32>
    %dot_general3A_204 = tpu.matmul %get3A_6, %get3A_202, %dot_general3A_203 {dimension_numbers = #tpu.dot_dimension_numbers<[1], [1], [0], [0], [0, 0, 1, 0], [], []>, transpose_lhs_hint = false} : vector<64x128xf32>, vector<192x128xf32>, vector<64x192xf32> -> vector<64x192xf32>
    %swap3A_205 = arith.constant 1216 : index
    %swap3A_206 = arith.constant 0 : index
    %swap3A_207 = vector.load %arg15[%swap3A_205, %swap3A_206] : memref<4096x192xf32, #tpu.memory_space<vmem>>, vector<64x192xf32>
    tpu.vector_store %arg15[%swap3A_205, %swap3A_206], %dot_general3A_204 {strides = array<i32>} : memref<4096x192xf32, #tpu.memory_space<vmem>>, vector<64x192xf32>,
    %get3A_208 = arith.constant 20 : index
    %get3A_209 = arith.constant 0 : index
    %get3A_210 = arith.constant 0 : index
    %get3A_211 = vector.load %arg1[%get3A_208, %get3A_209, %get3A_210] : memref<64x192x128xf32, #tpu.memory_space<vmem>>, vector<1x192x128xf32>
    %get3A_212 = vector.shape_cast %get3A_211 : vector<1x192x128xf32> to vector<192x128xf32>
    %dot_general3A_213 = arith.constant dense<0.000000e+00> : vector<64x192xf32>
    %dot_general3A_214 = tpu.matmul %get3A_6, %get3A_212, %dot_general3A_213 {dimension_numbers = #tpu.dot_dimension_numbers<[1], [1], [0], [0], [0, 0, 1, 0], [], []>, transpose_lhs_hint = false} : vector<64x128xf32>, vector<192x128xf32>, vector<64x192xf32> -> vector<64x192xf32>
    %swap3A_215 = arith.constant 1280 : index
    %swap3A_216 = arith.constant 0 : index
    %swap3A_217 = vector.load %arg15[%swap3A_215, %swap3A_216] : memref<4096x192xf32, #tpu.memory_space<vmem>>, vector<64x192xf32>
    tpu.vector_store %arg15[%swap3A_215, %swap3A_216], %dot_general3A_214 {strides = array<i32>} : memref<4096x192xf32, #tpu.memory_space<vmem>>, vector<64x192xf32>,
    %get3A_218 = arith.constant 21 : index
    %get3A_219 = arith.constant 0 : index
    %get3A_220 = arith.constant 0 : index
    %get3A_221 = vector.load %arg1[%get3A_218, %get3A_219, %get3A_220] : memref<64x192x128xf32, #tpu.memory_space<vmem>>, vector<1x192x128xf32>
    %get3A_222 = vector.shape_cast %get3A_221 : vector<1x192x128xf32> to vector<192x128xf32>
    %dot_general3A_223 = arith.constant dense<0.000000e+00> : vector<64x192xf32>
    %dot_general3A_224 = tpu.matmul %get3A_6, %get3A_222, %dot_general3A_223 {dimension_numbers = #tpu.dot_dimension_numbers<[1], [1], [0], [0], [0, 0, 1, 0], [], []>, transpose_lhs_hint = false} : vector<64x128xf32>, vector<192x128xf32>, vector<64x192xf32> -> vector<64x192xf32>
    %swap3A_225 = arith.constant 1344 : index
    %swap3A_226 = arith.constant 0 : index
    %swap3A_227 = vector.load %arg15[%swap3A_225, %swap3A_226] : memref<4096x192xf32, #tpu.memory_space<vmem>>, vector<64x192xf32>
    tpu.vector_store %arg15[%swap3A_225, %swap3A_226], %dot_general3A_224 {strides = array<i32>} : memref<4096x192xf32, #tpu.memory_space<vmem>>, vector<64x192xf32>,
    %get3A_228 = arith.constant 22 : index
    %get3A_229 = arith.constant 0 : index
    %get3A_230 = arith.constant 0 : index
    %get3A_231 = vector.load %arg1[%get3A_228, %get3A_229, %get3A_230] : memref<64x192x128xf32, #tpu.memory_space<vmem>>, vector<1x192x128xf32>
    %get3A_232 = vector.shape_cast %get3A_231 : vector<1x192x128xf32> to vector<192x128xf32>
    %dot_general3A_233 = arith.constant dense<0.000000e+00> : vector<64x192xf32>
    %dot_general3A_234 = tpu.matmul %get3A_6, %get3A_232, %dot_general3A_233 {dimension_numbers = #tpu.dot_dimension_numbers<[1], [1], [0], [0], [0, 0, 1, 0], [], []>, transpose_lhs_hint = false} : vector<64x128xf32>, vector<192x128xf32>, vector<64x192xf32> -> vector<64x192xf32>
    %swap3A_235 = arith.constant 1408 : index
    %swap3A_236 = arith.constant 0 : index
    %swap3A_237 = vector.load %arg15[%swap3A_235, %swap3A_236] : memref<4096x192xf32, #tpu.memory_space<vmem>>, vector<64x192xf32>
    tpu.vector_store %arg15[%swap3A_235, %swap3A_236], %dot_general3A_234 {strides = array<i32>} : memref<4096x192xf32, #tpu.memory_space<vmem>>, vector<64x192xf32>,
    %get3A_238 = arith.constant 23 : index
    %get3A_239 = arith.constant 0 : index
    %get3A_240 = arith.constant 0 : index
    %get3A_241 = vector.load %arg1[%get3A_238, %get3A_239, %get3A_240] : memref<64x192x128xf32, #tpu.memory_space<vmem>>, vector<1x192x128xf32>
    %get3A_242 = vector.shape_cast %get3A_241 : vector<1x192x128xf32> to vector<192x128xf32>
    %dot_general3A_243 = arith.constant dense<0.000000e+00> : vector<64x192xf32>
    %dot_general3A_244 = tpu.matmul %get3A_6, %get3A_242, %dot_general3A_243 {dimension_numbers = #tpu.dot_dimension_numbers<[1], [1], [0], [0], [0, 0, 1, 0], [], []>, transpose_lhs_hint = false} : vector<64x128xf32>, vector<192x128xf32>, vector<64x192xf32> -> vector<64x192xf32>
    %swap3A_245 = arith.constant 1472 : index
    %swap3A_246 = arith.constant 0 : index
    %swap3A_247 = vector.load %arg15[%swap3A_245, %swap3A_246] : memref<4096x192xf32, #tpu.memory_space<vmem>>, vector<64x192xf32>
    tpu.vector_store %arg15[%swap3A_245, %swap3A_246], %dot_general3A_244 {strides = array<i32>} : memref<4096x192xf32, #tpu.memory_space<vmem>>, vector<64x192xf32>,
    %get3A_248 = arith.constant 24 : index
    %get3A_249 = arith.constant 0 : index
    %get3A_250 = arith.constant 0 : index
    %get3A_251 = vector.load %arg1[%get3A_248, %get3A_249, %get3A_250] : memref<64x192x128xf32, #tpu.memory_space<vmem>>, vector<1x192x128xf32>
    %get3A_252 = vector.shape_cast %get3A_251 : vector<1x192x128xf32> to vector<192x128xf32>
    %dot_general3A_253 = arith.constant dense<0.000000e+00> : vector<64x192xf32>
    %dot_general3A_254 = tpu.matmul %get3A_6, %get3A_252, %dot_general3A_253 {dimension_numbers = #tpu.dot_dimension_numbers<[1], [1], [0], [0], [0, 0, 1, 0], [], []>, transpose_lhs_hint = false} : vector<64x128xf32>, vector<192x128xf32>, vector<64x192xf32> -> vector<64x192xf32>
    %swap3A_255 = arith.constant 1536 : index
    %swap3A_256 = arith.constant 0 : index
    %swap3A_257 = vector.load %arg15[%swap3A_255, %swap3A_256] : memref<4096x192xf32, #tpu.memory_space<vmem>>, vector<64x192xf32>
    tpu.vector_store %arg15[%swap3A_255, %swap3A_256], %dot_general3A_254 {strides = array<i32>} : memref<4096x192xf32, #tpu.memory_space<vmem>>, vector<64x192xf32>,
    %get3A_258 = arith.constant 25 : index
    %get3A_259 = arith.constant 0 : index
    %get3A_260 = arith.constant 0 : index
    %get3A_261 = vector.load %arg1[%get3A_258, %get3A_259, %get3A_260] : memref<64x192x128xf32, #tpu.memory_space<vmem>>, vector<1x192x128xf32>
    %get3A_262 = vector.shape_cast %get3A_261 : vector<1x192x128xf32> to vector<192x128xf32>
    %dot_general3A_263 = arith.constant dense<0.000000e+00> : vector<64x192xf32>
    %dot_general3A_264 = tpu.matmul %get3A_6, %get3A_262, %dot_general3A_263 {dimension_numbers = #tpu.dot_dimension_numbers<[1], [1], [0], [0], [0, 0, 1, 0], [], []>, transpose_lhs_hint = false} : vector<64x128xf32>, vector<192x128xf32>, vector<64x192xf32> -> vector<64x192xf32>
    %swap3A_265 = arith.constant 1600 : index
    %swap3A_266 = arith.constant 0 : index
    %swap3A_267 = vector.load %arg15[%swap3A_265, %swap3A_266] : memref<4096x192xf32, #tpu.memory_space<vmem>>, vector<64x192xf32>
    tpu.vector_store %arg15[%swap3A_265, %swap3A_266], %dot_general3A_264 {strides = array<i32>} : memref<4096x192xf32, #tpu.memory_space<vmem>>, vector<64x192xf32>,
    %get3A_268 = arith.constant 26 : index
    %get3A_269 = arith.constant 0 : index
    %get3A_270 = arith.constant 0 : index
    %get3A_271 = vector.load %arg1[%get3A_268, %get3A_269, %get3A_270] : memref<64x192x128xf32, #tpu.memory_space<vmem>>, vector<1x192x128xf32>
    %get3A_272 = vector.shape_cast %get3A_271 : vector<1x192x128xf32> to vector<192x128xf32>
    %dot_general3A_273 = arith.constant dense<0.000000e+00> : vector<64x192xf32>
    %dot_general3A_274 = tpu.matmul %get3A_6, %get3A_272, %dot_general3A_273 {dimension_numbers = #tpu.dot_dimension_numbers<[1], [1], [0], [0], [0, 0, 1, 0], [], []>, transpose_lhs_hint = false} : vector<64x128xf32>, vector<192x128xf32>, vector<64x192xf32> -> vector<64x192xf32>
    %swap3A_275 = arith.constant 1664 : index
    %swap3A_276 = arith.constant 0 : index
    %swap3A_277 = vector.load %arg15[%swap3A_275, %swap3A_276] : memref<4096x192xf32, #tpu.memory_space<vmem>>, vector<64x192xf32>
    tpu.vector_store %arg15[%swap3A_275, %swap3A_276], %dot_general3A_274 {strides = array<i32>} : memref<4096x192xf32, #tpu.memory_space<vmem>>, vector<64x192xf32>,
    %get3A_278 = arith.constant 27 : index
    %get3A_279 = arith.constant 0 : index
    %get3A_280 = arith.constant 0 : index
    %get3A_281 = vector.load %arg1[%get3A_278, %get3A_279, %get3A_280] : memref<64x192x128xf32, #tpu.memory_space<vmem>>, vector<1x192x128xf32>
    %get3A_282 = vector.shape_cast %get3A_281 : vector<1x192x128xf32> to vector<192x128xf32>
    %dot_general3A_283 = arith.constant dense<0.000000e+00> : vector<64x192xf32>
    %dot_general3A_284 = tpu.matmul %get3A_6, %get3A_282, %dot_general3A_283 {dimension_numbers = #tpu.dot_dimension_numbers<[1], [1], [0], [0], [0, 0, 1, 0], [], []>, transpose_lhs_hint = false} : vector<64x128xf32>, vector<192x128xf32>, vector<64x192xf32> -> vector<64x192xf32>
    %swap3A_285 = arith.constant 1728 : index
    %swap3A_286 = arith.constant 0 : index
    %swap3A_287 = vector.load %arg15[%swap3A_285, %swap3A_286] : memref<4096x192xf32, #tpu.memory_space<vmem>>, vector<64x192xf32>
    tpu.vector_store %arg15[%swap3A_285, %swap3A_286], %dot_general3A_284 {strides = array<i32>} : memref<4096x192xf32, #tpu.memory_space<vmem>>, vector<64x192xf32>,
    %get3A_288 = arith.constant 28 : index
    %get3A_289 = arith.constant 0 : index
    %get3A_290 = arith.constant 0 : index
    %get3A_291 = vector.load %arg1[%get3A_288, %get3A_289, %get3A_290] : memref<64x192x128xf32, #tpu.memory_space<vmem>>, vector<1x192x128xf32>
    %get3A_292 = vector.shape_cast %get3A_291 : vector<1x192x128xf32> to vector<192x128xf32>
    %dot_general3A_293 = arith.constant dense<0.000000e+00> : vector<64x192xf32>
    %dot_general3A_294 = tpu.matmul %get3A_6, %get3A_292, %dot_general3A_293 {dimension_numbers = #tpu.dot_dimension_numbers<[1], [1], [0], [0], [0, 0, 1, 0], [], []>, transpose_lhs_hint = false} : vector<64x128xf32>, vector<192x128xf32>, vector<64x192xf32> -> vector<64x192xf32>
    %swap3A_295 = arith.constant 1792 : index
    %swap3A_296 = arith.constant 0 : index
    %swap3A_297 = vector.load %arg15[%swap3A_295, %swap3A_296] : memref<4096x192xf32, #tpu.memory_space<vmem>>, vector<64x192xf32>
    tpu.vector_store %arg15[%swap3A_295, %swap3A_296], %dot_general3A_294 {strides = array<i32>} : memref<4096x192xf32, #tpu.memory_space<vmem>>, vector<64x192xf32>,
    %get3A_298 = arith.constant 29 : index
    %get3A_299 = arith.constant 0 : index
    %get3A_300 = arith.constant 0 : index
    %get3A_301 = vector.load %arg1[%get3A_298, %get3A_299, %get3A_300] : memref<64x192x128xf32, #tpu.memory_space<vmem>>, vector<1x192x128xf32>
    %get3A_302 = vector.shape_cast %get3A_301 : vector<1x192x128xf32> to vector<192x128xf32>
    %dot_general3A_303 = arith.constant dense<0.000000e+00> : vector<64x192xf32>
    %dot_general3A_304 = tpu.matmul %get3A_6, %get3A_302, %dot_general3A_303 {dimension_numbers = #tpu.dot_dimension_numbers<[1], [1], [0], [0], [0, 0, 1, 0], [], []>, transpose_lhs_hint = false} : vector<64x128xf32>, vector<192x128xf32>, vector<64x192xf32> -> vector<64x192xf32>
    %swap3A_305 = arith.constant 1856 : index
    %swap3A_306 = arith.constant 0 : index
    %swap3A_307 = vector.load %arg15[%swap3A_305, %swap3A_306] : memref<4096x192xf32, #tpu.memory_space<vmem>>, vector<64x192xf32>
    tpu.vector_store %arg15[%swap3A_305, %swap3A_306], %dot_general3A_304 {strides = array<i32>} : memref<4096x192xf32, #tpu.memory_space<vmem>>, vector<64x192xf32>,
    %get3A_308 = arith.constant 30 : index
    %get3A_309 = arith.constant 0 : index
    %get3A_310 = arith.constant 0 : index
    %get3A_311 = vector.load %arg1[%get3A_308, %get3A_309, %get3A_310] : memref<64x192x128xf32, #tpu.memory_space<vmem>>, vector<1x192x128xf32>
    %get3A_312 = vector.shape_cast %get3A_311 : vector<1x192x128xf32> to vector<192x128xf32>
    %dot_general3A_313 = arith.constant dense<0.000000e+00> : vector<64x192xf32>
    %dot_general3A_314 = tpu.matmul %get3A_6, %get3A_312, %dot_general3A_313 {dimension_numbers = #tpu.dot_dimension_numbers<[1], [1], [0], [0], [0, 0, 1, 0], [], []>, transpose_lhs_hint = false} : vector<64x128xf32>, vector<192x128xf32>, vector<64x192xf32> -> vector<64x192xf32>
    %swap3A_315 = arith.constant 1920 : index
    %swap3A_316 = arith.constant 0 : index
    %swap3A_317 = vector.load %arg15[%swap3A_315, %swap3A_316] : memref<4096x192xf32, #tpu.memory_space<vmem>>, vector<64x192xf32>
    tpu.vector_store %arg15[%swap3A_315, %swap3A_316], %dot_general3A_314 {strides = array<i32>} : memref<4096x192xf32, #tpu.memory_space<vmem>>, vector<64x192xf32>,
    %get3A_318 = arith.constant 31 : index
    %get3A_319 = arith.constant 0 : index
    %get3A_320 = arith.constant 0 : index
    %get3A_321 = vector.load %arg1[%get3A_318, %get3A_319, %get3A_320] : memref<64x192x128xf32, #tpu.memory_space<vmem>>, vector<1x192x128xf32>
    %get3A_322 = vector.shape_cast %get3A_321 : vector<1x192x128xf32> to vector<192x128xf32>
    %dot_general3A_323 = arith.constant dense<0.000000e+00> : vector<64x192xf32>
    %dot_general3A_324 = tpu.matmul %get3A_6, %get3A_322, %dot_general3A_323 {dimension_numbers = #tpu.dot_dimension_numbers<[1], [1], [0], [0], [0, 0, 1, 0], [], []>, transpose_lhs_hint = false} : vector<64x128xf32>, vector<192x128xf32>, vector<64x192xf32> -> vector<64x192xf32>
    %swap3A_325 = arith.constant 1984 : index
    %swap3A_326 = arith.constant 0 : index
    %swap3A_327 = vector.load %arg15[%swap3A_325, %swap3A_326] : memref<4096x192xf32, #tpu.memory_space<vmem>>, vector<64x192xf32>
    tpu.vector_store %arg15[%swap3A_325, %swap3A_326], %dot_general3A_324 {strides = array<i32>} : memref<4096x192xf32, #tpu.memory_space<vmem>>, vector<64x192xf32>,
    %get3A_328 = arith.constant 32 : index
    %get3A_329 = arith.constant 0 : index
    %get3A_330 = arith.constant 0 : index
    %get3A_331 = vector.load %arg1[%get3A_328, %get3A_329, %get3A_330] : memref<64x192x128xf32, #tpu.memory_space<vmem>>, vector<1x192x128xf32>
    %get3A_332 = vector.shape_cast %get3A_331 : vector<1x192x128xf32> to vector<192x128xf32>
    %dot_general3A_333 = arith.constant dense<0.000000e+00> : vector<64x192xf32>
    %dot_general3A_334 = tpu.matmul %get3A_6, %get3A_332, %dot_general3A_333 {dimension_numbers = #tpu.dot_dimension_numbers<[1], [1], [0], [0], [0, 0, 1, 0], [], []>, transpose_lhs_hint = false} : vector<64x128xf32>, vector<192x128xf32>, vector<64x192xf32> -> vector<64x192xf32>
    %swap3A_335 = arith.constant 2048 : index
    %swap3A_336 = arith.constant 0 : index
    %swap3A_337 = vector.load %arg15[%swap3A_335, %swap3A_336] : memref<4096x192xf32, #tpu.memory_space<vmem>>, vector<64x192xf32>
    tpu.vector_store %arg15[%swap3A_335, %swap3A_336], %dot_general3A_334 {strides = array<i32>} : memref<4096x192xf32, #tpu.memory_space<vmem>>, vector<64x192xf32>,
    %get3A_338 = arith.constant 33 : index
    %get3A_339 = arith.constant 0 : index
    %get3A_340 = arith.constant 0 : index
    %get3A_341 = vector.load %arg1[%get3A_338, %get3A_339, %get3A_340] : memref<64x192x128xf32, #tpu.memory_space<vmem>>, vector<1x192x128xf32>
    %get3A_342 = vector.shape_cast %get3A_341 : vector<1x192x128xf32> to vector<192x128xf32>
    %dot_general3A_343 = arith.constant dense<0.000000e+00> : vector<64x192xf32>
    %dot_general3A_344 = tpu.matmul %get3A_6, %get3A_342, %dot_general3A_343 {dimension_numbers = #tpu.dot_dimension_numbers<[1], [1], [0], [0], [0, 0, 1, 0], [], []>, transpose_lhs_hint = false} : vector<64x128xf32>, vector<192x128xf32>, vector<64x192xf32> -> vector<64x192xf32>
    %swap3A_345 = arith.constant 2112 : index
    %swap3A_346 = arith.constant 0 : index
    %swap3A_347 = vector.load %arg15[%swap3A_345, %swap3A_346] : memref<4096x192xf32, #tpu.memory_space<vmem>>, vector<64x192xf32>
    tpu.vector_store %arg15[%swap3A_345, %swap3A_346], %dot_general3A_344 {strides = array<i32>} : memref<4096x192xf32, #tpu.memory_space<vmem>>, vector<64x192xf32>,
    %get3A_348 = arith.constant 34 : index
    %get3A_349 = arith.constant 0 : index
    %get3A_350 = arith.constant 0 : index
    %get3A_351 = vector.load %arg1[%get3A_348, %get3A_349, %get3A_350] : memref<64x192x128xf32, #tpu.memory_space<vmem>>, vector<1x192x128xf32>
    %get3A_352 = vector.shape_cast %get3A_351 : vector<1x192x128xf32> to vector<192x128xf32>
    %dot_general3A_353 = arith.constant dense<0.000000e+00> : vector<64x192xf32>
    %dot_general3A_354 = tpu.matmul %get3A_6, %get3A_352, %dot_general3A_353 {dimension_numbers = #tpu.dot_dimension_numbers<[1], [1], [0], [0], [0, 0, 1, 0], [], []>, transpose_lhs_hint = false} : vector<64x128xf32>, vector<192x128xf32>, vector<64x192xf32> -> vector<64x192xf32>
    %swap3A_355 = arith.constant 2176 : index
    %swap3A_356 = arith.constant 0 : index
    %swap3A_357 = vector.load %arg15[%swap3A_355, %swap3A_356] : memref<4096x192xf32, #tpu.memory_space<vmem>>, vector<64x192xf32>
    tpu.vector_store %arg15[%swap3A_355, %swap3A_356], %dot_general3A_354 {strides = array<i32>} : memref<4096x192xf32, #tpu.memory_space<vmem>>, vector<64x192xf32>,
    %get3A_358 = arith.constant 35 : index
    %get3A_359 = arith.constant 0 : index
    %get3A_360 = arith.constant 0 : index
    %get3A_361 = vector.load %arg1[%get3A_358, %get3A_359, %get3A_360] : memref<64x192x128xf32, #tpu.memory_space<vmem>>, vector<1x192x128xf32>
    %get3A_362 = vector.shape_cast %get3A_361 : vector<1x192x128xf32> to vector<192x128xf32>
    %dot_general3A_363 = arith.constant dense<0.000000e+00> : vector<64x192xf32>
    %dot_general3A_364 = tpu.matmul %get3A_6, %get3A_362, %dot_general3A_363 {dimension_numbers = #tpu.dot_dimension_numbers<[1], [1], [0], [0], [0, 0, 1, 0], [], []>, transpose_lhs_hint = false} : vector<64x128xf32>, vector<192x128xf32>, vector<64x192xf32> -> vector<64x192xf32>
    %swap3A_365 = arith.constant 2240 : index
    %swap3A_366 = arith.constant 0 : index
    %swap3A_367 = vector.load %arg15[%swap3A_365, %swap3A_366] : memref<4096x192xf32, #tpu.memory_space<vmem>>, vector<64x192xf32>
    tpu.vector_store %arg15[%swap3A_365, %swap3A_366], %dot_general3A_364 {strides = array<i32>} : memref<4096x192xf32, #tpu.memory_space<vmem>>, vector<64x192xf32>,
    %get3A_368 = arith.constant 36 : index
    %get3A_369 = arith.constant 0 : index
    %get3A_370 = arith.constant 0 : index
    %get3A_371 = vector.load %arg1[%get3A_368, %get3A_369, %get3A_370] : memref<64x192x128xf32, #tpu.memory_space<vmem>>, vector<1x192x128xf32>
    %get3A_372 = vector.shape_cast %get3A_371 : vector<1x192x128xf32> to vector<192x128xf32>
    %dot_general3A_373 = arith.constant dense<0.000000e+00> : vector<64x192xf32>
    %dot_general3A_374 = tpu.matmul %get3A_6, %get3A_372, %dot_general3A_373 {dimension_numbers = #tpu.dot_dimension_numbers<[1], [1], [0], [0], [0, 0, 1, 0], [], []>, transpose_lhs_hint = false} : vector<64x128xf32>, vector<192x128xf32>, vector<64x192xf32> -> vector<64x192xf32>
    %swap3A_375 = arith.constant 2304 : index
    %swap3A_376 = arith.constant 0 : index
    %swap3A_377 = vector.load %arg15[%swap3A_375, %swap3A_376] : memref<4096x192xf32, #tpu.memory_space<vmem>>, vector<64x192xf32>
    tpu.vector_store %arg15[%swap3A_375, %swap3A_376], %dot_general3A_374 {strides = array<i32>} : memref<4096x192xf32, #tpu.memory_space<vmem>>, vector<64x192xf32>,
    %get3A_378 = arith.constant 37 : index
    %get3A_379 = arith.constant 0 : index
    %get3A_380 = arith.constant 0 : index
    %get3A_381 = vector.load %arg1[%get3A_378, %get3A_379, %get3A_380] : memref<64x192x128xf32, #tpu.memory_space<vmem>>, vector<1x192x128xf32>
    %get3A_382 = vector.shape_cast %get3A_381 : vector<1x192x128xf32> to vector<192x128xf32>
    %dot_general3A_383 = arith.constant dense<0.000000e+00> : vector<64x192xf32>
    %dot_general3A_384 = tpu.matmul %get3A_6, %get3A_382, %dot_general3A_383 {dimension_numbers = #tpu.dot_dimension_numbers<[1], [1], [0], [0], [0, 0, 1, 0], [], []>, transpose_lhs_hint = false} : vector<64x128xf32>, vector<192x128xf32>, vector<64x192xf32> -> vector<64x192xf32>
    %swap3A_385 = arith.constant 2368 : index
    %swap3A_386 = arith.constant 0 : index
    %swap3A_387 = vector.load %arg15[%swap3A_385, %swap3A_386] : memref<4096x192xf32, #tpu.memory_space<vmem>>, vector<64x192xf32>
    tpu.vector_store %arg15[%swap3A_385, %swap3A_386], %dot_general3A_384 {strides = array<i32>} : memref<4096x192xf32, #tpu.memory_space<vmem>>, vector<64x192xf32>,
    %get3A_388 = arith.constant 38 : index
    %get3A_389 = arith.constant 0 : index
    %get3A_390 = arith.constant 0 : index
    %get3A_391 = vector.load %arg1[%get3A_388, %get3A_389, %get3A_390] : memref<64x192x128xf32, #tpu.memory_space<vmem>>, vector<1x192x128xf32>
    %get3A_392 = vector.shape_cast %get3A_391 : vector<1x192x128xf32> to vector<192x128xf32>
    %dot_general3A_393 = arith.constant dense<0.000000e+00> : vector<64x192xf32>
    %dot_general3A_394 = tpu.matmul %get3A_6, %get3A_392, %dot_general3A_393 {dimension_numbers = #tpu.dot_dimension_numbers<[1], [1], [0], [0], [0, 0, 1, 0], [], []>, transpose_lhs_hint = false} : vector<64x128xf32>, vector<192x128xf32>, vector<64x192xf32> -> vector<64x192xf32>
    %swap3A_395 = arith.constant 2432 : index
    %swap3A_396 = arith.constant 0 : index
    %swap3A_397 = vector.load %arg15[%swap3A_395, %swap3A_396] : memref<4096x192xf32, #tpu.memory_space<vmem>>, vector<64x192xf32>
    tpu.vector_store %arg15[%swap3A_395, %swap3A_396], %dot_general3A_394 {strides = array<i32>} : memref<4096x192xf32, #tpu.memory_space<vmem>>, vector<64x192xf32>,
    %get3A_398 = arith.constant 39 : index
    %get3A_399 = arith.constant 0 : index
    %get3A_400 = arith.constant 0 : index
    %get3A_401 = vector.load %arg1[%get3A_398, %get3A_399, %get3A_400] : memref<64x192x128xf32, #tpu.memory_space<vmem>>, vector<1x192x128xf32>
    %get3A_402 = vector.shape_cast %get3A_401 : vector<1x192x128xf32> to vector<192x128xf32>
    %dot_general3A_403 = arith.constant dense<0.000000e+00> : vector<64x192xf32>
    %dot_general3A_404 = tpu.matmul %get3A_6, %get3A_402, %dot_general3A_403 {dimension_numbers = #tpu.dot_dimension_numbers<[1], [1], [0], [0], [0, 0, 1, 0], [], []>, transpose_lhs_hint = false} : vector<64x128xf32>, vector<192x128xf32>, vector<64x192xf32> -> vector<64x192xf32>
    %swap3A_405 = arith.constant 2496 : index
    %swap3A_406 = arith.constant 0 : index
    %swap3A_407 = vector.load %arg15[%swap3A_405, %swap3A_406] : memref<4096x192xf32, #tpu.memory_space<vmem>>, vector<64x192xf32>
    tpu.vector_store %arg15[%swap3A_405, %swap3A_406], %dot_general3A_404 {strides = array<i32>} : memref<4096x192xf32, #tpu.memory_space<vmem>>, vector<64x192xf32>,
    %get3A_408 = arith.constant 40 : index
    %get3A_409 = arith.constant 0 : index
    %get3A_410 = arith.constant 0 : index
    %get3A_411 = vector.load %arg1[%get3A_408, %get3A_409, %get3A_410] : memref<64x192x128xf32, #tpu.memory_space<vmem>>, vector<1x192x128xf32>
    %get3A_412 = vector.shape_cast %get3A_411 : vector<1x192x128xf32> to vector<192x128xf32>
    %dot_general3A_413 = arith.constant dense<0.000000e+00> : vector<64x192xf32>
    %dot_general3A_414 = tpu.matmul %get3A_6, %get3A_412, %dot_general3A_413 {dimension_numbers = #tpu.dot_dimension_numbers<[1], [1], [0], [0], [0, 0, 1, 0], [], []>, transpose_lhs_hint = false} : vector<64x128xf32>, vector<192x128xf32>, vector<64x192xf32> -> vector<64x192xf32>
    %swap3A_415 = arith.constant 2560 : index
    %swap3A_416 = arith.constant 0 : index
    %swap3A_417 = vector.load %arg15[%swap3A_415, %swap3A_416] : memref<4096x192xf32, #tpu.memory_space<vmem>>, vector<64x192xf32>
    tpu.vector_store %arg15[%swap3A_415, %swap3A_416], %dot_general3A_414 {strides = array<i32>} : memref<4096x192xf32, #tpu.memory_space<vmem>>, vector<64x192xf32>,
    %get3A_418 = arith.constant 41 : index
    %get3A_419 = arith.constant 0 : index
    %get3A_420 = arith.constant 0 : index
    %get3A_421 = vector.load %arg1[%get3A_418, %get3A_419, %get3A_420] : memref<64x192x128xf32, #tpu.memory_space<vmem>>, vector<1x192x128xf32>
    %get3A_422 = vector.shape_cast %get3A_421 : vector<1x192x128xf32> to vector<192x128xf32>
    %dot_general3A_423 = arith.constant dense<0.000000e+00> : vector<64x192xf32>
    %dot_general3A_424 = tpu.matmul %get3A_6, %get3A_422, %dot_general3A_423 {dimension_numbers = #tpu.dot_dimension_numbers<[1], [1], [0], [0], [0, 0, 1, 0], [], []>, transpose_lhs_hint = false} : vector<64x128xf32>, vector<192x128xf32>, vector<64x192xf32> -> vector<64x192xf32>
    %swap3A_425 = arith.constant 2624 : index
    %swap3A_426 = arith.constant 0 : index
    %swap3A_427 = vector.load %arg15[%swap3A_425, %swap3A_426] : memref<4096x192xf32, #tpu.memory_space<vmem>>, vector<64x192xf32>
    tpu.vector_store %arg15[%swap3A_425, %swap3A_426], %dot_general3A_424 {strides = array<i32>} : memref<4096x192xf32, #tpu.memory_space<vmem>>, vector<64x192xf32>,
    %get3A_428 = arith.constant 42 : index
    %get3A_429 = arith.constant 0 : index
    %get3A_430 = arith.constant 0 : index
    %get3A_431 = vector.load %arg1[%get3A_428, %get3A_429, %get3A_430] : memref<64x192x128xf32, #tpu.memory_space<vmem>>, vector<1x192x128xf32>
    %get3A_432 = vector.shape_cast %get3A_431 : vector<1x192x128xf32> to vector<192x128xf32>
    %dot_general3A_433 = arith.constant dense<0.000000e+00> : vector<64x192xf32>
    %dot_general3A_434 = tpu.matmul %get3A_6, %get3A_432, %dot_general3A_433 {dimension_numbers = #tpu.dot_dimension_numbers<[1], [1], [0], [0], [0, 0, 1, 0], [], []>, transpose_lhs_hint = false} : vector<64x128xf32>, vector<192x128xf32>, vector<64x192xf32> -> vector<64x192xf32>
    %swap3A_435 = arith.constant 2688 : index
    %swap3A_436 = arith.constant 0 : index
    %swap3A_437 = vector.load %arg15[%swap3A_435, %swap3A_436] : memref<4096x192xf32, #tpu.memory_space<vmem>>, vector<64x192xf32>
    tpu.vector_store %arg15[%swap3A_435, %swap3A_436], %dot_general3A_434 {strides = array<i32>} : memref<4096x192xf32, #tpu.memory_space<vmem>>, vector<64x192xf32>,
    %get3A_438 = arith.constant 43 : index
    %get3A_439 = arith.constant 0 : index
    %get3A_440 = arith.constant 0 : index
    %get3A_441 = vector.load %arg1[%get3A_438, %get3A_439, %get3A_440] : memref<64x192x128xf32, #tpu.memory_space<vmem>>, vector<1x192x128xf32>
    %get3A_442 = vector.shape_cast %get3A_441 : vector<1x192x128xf32> to vector<192x128xf32>
    %dot_general3A_443 = arith.constant dense<0.000000e+00> : vector<64x192xf32>
    %dot_general3A_444 = tpu.matmul %get3A_6, %get3A_442, %dot_general3A_443 {dimension_numbers = #tpu.dot_dimension_numbers<[1], [1], [0], [0], [0, 0, 1, 0], [], []>, transpose_lhs_hint = false} : vector<64x128xf32>, vector<192x128xf32>, vector<64x192xf32> -> vector<64x192xf32>
    %swap3A_445 = arith.constant 2752 : index
    %swap3A_446 = arith.constant 0 : index
    %swap3A_447 = vector.load %arg15[%swap3A_445, %swap3A_446] : memref<4096x192xf32, #tpu.memory_space<vmem>>, vector<64x192xf32>
    tpu.vector_store %arg15[%swap3A_445, %swap3A_446], %dot_general3A_444 {strides = array<i32>} : memref<4096x192xf32, #tpu.memory_space<vmem>>, vector<64x192xf32>,
    %get3A_448 = arith.constant 44 : index
    %get3A_449 = arith.constant 0 : index
    %get3A_450 = arith.constant 0 : index
    %get3A_451 = vector.load %arg1[%get3A_448, %get3A_449, %get3A_450] : memref<64x192x128xf32, #tpu.memory_space<vmem>>, vector<1x192x128xf32>
    %get3A_452 = vector.shape_cast %get3A_451 : vector<1x192x128xf32> to vector<192x128xf32>
    %dot_general3A_453 = arith.constant dense<0.000000e+00> : vector<64x192xf32>
    %dot_general3A_454 = tpu.matmul %get3A_6, %get3A_452, %dot_general3A_453 {dimension_numbers = #tpu.dot_dimension_numbers<[1], [1], [0], [0], [0, 0, 1, 0], [], []>, transpose_lhs_hint = false} : vector<64x128xf32>, vector<192x128xf32>, vector<64x192xf32> -> vector<64x192xf32>
    %swap3A_455 = arith.constant 2816 : index
    %swap3A_456 = arith.constant 0 : index
    %swap3A_457 = vector.load %arg15[%swap3A_455, %swap3A_456] : memref<4096x192xf32, #tpu.memory_space<vmem>>, vector<64x192xf32>
    tpu.vector_store %arg15[%swap3A_455, %swap3A_456], %dot_general3A_454 {strides = array<i32>} : memref<4096x192xf32, #tpu.memory_space<vmem>>, vector<64x192xf32>,
    %get3A_458 = arith.constant 45 : index
    %get3A_459 = arith.constant 0 : index
    %get3A_460 = arith.constant 0 : index
    %get3A_461 = vector.load %arg1[%get3A_458, %get3A_459, %get3A_460] : memref<64x192x128xf32, #tpu.memory_space<vmem>>, vector<1x192x128xf32>
    %get3A_462 = vector.shape_cast %get3A_461 : vector<1x192x128xf32> to vector<192x128xf32>
    %dot_general3A_463 = arith.constant dense<0.000000e+00> : vector<64x192xf32>
    %dot_general3A_464 = tpu.matmul %get3A_6, %get3A_462, %dot_general3A_463 {dimension_numbers = #tpu.dot_dimension_numbers<[1], [1], [0], [0], [0, 0, 1, 0], [], []>, transpose_lhs_hint = false} : vector<64x128xf32>, vector<192x128xf32>, vector<64x192xf32> -> vector<64x192xf32>
    %swap3A_465 = arith.constant 2880 : index
    %swap3A_466 = arith.constant 0 : index
    %swap3A_467 = vector.load %arg15[%swap3A_465, %swap3A_466] : memref<4096x192xf32, #tpu.memory_space<vmem>>, vector<64x192xf32>
    tpu.vector_store %arg15[%swap3A_465, %swap3A_466], %dot_general3A_464 {strides = array<i32>} : memref<4096x192xf32, #tpu.memory_space<vmem>>, vector<64x192xf32>,
    %get3A_468 = arith.constant 46 : index
    %get3A_469 = arith.constant 0 : index
    %get3A_470 = arith.constant 0 : index
    %get3A_471 = vector.load %arg1[%get3A_468, %get3A_469, %get3A_470] : memref<64x192x128xf32, #tpu.memory_space<vmem>>, vector<1x192x128xf32>
    %get3A_472 = vector.shape_cast %get3A_471 : vector<1x192x128xf32> to vector<192x128xf32>
    %dot_general3A_473 = arith.constant dense<0.000000e+00> : vector<64x192xf32>
    %dot_general3A_474 = tpu.matmul %get3A_6, %get3A_472, %dot_general3A_473 {dimension_numbers = #tpu.dot_dimension_numbers<[1], [1], [0], [0], [0, 0, 1, 0], [], []>, transpose_lhs_hint = false} : vector<64x128xf32>, vector<192x128xf32>, vector<64x192xf32> -> vector<64x192xf32>
    %swap3A_475 = arith.constant 2944 : index
    %swap3A_476 = arith.constant 0 : index
    %swap3A_477 = vector.load %arg15[%swap3A_475, %swap3A_476] : memref<4096x192xf32, #tpu.memory_space<vmem>>, vector<64x192xf32>
    tpu.vector_store %arg15[%swap3A_475, %swap3A_476], %dot_general3A_474 {strides = array<i32>} : memref<4096x192xf32, #tpu.memory_space<vmem>>, vector<64x192xf32>,
    %get3A_478 = arith.constant 47 : index
    %get3A_479 = arith.constant 0 : index
    %get3A_480 = arith.constant 0 : index
    %get3A_481 = vector.load %arg1[%get3A_478, %get3A_479, %get3A_480] : memref<64x192x128xf32, #tpu.memory_space<vmem>>, vector<1x192x128xf32>
    %get3A_482 = vector.shape_cast %get3A_481 : vector<1x192x128xf32> to vector<192x128xf32>
    %dot_general3A_483 = arith.constant dense<0.000000e+00> : vector<64x192xf32>
    %dot_general3A_484 = tpu.matmul %get3A_6, %get3A_482, %dot_general3A_483 {dimension_numbers = #tpu.dot_dimension_numbers<[1], [1], [0], [0], [0, 0, 1, 0], [], []>, transpose_lhs_hint = false} : vector<64x128xf32>, vector<192x128xf32>, vector<64x192xf32> -> vector<64x192xf32>
    %swap3A_485 = arith.constant 3008 : index
    %swap3A_486 = arith.constant 0 : index
    %swap3A_487 = vector.load %arg15[%swap3A_485, %swap3A_486] : memref<4096x192xf32, #tpu.memory_space<vmem>>, vector<64x192xf32>
    tpu.vector_store %arg15[%swap3A_485, %swap3A_486], %dot_general3A_484 {strides = array<i32>} : memref<4096x192xf32, #tpu.memory_space<vmem>>, vector<64x192xf32>,
    %get3A_488 = arith.constant 48 : index
    %get3A_489 = arith.constant 0 : index
    %get3A_490 = arith.constant 0 : index
    %get3A_491 = vector.load %arg1[%get3A_488, %get3A_489, %get3A_490] : memref<64x192x128xf32, #tpu.memory_space<vmem>>, vector<1x192x128xf32>
    %get3A_492 = vector.shape_cast %get3A_491 : vector<1x192x128xf32> to vector<192x128xf32>
    %dot_general3A_493 = arith.constant dense<0.000000e+00> : vector<64x192xf32>
    %dot_general3A_494 = tpu.matmul %get3A_6, %get3A_492, %dot_general3A_493 {dimension_numbers = #tpu.dot_dimension_numbers<[1], [1], [0], [0], [0, 0, 1, 0], [], []>, transpose_lhs_hint = false} : vector<64x128xf32>, vector<192x128xf32>, vector<64x192xf32> -> vector<64x192xf32>
    %swap3A_495 = arith.constant 3072 : index
    %swap3A_496 = arith.constant 0 : index
    %swap3A_497 = vector.load %arg15[%swap3A_495, %swap3A_496] : memref<4096x192xf32, #tpu.memory_space<vmem>>, vector<64x192xf32>
    tpu.vector_store %arg15[%swap3A_495, %swap3A_496], %dot_general3A_494 {strides = array<i32>} : memref<4096x192xf32, #tpu.memory_space<vmem>>, vector<64x192xf32>,
    %get3A_498 = arith.constant 49 : index
    %get3A_499 = arith.constant 0 : index
    %get3A_500 = arith.constant 0 : index
    %get3A_501 = vector.load %arg1[%get3A_498, %get3A_499, %get3A_500] : memref<64x192x128xf32, #tpu.memory_space<vmem>>, vector<1x192x128xf32>
    %get3A_502 = vector.shape_cast %get3A_501 : vector<1x192x128xf32> to vector<192x128xf32>
    %dot_general3A_503 = arith.constant dense<0.000000e+00> : vector<64x192xf32>
    %dot_general3A_504 = tpu.matmul %get3A_6, %get3A_502, %dot_general3A_503 {dimension_numbers = #tpu.dot_dimension_numbers<[1], [1], [0], [0], [0, 0, 1, 0], [], []>, transpose_lhs_hint = false} : vector<64x128xf32>, vector<192x128xf32>, vector<64x192xf32> -> vector<64x192xf32>
    %swap3A_505 = arith.constant 3136 : index
    %swap3A_506 = arith.constant 0 : index
    %swap3A_507 = vector.load %arg15[%swap3A_505, %swap3A_506] : memref<4096x192xf32, #tpu.memory_space<vmem>>, vector<64x192xf32>
    tpu.vector_store %arg15[%swap3A_505, %swap3A_506], %dot_general3A_504 {strides = array<i32>} : memref<4096x192xf32, #tpu.memory_space<vmem>>, vector<64x192xf32>,
    %get3A_508 = arith.constant 50 : index
    %get3A_509 = arith.constant 0 : index
    %get3A_510 = arith.constant 0 : index
    %get3A_511 = vector.load %arg1[%get3A_508, %get3A_509, %get3A_510] : memref<64x192x128xf32, #tpu.memory_space<vmem>>, vector<1x192x128xf32>
    %get3A_512 = vector.shape_cast %get3A_511 : vector<1x192x128xf32> to vector<192x128xf32>
    %dot_general3A_513 = arith.constant dense<0.000000e+00> : vector<64x192xf32>
    %dot_general3A_514 = tpu.matmul %get3A_6, %get3A_512, %dot_general3A_513 {dimension_numbers = #tpu.dot_dimension_numbers<[1], [1], [0], [0], [0, 0, 1, 0], [], []>, transpose_lhs_hint = false} : vector<64x128xf32>, vector<192x128xf32>, vector<64x192xf32> -> vector<64x192xf32>
    %swap3A_515 = arith.constant 3200 : index
    %swap3A_516 = arith.constant 0 : index
    %swap3A_517 = vector.load %arg15[%swap3A_515, %swap3A_516] : memref<4096x192xf32, #tpu.memory_space<vmem>>, vector<64x192xf32>
    tpu.vector_store %arg15[%swap3A_515, %swap3A_516], %dot_general3A_514 {strides = array<i32>} : memref<4096x192xf32, #tpu.memory_space<vmem>>, vector<64x192xf32>,
    %get3A_518 = arith.constant 51 : index
    %get3A_519 = arith.constant 0 : index
    %get3A_520 = arith.constant 0 : index
    %get3A_521 = vector.load %arg1[%get3A_518, %get3A_519, %get3A_520] : memref<64x192x128xf32, #tpu.memory_space<vmem>>, vector<1x192x128xf32>
    %get3A_522 = vector.shape_cast %get3A_521 : vector<1x192x128xf32> to vector<192x128xf32>
    %dot_general3A_523 = arith.constant dense<0.000000e+00> : vector<64x192xf32>
    %dot_general3A_524 = tpu.matmul %get3A_6, %get3A_522, %dot_general3A_523 {dimension_numbers = #tpu.dot_dimension_numbers<[1], [1], [0], [0], [0, 0, 1, 0], [], []>, transpose_lhs_hint = false} : vector<64x128xf32>, vector<192x128xf32>, vector<64x192xf32> -> vector<64x192xf32>
    %swap3A_525 = arith.constant 3264 : index
    %swap3A_526 = arith.constant 0 : index
    %swap3A_527 = vector.load %arg15[%swap3A_525, %swap3A_526] : memref<4096x192xf32, #tpu.memory_space<vmem>>, vector<64x192xf32>
    tpu.vector_store %arg15[%swap3A_525, %swap3A_526], %dot_general3A_524 {strides = array<i32>} : memref<4096x192xf32, #tpu.memory_space<vmem>>, vector<64x192xf32>,
    %get3A_528 = arith.constant 52 : index
    %get3A_529 = arith.constant 0 : index
    %get3A_530 = arith.constant 0 : index
    %get3A_531 = vector.load %arg1[%get3A_528, %get3A_529, %get3A_530] : memref<64x192x128xf32, #tpu.memory_space<vmem>>, vector<1x192x128xf32>
    %get3A_532 = vector.shape_cast %get3A_531 : vector<1x192x128xf32> to vector<192x128xf32>
    %dot_general3A_533 = arith.constant dense<0.000000e+00> : vector<64x192xf32>
    %dot_general3A_534 = tpu.matmul %get3A_6, %get3A_532, %dot_general3A_533 {dimension_numbers = #tpu.dot_dimension_numbers<[1], [1], [0], [0], [0, 0, 1, 0], [], []>, transpose_lhs_hint = false} : vector<64x128xf32>, vector<192x128xf32>, vector<64x192xf32> -> vector<64x192xf32>
    %swap3A_535 = arith.constant 3328 : index
    %swap3A_536 = arith.constant 0 : index
    %swap3A_537 = vector.load %arg15[%swap3A_535, %swap3A_536] : memref<4096x192xf32, #tpu.memory_space<vmem>>, vector<64x192xf32>
    tpu.vector_store %arg15[%swap3A_535, %swap3A_536], %dot_general3A_534 {strides = array<i32>} : memref<4096x192xf32, #tpu.memory_space<vmem>>, vector<64x192xf32>,
    %get3A_538 = arith.constant 53 : index
    %get3A_539 = arith.constant 0 : index
    %get3A_540 = arith.constant 0 : index
    %get3A_541 = vector.load %arg1[%get3A_538, %get3A_539, %get3A_540] : memref<64x192x128xf32, #tpu.memory_space<vmem>>, vector<1x192x128xf32>
    %get3A_542 = vector.shape_cast %get3A_541 : vector<1x192x128xf32> to vector<192x128xf32>
    %dot_general3A_543 = arith.constant dense<0.000000e+00> : vector<64x192xf32>
    %dot_general3A_544 = tpu.matmul %get3A_6, %get3A_542, %dot_general3A_543 {dimension_numbers = #tpu.dot_dimension_numbers<[1], [1], [0], [0], [0, 0, 1, 0], [], []>, transpose_lhs_hint = false} : vector<64x128xf32>, vector<192x128xf32>, vector<64x192xf32> -> vector<64x192xf32>
    %swap3A_545 = arith.constant 3392 : index
    %swap3A_546 = arith.constant 0 : index
    %swap3A_547 = vector.load %arg15[%swap3A_545, %swap3A_546] : memref<4096x192xf32, #tpu.memory_space<vmem>>, vector<64x192xf32>
    tpu.vector_store %arg15[%swap3A_545, %swap3A_546], %dot_general3A_544 {strides = array<i32>} : memref<4096x192xf32, #tpu.memory_space<vmem>>, vector<64x192xf32>,
    %get3A_548 = arith.constant 54 : index
    %get3A_549 = arith.constant 0 : index
    %get3A_550 = arith.constant 0 : index
    %get3A_551 = vector.load %arg1[%get3A_548, %get3A_549, %get3A_550] : memref<64x192x128xf32, #tpu.memory_space<vmem>>, vector<1x192x128xf32>
    %get3A_552 = vector.shape_cast %get3A_551 : vector<1x192x128xf32> to vector<192x128xf32>
    %dot_general3A_553 = arith.constant dense<0.000000e+00> : vector<64x192xf32>
    %dot_general3A_554 = tpu.matmul %get3A_6, %get3A_552, %dot_general3A_553 {dimension_numbers = #tpu.dot_dimension_numbers<[1], [1], [0], [0], [0, 0, 1, 0], [], []>, transpose_lhs_hint = false} : vector<64x128xf32>, vector<192x128xf32>, vector<64x192xf32> -> vector<64x192xf32>
    %swap3A_555 = arith.constant 3456 : index
    %swap3A_556 = arith.constant 0 : index
    %swap3A_557 = vector.load %arg15[%swap3A_555, %swap3A_556] : memref<4096x192xf32, #tpu.memory_space<vmem>>, vector<64x192xf32>
    tpu.vector_store %arg15[%swap3A_555, %swap3A_556], %dot_general3A_554 {strides = array<i32>} : memref<4096x192xf32, #tpu.memory_space<vmem>>, vector<64x192xf32>,
    %get3A_558 = arith.constant 55 : index
    %get3A_559 = arith.constant 0 : index
    %get3A_560 = arith.constant 0 : index
    %get3A_561 = vector.load %arg1[%get3A_558, %get3A_559, %get3A_560] : memref<64x192x128xf32, #tpu.memory_space<vmem>>, vector<1x192x128xf32>
    %get3A_562 = vector.shape_cast %get3A_561 : vector<1x192x128xf32> to vector<192x128xf32>
    %dot_general3A_563 = arith.constant dense<0.000000e+00> : vector<64x192xf32>
    %dot_general3A_564 = tpu.matmul %get3A_6, %get3A_562, %dot_general3A_563 {dimension_numbers = #tpu.dot_dimension_numbers<[1], [1], [0], [0], [0, 0, 1, 0], [], []>, transpose_lhs_hint = false} : vector<64x128xf32>, vector<192x128xf32>, vector<64x192xf32> -> vector<64x192xf32>
    %swap3A_565 = arith.constant 3520 : index
    %swap3A_566 = arith.constant 0 : index
    %swap3A_567 = vector.load %arg15[%swap3A_565, %swap3A_566] : memref<4096x192xf32, #tpu.memory_space<vmem>>, vector<64x192xf32>
    tpu.vector_store %arg15[%swap3A_565, %swap3A_566], %dot_general3A_564 {strides = array<i32>} : memref<4096x192xf32, #tpu.memory_space<vmem>>, vector<64x192xf32>,
    %get3A_568 = arith.constant 56 : index
    %get3A_569 = arith.constant 0 : index
    %get3A_570 = arith.constant 0 : index
    %get3A_571 = vector.load %arg1[%get3A_568, %get3A_569, %get3A_570] : memref<64x192x128xf32, #tpu.memory_space<vmem>>, vector<1x192x128xf32>
    %get3A_572 = vector.shape_cast %get3A_571 : vector<1x192x128xf32> to vector<192x128xf32>
    %dot_general3A_573 = arith.constant dense<0.000000e+00> : vector<64x192xf32>
    %dot_general3A_574 = tpu.matmul %get3A_6, %get3A_572, %dot_general3A_573 {dimension_numbers = #tpu.dot_dimension_numbers<[1], [1], [0], [0], [0, 0, 1, 0], [], []>, transpose_lhs_hint = false} : vector<64x128xf32>, vector<192x128xf32>, vector<64x192xf32> -> vector<64x192xf32>
    %swap3A_575 = arith.constant 3584 : index
    %swap3A_576 = arith.constant 0 : index
    %swap3A_577 = vector.load %arg15[%swap3A_575, %swap3A_576] : memref<4096x192xf32, #tpu.memory_space<vmem>>, vector<64x192xf32>
    tpu.vector_store %arg15[%swap3A_575, %swap3A_576], %dot_general3A_574 {strides = array<i32>} : memref<4096x192xf32, #tpu.memory_space<vmem>>, vector<64x192xf32>,
    %get3A_578 = arith.constant 57 : index
    %get3A_579 = arith.constant 0 : index
    %get3A_580 = arith.constant 0 : index
    %get3A_581 = vector.load %arg1[%get3A_578, %get3A_579, %get3A_580] : memref<64x192x128xf32, #tpu.memory_space<vmem>>, vector<1x192x128xf32>
    %get3A_582 = vector.shape_cast %get3A_581 : vector<1x192x128xf32> to vector<192x128xf32>
    %dot_general3A_583 = arith.constant dense<0.000000e+00> : vector<64x192xf32>
    %dot_general3A_584 = tpu.matmul %get3A_6, %get3A_582, %dot_general3A_583 {dimension_numbers = #tpu.dot_dimension_numbers<[1], [1], [0], [0], [0, 0, 1, 0], [], []>, transpose_lhs_hint = false} : vector<64x128xf32>, vector<192x128xf32>, vector<64x192xf32> -> vector<64x192xf32>
    %swap3A_585 = arith.constant 3648 : index
    %swap3A_586 = arith.constant 0 : index
    %swap3A_587 = vector.load %arg15[%swap3A_585, %swap3A_586] : memref<4096x192xf32, #tpu.memory_space<vmem>>, vector<64x192xf32>
    tpu.vector_store %arg15[%swap3A_585, %swap3A_586], %dot_general3A_584 {strides = array<i32>} : memref<4096x192xf32, #tpu.memory_space<vmem>>, vector<64x192xf32>,
    %get3A_588 = arith.constant 58 : index
    %get3A_589 = arith.constant 0 : index
    %get3A_590 = arith.constant 0 : index
    %get3A_591 = vector.load %arg1[%get3A_588, %get3A_589, %get3A_590] : memref<64x192x128xf32, #tpu.memory_space<vmem>>, vector<1x192x128xf32>
    %get3A_592 = vector.shape_cast %get3A_591 : vector<1x192x128xf32> to vector<192x128xf32>
    %dot_general3A_593 = arith.constant dense<0.000000e+00> : vector<64x192xf32>
    %dot_general3A_594 = tpu.matmul %get3A_6, %get3A_592, %dot_general3A_593 {dimension_numbers = #tpu.dot_dimension_numbers<[1], [1], [0], [0], [0, 0, 1, 0], [], []>, transpose_lhs_hint = false} : vector<64x128xf32>, vector<192x128xf32>, vector<64x192xf32> -> vector<64x192xf32>
    %swap3A_595 = arith.constant 3712 : index
    %swap3A_596 = arith.constant 0 : index
    %swap3A_597 = vector.load %arg15[%swap3A_595, %swap3A_596] : memref<4096x192xf32, #tpu.memory_space<vmem>>, vector<64x192xf32>
    tpu.vector_store %arg15[%swap3A_595, %swap3A_596], %dot_general3A_594 {strides = array<i32>} : memref<4096x192xf32, #tpu.memory_space<vmem>>, vector<64x192xf32>,
    %get3A_598 = arith.constant 59 : index
    %get3A_599 = arith.constant 0 : index
    %get3A_600 = arith.constant 0 : index
    %get3A_601 = vector.load %arg1[%get3A_598, %get3A_599, %get3A_600] : memref<64x192x128xf32, #tpu.memory_space<vmem>>, vector<1x192x128xf32>
    %get3A_602 = vector.shape_cast %get3A_601 : vector<1x192x128xf32> to vector<192x128xf32>
    %dot_general3A_603 = arith.constant dense<0.000000e+00> : vector<64x192xf32>
    %dot_general3A_604 = tpu.matmul %get3A_6, %get3A_602, %dot_general3A_603 {dimension_numbers = #tpu.dot_dimension_numbers<[1], [1], [0], [0], [0, 0, 1, 0], [], []>, transpose_lhs_hint = false} : vector<64x128xf32>, vector<192x128xf32>, vector<64x192xf32> -> vector<64x192xf32>
    %swap3A_605 = arith.constant 3776 : index
    %swap3A_606 = arith.constant 0 : index
    %swap3A_607 = vector.load %arg15[%swap3A_605, %swap3A_606] : memref<4096x192xf32, #tpu.memory_space<vmem>>, vector<64x192xf32>
    tpu.vector_store %arg15[%swap3A_605, %swap3A_606], %dot_general3A_604 {strides = array<i32>} : memref<4096x192xf32, #tpu.memory_space<vmem>>, vector<64x192xf32>,
    %get3A_608 = arith.constant 60 : index
    %get3A_609 = arith.constant 0 : index
    %get3A_610 = arith.constant 0 : index
    %get3A_611 = vector.load %arg1[%get3A_608, %get3A_609, %get3A_610] : memref<64x192x128xf32, #tpu.memory_space<vmem>>, vector<1x192x128xf32>
    %get3A_612 = vector.shape_cast %get3A_611 : vector<1x192x128xf32> to vector<192x128xf32>
    %dot_general3A_613 = arith.constant dense<0.000000e+00> : vector<64x192xf32>
    %dot_general3A_614 = tpu.matmul %get3A_6, %get3A_612, %dot_general3A_613 {dimension_numbers = #tpu.dot_dimension_numbers<[1], [1], [0], [0], [0, 0, 1, 0], [], []>, transpose_lhs_hint = false} : vector<64x128xf32>, vector<192x128xf32>, vector<64x192xf32> -> vector<64x192xf32>
    %swap3A_615 = arith.constant 3840 : index
    %swap3A_616 = arith.constant 0 : index
    %swap3A_617 = vector.load %arg15[%swap3A_615, %swap3A_616] : memref<4096x192xf32, #tpu.memory_space<vmem>>, vector<64x192xf32>
    tpu.vector_store %arg15[%swap3A_615, %swap3A_616], %dot_general3A_614 {strides = array<i32>} : memref<4096x192xf32, #tpu.memory_space<vmem>>, vector<64x192xf32>,
    %get3A_618 = arith.constant 61 : index
    %get3A_619 = arith.constant 0 : index
    %get3A_620 = arith.constant 0 : index
    %get3A_621 = vector.load %arg1[%get3A_618, %get3A_619, %get3A_620] : memref<64x192x128xf32, #tpu.memory_space<vmem>>, vector<1x192x128xf32>
    %get3A_622 = vector.shape_cast %get3A_621 : vector<1x192x128xf32> to vector<192x128xf32>
    %dot_general3A_623 = arith.constant dense<0.000000e+00> : vector<64x192xf32>
    %dot_general3A_624 = tpu.matmul %get3A_6, %get3A_622, %dot_general3A_623 {dimension_numbers = #tpu.dot_dimension_numbers<[1], [1], [0], [0], [0, 0, 1, 0], [], []>, transpose_lhs_hint = false} : vector<64x128xf32>, vector<192x128xf32>, vector<64x192xf32> -> vector<64x192xf32>
    %swap3A_625 = arith.constant 3904 : index
    %swap3A_626 = arith.constant 0 : index
    %swap3A_627 = vector.load %arg15[%swap3A_625, %swap3A_626] : memref<4096x192xf32, #tpu.memory_space<vmem>>, vector<64x192xf32>
    tpu.vector_store %arg15[%swap3A_625, %swap3A_626], %dot_general3A_624 {strides = array<i32>} : memref<4096x192xf32, #tpu.memory_space<vmem>>, vector<64x192xf32>,
    %get3A_628 = arith.constant 62 : index
    %get3A_629 = arith.constant 0 : index
    %get3A_630 = arith.constant 0 : index
    %get3A_631 = vector.load %arg1[%get3A_628, %get3A_629, %get3A_630] : memref<64x192x128xf32, #tpu.memory_space<vmem>>, vector<1x192x128xf32>
    %get3A_632 = vector.shape_cast %get3A_631 : vector<1x192x128xf32> to vector<192x128xf32>
    %dot_general3A_633 = arith.constant dense<0.000000e+00> : vector<64x192xf32>
    %dot_general3A_634 = tpu.matmul %get3A_6, %get3A_632, %dot_general3A_633 {dimension_numbers = #tpu.dot_dimension_numbers<[1], [1], [0], [0], [0, 0, 1, 0], [], []>, transpose_lhs_hint = false} : vector<64x128xf32>, vector<192x128xf32>, vector<64x192xf32> -> vector<64x192xf32>
    %swap3A_635 = arith.constant 3968 : index
    %swap3A_636 = arith.constant 0 : index
    %swap3A_637 = vector.load %arg15[%swap3A_635, %swap3A_636] : memref<4096x192xf32, #tpu.memory_space<vmem>>, vector<64x192xf32>
    tpu.vector_store %arg15[%swap3A_635, %swap3A_636], %dot_general3A_634 {strides = array<i32>} : memref<4096x192xf32, #tpu.memory_space<vmem>>, vector<64x192xf32>,
    %get3A_638 = arith.constant 63 : index
    %get3A_639 = arith.constant 0 : index
    %get3A_640 = arith.constant 0 : index
    %get3A_641 = vector.load %arg1[%get3A_638, %get3A_639, %get3A_640] : memref<64x192x128xf32, #tpu.memory_space<vmem>>, vector<1x192x128xf32>
    %get3A_642 = vector.shape_cast %get3A_641 : vector<1x192x128xf32> to vector<192x128xf32>
    %dot_general3A_643 = arith.constant dense<0.000000e+00> : vector<64x192xf32>
    %dot_general3A_644 = tpu.matmul %get3A_6, %get3A_642, %dot_general3A_643 {dimension_numbers = #tpu.dot_dimension_numbers<[1], [1], [0], [0], [0, 0, 1, 0], [], []>, transpose_lhs_hint = false} : vector<64x128xf32>, vector<192x128xf32>, vector<64x192xf32> -> vector<64x192xf32>
    %swap3A_645 = arith.constant 4032 : index
    %swap3A_646 = arith.constant 0 : index
    %swap3A_647 = vector.load %arg15[%swap3A_645, %swap3A_646] : memref<4096x192xf32, #tpu.memory_space<vmem>>, vector<64x192xf32>
    tpu.vector_store %arg15[%swap3A_645, %swap3A_646], %dot_general3A_644 {strides = array<i32>} : memref<4096x192xf32, #tpu.memory_space<vmem>>, vector<64x192xf32>,
    %get3A_648 = arith.constant 0 : index
    %get3A_649 = arith.constant 0 : index
    %get3A_650 = vector.load %arg15[%get3A_648, %get3A_649] : memref<4096x192xf32, #tpu.memory_space<vmem>>, vector<4096x192xf32>
    %dot_general3A_651 = arith.constant dense<0.000000e+00> : vector<4096x192xf32>
    %dot_general3A_652 = tpu.matmul %get3A_650, %get3A_3, %dot_general3A_651 {dimension_numbers = #tpu.dot_dimension_numbers<[1], [0], [0], [1], [0, 0, 1, 1], [], []>, transpose_lhs_hint = false} : vector<4096x192xf32>, vector<192x192xf32>, vector<4096x192xf32> -> vector<4096x192xf32>
    %reshape3A = vector.shape_cast %dot_general3A_652 : vector<4096x192xf32> to vector<64x64x192xf32>
    %get3A_653 = arith.constant 0 : index
    %get3A_654 = arith.constant 0 : index
    %get3A_655 = vector.load %arg4[%get3A_653, %get3A_654] : memref<64x1xf32, #tpu.memory_space<vmem>>, vector<64x1xf32>
    %reshape3A_656 = vector.shape_cast %get3A_655 : vector<64x1xf32> to vector<1x64x1xf32>
    %add3A = vector.broadcast %reshape3A_656 : vector<1x64x1xf32> to vector<64x64x192xf32>
    %add3A_657 = arith.addf %reshape3A, %add3A : vector<64x64x192xf32>
    %max3A = arith.constant 0.000000e+00 : f32
    %max3A_658 = vector.broadcast %max3A : f32 to vector<64x64x192xf32>
    %max3A_659 = arith.maximumf %add3A_657, %max3A_658 : vector<64x64x192xf32>
    %reshape3A_660 = vector.shape_cast %max3A_659 : vector<64x64x192xf32> to vector<4096x192xf32>
    %swap3A_661 = arith.constant 0 : index
    %swap3A_662 = arith.constant 0 : index
    %swap3A_663 = vector.load %arg15[%swap3A_661, %swap3A_662] : memref<4096x192xf32, #tpu.memory_space<vmem>>, vector<4096x192xf32>
    tpu.vector_store %arg15[%swap3A_661, %swap3A_662], %reshape3A_660 {strides = array<i32>} : memref<4096x192xf32, #tpu.memory_space<vmem>>, vector<4096x192xf32>,
    %get3A_664 = arith.constant 0 : index
    %get3A_665 = arith.constant 0 : index
    %get3A_666 = vector.load %arg15[%get3A_664, %get3A_665] : memref<4096x192xf32, #tpu.memory_space<vmem>>, vector<64x192xf32>
    %dot_general3A_667 = arith.constant dense<0.000000e+00> : vector<32x192xf32>
    %dot_general3A_668 = tpu.matmul %get3A_9, %get3A_666, %dot_general3A_667 {dimension_numbers = #tpu.dot_dimension_numbers<[1], [0], [0], [1], [0, 0, 1, 1], [], []>, transpose_lhs_hint = false} : vector<32x64xf32>, vector<64x192xf32>, vector<32x192xf32> -> vector<32x192xf32>
    %swap3A_669 = arith.constant 0 : index
    %swap3A_670 = arith.constant 0 : index
    %swap3A_671 = vector.load %arg16[%swap3A_669, %swap3A_670] : memref<2048x192xf32, #tpu.memory_space<vmem>>, vector<32x192xf32>
    tpu.vector_store %arg16[%swap3A_669, %swap3A_670], %dot_general3A_668 {strides = array<i32>} : memref<2048x192xf32, #tpu.memory_space<vmem>>, vector<32x192xf32>,
    %get3A_672 = arith.constant 64 : index
    %get3A_673 = arith.constant 0 : index
    %get3A_674 = vector.load %arg15[%get3A_672, %get3A_673] : memref<4096x192xf32, #tpu.memory_space<vmem>>, vector<64x192xf32>
    %dot_general3A_675 = arith.constant dense<0.000000e+00> : vector<32x192xf32>
    %dot_general3A_676 = tpu.matmul %get3A_9, %get3A_674, %dot_general3A_675 {dimension_numbers = #tpu.dot_dimension_numbers<[1], [0], [0], [1], [0, 0, 1, 1], [], []>, transpose_lhs_hint = false} : vector<32x64xf32>, vector<64x192xf32>, vector<32x192xf32> -> vector<32x192xf32>
    %swap3A_677 = arith.constant 32 : index
    %swap3A_678 = arith.constant 0 : index
    %swap3A_679 = vector.load %arg16[%swap3A_677, %swap3A_678] : memref<2048x192xf32, #tpu.memory_space<vmem>>, vector<32x192xf32>
    tpu.vector_store %arg16[%swap3A_677, %swap3A_678], %dot_general3A_676 {strides = array<i32>} : memref<2048x192xf32, #tpu.memory_space<vmem>>, vector<32x192xf32>,
    %get3A_680 = arith.constant 128 : index
    %get3A_681 = arith.constant 0 : index
    %get3A_682 = vector.load %arg15[%get3A_680, %get3A_681] : memref<4096x192xf32, #tpu.memory_space<vmem>>, vector<64x192xf32>
    %dot_general3A_683 = arith.constant dense<0.000000e+00> : vector<32x192xf32>
    %dot_general3A_684 = tpu.matmul %get3A_9, %get3A_682, %dot_general3A_683 {dimension_numbers = #tpu.dot_dimension_numbers<[1], [0], [0], [1], [0, 0, 1, 1], [], []>, transpose_lhs_hint = false} : vector<32x64xf32>, vector<64x192xf32>, vector<32x192xf32> -> vector<32x192xf32>
    %swap3A_685 = arith.constant 64 : index
    %swap3A_686 = arith.constant 0 : index
    %swap3A_687 = vector.load %arg16[%swap3A_685, %swap3A_686] : memref<2048x192xf32, #tpu.memory_space<vmem>>, vector<32x192xf32>
    tpu.vector_store %arg16[%swap3A_685, %swap3A_686], %dot_general3A_684 {strides = array<i32>} : memref<2048x192xf32, #tpu.memory_space<vmem>>, vector<32x192xf32>,
    %get3A_688 = arith.constant 192 : index
    %get3A_689 = arith.constant 0 : index
    %get3A_690 = vector.load %arg15[%get3A_688, %get3A_689] : memref<4096x192xf32, #tpu.memory_space<vmem>>, vector<64x192xf32>
    %dot_general3A_691 = arith.constant dense<0.000000e+00> : vector<32x192xf32>
    %dot_general3A_692 = tpu.matmul %get3A_9, %get3A_690, %dot_general3A_691 {dimension_numbers = #tpu.dot_dimension_numbers<[1], [0], [0], [1], [0, 0, 1, 1], [], []>, transpose_lhs_hint = false} : vector<32x64xf32>, vector<64x192xf32>, vector<32x192xf32> -> vector<32x192xf32>
    %swap3A_693 = arith.constant 96 : index
    %swap3A_694 = arith.constant 0 : index
    %swap3A_695 = vector.load %arg16[%swap3A_693, %swap3A_694] : memref<2048x192xf32, #tpu.memory_space<vmem>>, vector<32x192xf32>
    tpu.vector_store %arg16[%swap3A_693, %swap3A_694], %dot_general3A_692 {strides = array<i32>} : memref<2048x192xf32, #tpu.memory_space<vmem>>, vector<32x192xf32>,
    %get3A_696 = arith.constant 256 : index
    %get3A_697 = arith.constant 0 : index
    %get3A_698 = vector.load %arg15[%get3A_696, %get3A_697] : memref<4096x192xf32, #tpu.memory_space<vmem>>, vector<64x192xf32>
    %dot_general3A_699 = arith.constant dense<0.000000e+00> : vector<32x192xf32>
    %dot_general3A_700 = tpu.matmul %get3A_9, %get3A_698, %dot_general3A_699 {dimension_numbers = #tpu.dot_dimension_numbers<[1], [0], [0], [1], [0, 0, 1, 1], [], []>, transpose_lhs_hint = false} : vector<32x64xf32>, vector<64x192xf32>, vector<32x192xf32> -> vector<32x192xf32>
    %swap3A_701 = arith.constant 128 : index
    %swap3A_702 = arith.constant 0 : index
    %swap3A_703 = vector.load %arg16[%swap3A_701, %swap3A_702] : memref<2048x192xf32, #tpu.memory_space<vmem>>, vector<32x192xf32>
    tpu.vector_store %arg16[%swap3A_701, %swap3A_702], %dot_general3A_700 {strides = array<i32>} : memref<2048x192xf32, #tpu.memory_space<vmem>>, vector<32x192xf32>,
    %get3A_704 = arith.constant 320 : index
    %get3A_705 = arith.constant 0 : index
    %get3A_706 = vector.load %arg15[%get3A_704, %get3A_705] : memref<4096x192xf32, #tpu.memory_space<vmem>>, vector<64x192xf32>
    %dot_general3A_707 = arith.constant dense<0.000000e+00> : vector<32x192xf32>
    %dot_general3A_708 = tpu.matmul %get3A_9, %get3A_706, %dot_general3A_707 {dimension_numbers = #tpu.dot_dimension_numbers<[1], [0], [0], [1], [0, 0, 1, 1], [], []>, transpose_lhs_hint = false} : vector<32x64xf32>, vector<64x192xf32>, vector<32x192xf32> -> vector<32x192xf32>
    %swap3A_709 = arith.constant 160 : index
    %swap3A_710 = arith.constant 0 : index
    %swap3A_711 = vector.load %arg16[%swap3A_709, %swap3A_710] : memref<2048x192xf32, #tpu.memory_space<vmem>>, vector<32x192xf32>
    tpu.vector_store %arg16[%swap3A_709, %swap3A_710], %dot_general3A_708 {strides = array<i32>} : memref<2048x192xf32, #tpu.memory_space<vmem>>, vector<32x192xf32>,
    %get3A_712 = arith.constant 384 : index
    %get3A_713 = arith.constant 0 : index
    %get3A_714 = vector.load %arg15[%get3A_712, %get3A_713] : memref<4096x192xf32, #tpu.memory_space<vmem>>, vector<64x192xf32>
    %dot_general3A_715 = arith.constant dense<0.000000e+00> : vector<32x192xf32>
    %dot_general3A_716 = tpu.matmul %get3A_9, %get3A_714, %dot_general3A_715 {dimension_numbers = #tpu.dot_dimension_numbers<[1], [0], [0], [1], [0, 0, 1, 1], [], []>, transpose_lhs_hint = false} : vector<32x64xf32>, vector<64x192xf32>, vector<32x192xf32> -> vector<32x192xf32>
    %swap3A_717 = arith.constant 192 : index
    %swap3A_718 = arith.constant 0 : index
    %swap3A_719 = vector.load %arg16[%swap3A_717, %swap3A_718] : memref<2048x192xf32, #tpu.memory_space<vmem>>, vector<32x192xf32>
    tpu.vector_store %arg16[%swap3A_717, %swap3A_718], %dot_general3A_716 {strides = array<i32>} : memref<2048x192xf32, #tpu.memory_space<vmem>>, vector<32x192xf32>,
    %get3A_720 = arith.constant 448 : index
    %get3A_721 = arith.constant 0 : index
    %get3A_722 = vector.load %arg15[%get3A_720, %get3A_721] : memref<4096x192xf32, #tpu.memory_space<vmem>>, vector<64x192xf32>
    %dot_general3A_723 = arith.constant dense<0.000000e+00> : vector<32x192xf32>
    %dot_general3A_724 = tpu.matmul %get3A_9, %get3A_722, %dot_general3A_723 {dimension_numbers = #tpu.dot_dimension_numbers<[1], [0], [0], [1], [0, 0, 1, 1], [], []>, transpose_lhs_hint = false} : vector<32x64xf32>, vector<64x192xf32>, vector<32x192xf32> -> vector<32x192xf32>
    %swap3A_725 = arith.constant 224 : index
    %swap3A_726 = arith.constant 0 : index
    %swap3A_727 = vector.load %arg16[%swap3A_725, %swap3A_726] : memref<2048x192xf32, #tpu.memory_space<vmem>>, vector<32x192xf32>
    tpu.vector_store %arg16[%swap3A_725, %swap3A_726], %dot_general3A_724 {strides = array<i32>} : memref<2048x192xf32, #tpu.memory_space<vmem>>, vector<32x192xf32>,
    %get3A_728 = arith.constant 512 : index
    %get3A_729 = arith.constant 0 : index
    %get3A_730 = vector.load %arg15[%get3A_728, %get3A_729] : memref<4096x192xf32, #tpu.memory_space<vmem>>, vector<64x192xf32>
    %dot_general3A_731 = arith.constant dense<0.000000e+00> : vector<32x192xf32>
    %dot_general3A_732 = tpu.matmul %get3A_9, %get3A_730, %dot_general3A_731 {dimension_numbers = #tpu.dot_dimension_numbers<[1], [0], [0], [1], [0, 0, 1, 1], [], []>, transpose_lhs_hint = false} : vector<32x64xf32>, vector<64x192xf32>, vector<32x192xf32> -> vector<32x192xf32>
    %swap3A_733 = arith.constant 256 : index
    %swap3A_734 = arith.constant 0 : index
    %swap3A_735 = vector.load %arg16[%swap3A_733, %swap3A_734] : memref<2048x192xf32, #tpu.memory_space<vmem>>, vector<32x192xf32>
    tpu.vector_store %arg16[%swap3A_733, %swap3A_734], %dot_general3A_732 {strides = array<i32>} : memref<2048x192xf32, #tpu.memory_space<vmem>>, vector<32x192xf32>,
    %get3A_736 = arith.constant 576 : index
    %get3A_737 = arith.constant 0 : index
    %get3A_738 = vector.load %arg15[%get3A_736, %get3A_737] : memref<4096x192xf32, #tpu.memory_space<vmem>>, vector<64x192xf32>
    %dot_general3A_739 = arith.constant dense<0.000000e+00> : vector<32x192xf32>
    %dot_general3A_740 = tpu.matmul %get3A_9, %get3A_738, %dot_general3A_739 {dimension_numbers = #tpu.dot_dimension_numbers<[1], [0], [0], [1], [0, 0, 1, 1], [], []>, transpose_lhs_hint = false} : vector<32x64xf32>, vector<64x192xf32>, vector<32x192xf32> -> vector<32x192xf32>
    %swap3A_741 = arith.constant 288 : index
    %swap3A_742 = arith.constant 0 : index
    %swap3A_743 = vector.load %arg16[%swap3A_741, %swap3A_742] : memref<2048x192xf32, #tpu.memory_space<vmem>>, vector<32x192xf32>
    tpu.vector_store %arg16[%swap3A_741, %swap3A_742], %dot_general3A_740 {strides = array<i32>} : memref<2048x192xf32, #tpu.memory_space<vmem>>, vector<32x192xf32>,
    %get3A_744 = arith.constant 640 : index
    %get3A_745 = arith.constant 0 : index
    %get3A_746 = vector.load %arg15[%get3A_744, %get3A_745] : memref<4096x192xf32, #tpu.memory_space<vmem>>, vector<64x192xf32>
    %dot_general3A_747 = arith.constant dense<0.000000e+00> : vector<32x192xf32>
    %dot_general3A_748 = tpu.matmul %get3A_9, %get3A_746, %dot_general3A_747 {dimension_numbers = #tpu.dot_dimension_numbers<[1], [0], [0], [1], [0, 0, 1, 1], [], []>, transpose_lhs_hint = false} : vector<32x64xf32>, vector<64x192xf32>, vector<32x192xf32> -> vector<32x192xf32>
    %swap3A_749 = arith.constant 320 : index
    %swap3A_750 = arith.constant 0 : index
    %swap3A_751 = vector.load %arg16[%swap3A_749, %swap3A_750] : memref<2048x192xf32, #tpu.memory_space<vmem>>, vector<32x192xf32>
    tpu.vector_store %arg16[%swap3A_749, %swap3A_750], %dot_general3A_748 {strides = array<i32>} : memref<2048x192xf32, #tpu.memory_space<vmem>>, vector<32x192xf32>,
    %get3A_752 = arith.constant 704 : index
    %get3A_753 = arith.constant 0 : index
    %get3A_754 = vector.load %arg15[%get3A_752, %get3A_753] : memref<4096x192xf32, #tpu.memory_space<vmem>>, vector<64x192xf32>
    %dot_general3A_755 = arith.constant dense<0.000000e+00> : vector<32x192xf32>
    %dot_general3A_756 = tpu.matmul %get3A_9, %get3A_754, %dot_general3A_755 {dimension_numbers = #tpu.dot_dimension_numbers<[1], [0], [0], [1], [0, 0, 1, 1], [], []>, transpose_lhs_hint = false} : vector<32x64xf32>, vector<64x192xf32>, vector<32x192xf32> -> vector<32x192xf32>
    %swap3A_757 = arith.constant 352 : index
    %swap3A_758 = arith.constant 0 : index
    %swap3A_759 = vector.load %arg16[%swap3A_757, %swap3A_758] : memref<2048x192xf32, #tpu.memory_space<vmem>>, vector<32x192xf32>
    tpu.vector_store %arg16[%swap3A_757, %swap3A_758], %dot_general3A_756 {strides = array<i32>} : memref<2048x192xf32, #tpu.memory_space<vmem>>, vector<32x192xf32>,
    %get3A_760 = arith.constant 768 : index
    %get3A_761 = arith.constant 0 : index
    %get3A_762 = vector.load %arg15[%get3A_760, %get3A_761] : memref<4096x192xf32, #tpu.memory_space<vmem>>, vector<64x192xf32>
    %dot_general3A_763 = arith.constant dense<0.000000e+00> : vector<32x192xf32>
    %dot_general3A_764 = tpu.matmul %get3A_9, %get3A_762, %dot_general3A_763 {dimension_numbers = #tpu.dot_dimension_numbers<[1], [0], [0], [1], [0, 0, 1, 1], [], []>, transpose_lhs_hint = false} : vector<32x64xf32>, vector<64x192xf32>, vector<32x192xf32> -> vector<32x192xf32>
    %swap3A_765 = arith.constant 384 : index
    %swap3A_766 = arith.constant 0 : index
    %swap3A_767 = vector.load %arg16[%swap3A_765, %swap3A_766] : memref<2048x192xf32, #tpu.memory_space<vmem>>, vector<32x192xf32>
    tpu.vector_store %arg16[%swap3A_765, %swap3A_766], %dot_general3A_764 {strides = array<i32>} : memref<2048x192xf32, #tpu.memory_space<vmem>>, vector<32x192xf32>,
    %get3A_768 = arith.constant 832 : index
    %get3A_769 = arith.constant 0 : index
    %get3A_770 = vector.load %arg15[%get3A_768, %get3A_769] : memref<4096x192xf32, #tpu.memory_space<vmem>>, vector<64x192xf32>
    %dot_general3A_771 = arith.constant dense<0.000000e+00> : vector<32x192xf32>
    %dot_general3A_772 = tpu.matmul %get3A_9, %get3A_770, %dot_general3A_771 {dimension_numbers = #tpu.dot_dimension_numbers<[1], [0], [0], [1], [0, 0, 1, 1], [], []>, transpose_lhs_hint = false} : vector<32x64xf32>, vector<64x192xf32>, vector<32x192xf32> -> vector<32x192xf32>
    %swap3A_773 = arith.constant 416 : index
    %swap3A_774 = arith.constant 0 : index
    %swap3A_775 = vector.load %arg16[%swap3A_773, %swap3A_774] : memref<2048x192xf32, #tpu.memory_space<vmem>>, vector<32x192xf32>
    tpu.vector_store %arg16[%swap3A_773, %swap3A_774], %dot_general3A_772 {strides = array<i32>} : memref<2048x192xf32, #tpu.memory_space<vmem>>, vector<32x192xf32>,
    %get3A_776 = arith.constant 896 : index
    %get3A_777 = arith.constant 0 : index
    %get3A_778 = vector.load %arg15[%get3A_776, %get3A_777] : memref<4096x192xf32, #tpu.memory_space<vmem>>, vector<64x192xf32>
    %dot_general3A_779 = arith.constant dense<0.000000e+00> : vector<32x192xf32>
    %dot_general3A_780 = tpu.matmul %get3A_9, %get3A_778, %dot_general3A_779 {dimension_numbers = #tpu.dot_dimension_numbers<[1], [0], [0], [1], [0, 0, 1, 1], [], []>, transpose_lhs_hint = false} : vector<32x64xf32>, vector<64x192xf32>, vector<32x192xf32> -> vector<32x192xf32>
    %swap3A_781 = arith.constant 448 : index
    %swap3A_782 = arith.constant 0 : index
    %swap3A_783 = vector.load %arg16[%swap3A_781, %swap3A_782] : memref<2048x192xf32, #tpu.memory_space<vmem>>, vector<32x192xf32>
    tpu.vector_store %arg16[%swap3A_781, %swap3A_782], %dot_general3A_780 {strides = array<i32>} : memref<2048x192xf32, #tpu.memory_space<vmem>>, vector<32x192xf32>,
    %get3A_784 = arith.constant 960 : index
    %get3A_785 = arith.constant 0 : index
    %get3A_786 = vector.load %arg15[%get3A_784, %get3A_785] : memref<4096x192xf32, #tpu.memory_space<vmem>>, vector<64x192xf32>
    %dot_general3A_787 = arith.constant dense<0.000000e+00> : vector<32x192xf32>
    %dot_general3A_788 = tpu.matmul %get3A_9, %get3A_786, %dot_general3A_787 {dimension_numbers = #tpu.dot_dimension_numbers<[1], [0], [0], [1], [0, 0, 1, 1], [], []>, transpose_lhs_hint = false} : vector<32x64xf32>, vector<64x192xf32>, vector<32x192xf32> -> vector<32x192xf32>
    %swap3A_789 = arith.constant 480 : index
    %swap3A_790 = arith.constant 0 : index
    %swap3A_791 = vector.load %arg16[%swap3A_789, %swap3A_790] : memref<2048x192xf32, #tpu.memory_space<vmem>>, vector<32x192xf32>
    tpu.vector_store %arg16[%swap3A_789, %swap3A_790], %dot_general3A_788 {strides = array<i32>} : memref<2048x192xf32, #tpu.memory_space<vmem>>, vector<32x192xf32>,
    %get3A_792 = arith.constant 1024 : index
    %get3A_793 = arith.constant 0 : index
    %get3A_794 = vector.load %arg15[%get3A_792, %get3A_793] : memref<4096x192xf32, #tpu.memory_space<vmem>>, vector<64x192xf32>
    %dot_general3A_795 = arith.constant dense<0.000000e+00> : vector<32x192xf32>
    %dot_general3A_796 = tpu.matmul %get3A_9, %get3A_794, %dot_general3A_795 {dimension_numbers = #tpu.dot_dimension_numbers<[1], [0], [0], [1], [0, 0, 1, 1], [], []>, transpose_lhs_hint = false} : vector<32x64xf32>, vector<64x192xf32>, vector<32x192xf32> -> vector<32x192xf32>
    %swap3A_797 = arith.constant 512 : index
    %swap3A_798 = arith.constant 0 : index
    %swap3A_799 = vector.load %arg16[%swap3A_797, %swap3A_798] : memref<2048x192xf32, #tpu.memory_space<vmem>>, vector<32x192xf32>
    tpu.vector_store %arg16[%swap3A_797, %swap3A_798], %dot_general3A_796 {strides = array<i32>} : memref<2048x192xf32, #tpu.memory_space<vmem>>, vector<32x192xf32>,
    %get3A_800 = arith.constant 1088 : index
    %get3A_801 = arith.constant 0 : index
    %get3A_802 = vector.load %arg15[%get3A_800, %get3A_801] : memref<4096x192xf32, #tpu.memory_space<vmem>>, vector<64x192xf32>
    %dot_general3A_803 = arith.constant dense<0.000000e+00> : vector<32x192xf32>
    %dot_general3A_804 = tpu.matmul %get3A_9, %get3A_802, %dot_general3A_803 {dimension_numbers = #tpu.dot_dimension_numbers<[1], [0], [0], [1], [0, 0, 1, 1], [], []>, transpose_lhs_hint = false} : vector<32x64xf32>, vector<64x192xf32>, vector<32x192xf32> -> vector<32x192xf32>
    %swap3A_805 = arith.constant 544 : index
    %swap3A_806 = arith.constant 0 : index
    %swap3A_807 = vector.load %arg16[%swap3A_805, %swap3A_806] : memref<2048x192xf32, #tpu.memory_space<vmem>>, vector<32x192xf32>
    tpu.vector_store %arg16[%swap3A_805, %swap3A_806], %dot_general3A_804 {strides = array<i32>} : memref<2048x192xf32, #tpu.memory_space<vmem>>, vector<32x192xf32>,
    %get3A_808 = arith.constant 1152 : index
    %get3A_809 = arith.constant 0 : index
    %get3A_810 = vector.load %arg15[%get3A_808, %get3A_809] : memref<4096x192xf32, #tpu.memory_space<vmem>>, vector<64x192xf32>
    %dot_general3A_811 = arith.constant dense<0.000000e+00> : vector<32x192xf32>
    %dot_general3A_812 = tpu.matmul %get3A_9, %get3A_810, %dot_general3A_811 {dimension_numbers = #tpu.dot_dimension_numbers<[1], [0], [0], [1], [0, 0, 1, 1], [], []>, transpose_lhs_hint = false} : vector<32x64xf32>, vector<64x192xf32>, vector<32x192xf32> -> vector<32x192xf32>
    %swap3A_813 = arith.constant 576 : index
    %swap3A_814 = arith.constant 0 : index
    %swap3A_815 = vector.load %arg16[%swap3A_813, %swap3A_814] : memref<2048x192xf32, #tpu.memory_space<vmem>>, vector<32x192xf32>
    tpu.vector_store %arg16[%swap3A_813, %swap3A_814], %dot_general3A_812 {strides = array<i32>} : memref<2048x192xf32, #tpu.memory_space<vmem>>, vector<32x192xf32>,
    %get3A_816 = arith.constant 1216 : index
    %get3A_817 = arith.constant 0 : index
    %get3A_818 = vector.load %arg15[%get3A_816, %get3A_817] : memref<4096x192xf32, #tpu.memory_space<vmem>>, vector<64x192xf32>
    %dot_general3A_819 = arith.constant dense<0.000000e+00> : vector<32x192xf32>
    %dot_general3A_820 = tpu.matmul %get3A_9, %get3A_818, %dot_general3A_819 {dimension_numbers = #tpu.dot_dimension_numbers<[1], [0], [0], [1], [0, 0, 1, 1], [], []>, transpose_lhs_hint = false} : vector<32x64xf32>, vector<64x192xf32>, vector<32x192xf32> -> vector<32x192xf32>
    %swap3A_821 = arith.constant 608 : index
    %swap3A_822 = arith.constant 0 : index
    %swap3A_823 = vector.load %arg16[%swap3A_821, %swap3A_822] : memref<2048x192xf32, #tpu.memory_space<vmem>>, vector<32x192xf32>
    tpu.vector_store %arg16[%swap3A_821, %swap3A_822], %dot_general3A_820 {strides = array<i32>} : memref<2048x192xf32, #tpu.memory_space<vmem>>, vector<32x192xf32>,
    %get3A_824 = arith.constant 1280 : index
    %get3A_825 = arith.constant 0 : index
    %get3A_826 = vector.load %arg15[%get3A_824, %get3A_825] : memref<4096x192xf32, #tpu.memory_space<vmem>>, vector<64x192xf32>
    %dot_general3A_827 = arith.constant dense<0.000000e+00> : vector<32x192xf32>
    %dot_general3A_828 = tpu.matmul %get3A_9, %get3A_826, %dot_general3A_827 {dimension_numbers = #tpu.dot_dimension_numbers<[1], [0], [0], [1], [0, 0, 1, 1], [], []>, transpose_lhs_hint = false} : vector<32x64xf32>, vector<64x192xf32>, vector<32x192xf32> -> vector<32x192xf32>
    %swap3A_829 = arith.constant 640 : index
    %swap3A_830 = arith.constant 0 : index
    %swap3A_831 = vector.load %arg16[%swap3A_829, %swap3A_830] : memref<2048x192xf32, #tpu.memory_space<vmem>>, vector<32x192xf32>
    tpu.vector_store %arg16[%swap3A_829, %swap3A_830], %dot_general3A_828 {strides = array<i32>} : memref<2048x192xf32, #tpu.memory_space<vmem>>, vector<32x192xf32>,
    %get3A_832 = arith.constant 1344 : index
    %get3A_833 = arith.constant 0 : index
    %get3A_834 = vector.load %arg15[%get3A_832, %get3A_833] : memref<4096x192xf32, #tpu.memory_space<vmem>>, vector<64x192xf32>
    %dot_general3A_835 = arith.constant dense<0.000000e+00> : vector<32x192xf32>
    %dot_general3A_836 = tpu.matmul %get3A_9, %get3A_834, %dot_general3A_835 {dimension_numbers = #tpu.dot_dimension_numbers<[1], [0], [0], [1], [0, 0, 1, 1], [], []>, transpose_lhs_hint = false} : vector<32x64xf32>, vector<64x192xf32>, vector<32x192xf32> -> vector<32x192xf32>
    %swap3A_837 = arith.constant 672 : index
    %swap3A_838 = arith.constant 0 : index
    %swap3A_839 = vector.load %arg16[%swap3A_837, %swap3A_838] : memref<2048x192xf32, #tpu.memory_space<vmem>>, vector<32x192xf32>
    tpu.vector_store %arg16[%swap3A_837, %swap3A_838], %dot_general3A_836 {strides = array<i32>} : memref<2048x192xf32, #tpu.memory_space<vmem>>, vector<32x192xf32>,
    %get3A_840 = arith.constant 1408 : index
    %get3A_841 = arith.constant 0 : index
    %get3A_842 = vector.load %arg15[%get3A_840, %get3A_841] : memref<4096x192xf32, #tpu.memory_space<vmem>>, vector<64x192xf32>
    %dot_general3A_843 = arith.constant dense<0.000000e+00> : vector<32x192xf32>
    %dot_general3A_844 = tpu.matmul %get3A_9, %get3A_842, %dot_general3A_843 {dimension_numbers = #tpu.dot_dimension_numbers<[1], [0], [0], [1], [0, 0, 1, 1], [], []>, transpose_lhs_hint = false} : vector<32x64xf32>, vector<64x192xf32>, vector<32x192xf32> -> vector<32x192xf32>
    %swap3A_845 = arith.constant 704 : index
    %swap3A_846 = arith.constant 0 : index
    %swap3A_847 = vector.load %arg16[%swap3A_845, %swap3A_846] : memref<2048x192xf32, #tpu.memory_space<vmem>>, vector<32x192xf32>
    tpu.vector_store %arg16[%swap3A_845, %swap3A_846], %dot_general3A_844 {strides = array<i32>} : memref<2048x192xf32, #tpu.memory_space<vmem>>, vector<32x192xf32>,
    %get3A_848 = arith.constant 1472 : index
    %get3A_849 = arith.constant 0 : index
    %get3A_850 = vector.load %arg15[%get3A_848, %get3A_849] : memref<4096x192xf32, #tpu.memory_space<vmem>>, vector<64x192xf32>
    %dot_general3A_851 = arith.constant dense<0.000000e+00> : vector<32x192xf32>
    %dot_general3A_852 = tpu.matmul %get3A_9, %get3A_850, %dot_general3A_851 {dimension_numbers = #tpu.dot_dimension_numbers<[1], [0], [0], [1], [0, 0, 1, 1], [], []>, transpose_lhs_hint = false} : vector<32x64xf32>, vector<64x192xf32>, vector<32x192xf32> -> vector<32x192xf32>
    %swap3A_853 = arith.constant 736 : index
    %swap3A_854 = arith.constant 0 : index
    %swap3A_855 = vector.load %arg16[%swap3A_853, %swap3A_854] : memref<2048x192xf32, #tpu.memory_space<vmem>>, vector<32x192xf32>
    tpu.vector_store %arg16[%swap3A_853, %swap3A_854], %dot_general3A_852 {strides = array<i32>} : memref<2048x192xf32, #tpu.memory_space<vmem>>, vector<32x192xf32>,
    %get3A_856 = arith.constant 1536 : index
    %get3A_857 = arith.constant 0 : index
    %get3A_858 = vector.load %arg15[%get3A_856, %get3A_857] : memref<4096x192xf32, #tpu.memory_space<vmem>>, vector<64x192xf32>
    %dot_general3A_859 = arith.constant dense<0.000000e+00> : vector<32x192xf32>
    %dot_general3A_860 = tpu.matmul %get3A_9, %get3A_858, %dot_general3A_859 {dimension_numbers = #tpu.dot_dimension_numbers<[1], [0], [0], [1], [0, 0, 1, 1], [], []>, transpose_lhs_hint = false} : vector<32x64xf32>, vector<64x192xf32>, vector<32x192xf32> -> vector<32x192xf32>
    %swap3A_861 = arith.constant 768 : index
    %swap3A_862 = arith.constant 0 : index
    %swap3A_863 = vector.load %arg16[%swap3A_861, %swap3A_862] : memref<2048x192xf32, #tpu.memory_space<vmem>>, vector<32x192xf32>
    tpu.vector_store %arg16[%swap3A_861, %swap3A_862], %dot_general3A_860 {strides = array<i32>} : memref<2048x192xf32, #tpu.memory_space<vmem>>, vector<32x192xf32>,
    %get3A_864 = arith.constant 1600 : index
    %get3A_865 = arith.constant 0 : index
    %get3A_866 = vector.load %arg15[%get3A_864, %get3A_865] : memref<4096x192xf32, #tpu.memory_space<vmem>>, vector<64x192xf32>
    %dot_general3A_867 = arith.constant dense<0.000000e+00> : vector<32x192xf32>
    %dot_general3A_868 = tpu.matmul %get3A_9, %get3A_866, %dot_general3A_867 {dimension_numbers = #tpu.dot_dimension_numbers<[1], [0], [0], [1], [0, 0, 1, 1], [], []>, transpose_lhs_hint = false} : vector<32x64xf32>, vector<64x192xf32>, vector<32x192xf32> -> vector<32x192xf32>
    %swap3A_869 = arith.constant 800 : index
    %swap3A_870 = arith.constant 0 : index
    %swap3A_871 = vector.load %arg16[%swap3A_869, %swap3A_870] : memref<2048x192xf32, #tpu.memory_space<vmem>>, vector<32x192xf32>
    tpu.vector_store %arg16[%swap3A_869, %swap3A_870], %dot_general3A_868 {strides = array<i32>} : memref<2048x192xf32, #tpu.memory_space<vmem>>, vector<32x192xf32>,
    %get3A_872 = arith.constant 1664 : index
    %get3A_873 = arith.constant 0 : index
    %get3A_874 = vector.load %arg15[%get3A_872, %get3A_873] : memref<4096x192xf32, #tpu.memory_space<vmem>>, vector<64x192xf32>
    %dot_general3A_875 = arith.constant dense<0.000000e+00> : vector<32x192xf32>
    %dot_general3A_876 = tpu.matmul %get3A_9, %get3A_874, %dot_general3A_875 {dimension_numbers = #tpu.dot_dimension_numbers<[1], [0], [0], [1], [0, 0, 1, 1], [], []>, transpose_lhs_hint = false} : vector<32x64xf32>, vector<64x192xf32>, vector<32x192xf32> -> vector<32x192xf32>
    %swap3A_877 = arith.constant 832 : index
    %swap3A_878 = arith.constant 0 : index
    %swap3A_879 = vector.load %arg16[%swap3A_877, %swap3A_878] : memref<2048x192xf32, #tpu.memory_space<vmem>>, vector<32x192xf32>
    tpu.vector_store %arg16[%swap3A_877, %swap3A_878], %dot_general3A_876 {strides = array<i32>} : memref<2048x192xf32, #tpu.memory_space<vmem>>, vector<32x192xf32>,
    %get3A_880 = arith.constant 1728 : index
    %get3A_881 = arith.constant 0 : index
    %get3A_882 = vector.load %arg15[%get3A_880, %get3A_881] : memref<4096x192xf32, #tpu.memory_space<vmem>>, vector<64x192xf32>
    %dot_general3A_883 = arith.constant dense<0.000000e+00> : vector<32x192xf32>
    %dot_general3A_884 = tpu.matmul %get3A_9, %get3A_882, %dot_general3A_883 {dimension_numbers = #tpu.dot_dimension_numbers<[1], [0], [0], [1], [0, 0, 1, 1], [], []>, transpose_lhs_hint = false} : vector<32x64xf32>, vector<64x192xf32>, vector<32x192xf32> -> vector<32x192xf32>
    %swap3A_885 = arith.constant 864 : index
    %swap3A_886 = arith.constant 0 : index
    %swap3A_887 = vector.load %arg16[%swap3A_885, %swap3A_886] : memref<2048x192xf32, #tpu.memory_space<vmem>>, vector<32x192xf32>
    tpu.vector_store %arg16[%swap3A_885, %swap3A_886], %dot_general3A_884 {strides = array<i32>} : memref<2048x192xf32, #tpu.memory_space<vmem>>, vector<32x192xf32>,
    %get3A_888 = arith.constant 1792 : index
    %get3A_889 = arith.constant 0 : index
    %get3A_890 = vector.load %arg15[%get3A_888, %get3A_889] : memref<4096x192xf32, #tpu.memory_space<vmem>>, vector<64x192xf32>
    %dot_general3A_891 = arith.constant dense<0.000000e+00> : vector<32x192xf32>
    %dot_general3A_892 = tpu.matmul %get3A_9, %get3A_890, %dot_general3A_891 {dimension_numbers = #tpu.dot_dimension_numbers<[1], [0], [0], [1], [0, 0, 1, 1], [], []>, transpose_lhs_hint = false} : vector<32x64xf32>, vector<64x192xf32>, vector<32x192xf32> -> vector<32x192xf32>
    %swap3A_893 = arith.constant 896 : index
    %swap3A_894 = arith.constant 0 : index
    %swap3A_895 = vector.load %arg16[%swap3A_893, %swap3A_894] : memref<2048x192xf32, #tpu.memory_space<vmem>>, vector<32x192xf32>
    tpu.vector_store %arg16[%swap3A_893, %swap3A_894], %dot_general3A_892 {strides = array<i32>} : memref<2048x192xf32, #tpu.memory_space<vmem>>, vector<32x192xf32>,
    %get3A_896 = arith.constant 1856 : index
    %get3A_897 = arith.constant 0 : index
    %get3A_898 = vector.load %arg15[%get3A_896, %get3A_897] : memref<4096x192xf32, #tpu.memory_space<vmem>>, vector<64x192xf32>
    %dot_general3A_899 = arith.constant dense<0.000000e+00> : vector<32x192xf32>
    %dot_general3A_900 = tpu.matmul %get3A_9, %get3A_898, %dot_general3A_899 {dimension_numbers = #tpu.dot_dimension_numbers<[1], [0], [0], [1], [0, 0, 1, 1], [], []>, transpose_lhs_hint = false} : vector<32x64xf32>, vector<64x192xf32>, vector<32x192xf32> -> vector<32x192xf32>
    %swap3A_901 = arith.constant 928 : index
    %swap3A_902 = arith.constant 0 : index
    %swap3A_903 = vector.load %arg16[%swap3A_901, %swap3A_902] : memref<2048x192xf32, #tpu.memory_space<vmem>>, vector<32x192xf32>
    tpu.vector_store %arg16[%swap3A_901, %swap3A_902], %dot_general3A_900 {strides = array<i32>} : memref<2048x192xf32, #tpu.memory_space<vmem>>, vector<32x192xf32>,
    %get3A_904 = arith.constant 1920 : index
    %get3A_905 = arith.constant 0 : index
    %get3A_906 = vector.load %arg15[%get3A_904, %get3A_905] : memref<4096x192xf32, #tpu.memory_space<vmem>>, vector<64x192xf32>
    %dot_general3A_907 = arith.constant dense<0.000000e+00> : vector<32x192xf32>
    %dot_general3A_908 = tpu.matmul %get3A_9, %get3A_906, %dot_general3A_907 {dimension_numbers = #tpu.dot_dimension_numbers<[1], [0], [0], [1], [0, 0, 1, 1], [], []>, transpose_lhs_hint = false} : vector<32x64xf32>, vector<64x192xf32>, vector<32x192xf32> -> vector<32x192xf32>
    %swap3A_909 = arith.constant 960 : index
    %swap3A_910 = arith.constant 0 : index
    %swap3A_911 = vector.load %arg16[%swap3A_909, %swap3A_910] : memref<2048x192xf32, #tpu.memory_space<vmem>>, vector<32x192xf32>
    tpu.vector_store %arg16[%swap3A_909, %swap3A_910], %dot_general3A_908 {strides = array<i32>} : memref<2048x192xf32, #tpu.memory_space<vmem>>, vector<32x192xf32>,
    %get3A_912 = arith.constant 1984 : index
    %get3A_913 = arith.constant 0 : index
    %get3A_914 = vector.load %arg15[%get3A_912, %get3A_913] : memref<4096x192xf32, #tpu.memory_space<vmem>>, vector<64x192xf32>
    %dot_general3A_915 = arith.constant dense<0.000000e+00> : vector<32x192xf32>
    %dot_general3A_916 = tpu.matmul %get3A_9, %get3A_914, %dot_general3A_915 {dimension_numbers = #tpu.dot_dimension_numbers<[1], [0], [0], [1], [0, 0, 1, 1], [], []>, transpose_lhs_hint = false} : vector<32x64xf32>, vector<64x192xf32>, vector<32x192xf32> -> vector<32x192xf32>
    %swap3A_917 = arith.constant 992 : index
    %swap3A_918 = arith.constant 0 : index
    %swap3A_919 = vector.load %arg16[%swap3A_917, %swap3A_918] : memref<2048x192xf32, #tpu.memory_space<vmem>>, vector<32x192xf32>
    tpu.vector_store %arg16[%swap3A_917, %swap3A_918], %dot_general3A_916 {strides = array<i32>} : memref<2048x192xf32, #tpu.memory_space<vmem>>, vector<32x192xf32>,
    %get3A_920 = arith.constant 2048 : index
    %get3A_921 = arith.constant 0 : index
    %get3A_922 = vector.load %arg15[%get3A_920, %get3A_921] : memref<4096x192xf32, #tpu.memory_space<vmem>>, vector<64x192xf32>
    %dot_general3A_923 = arith.constant dense<0.000000e+00> : vector<32x192xf32>
    %dot_general3A_924 = tpu.matmul %get3A_9, %get3A_922, %dot_general3A_923 {dimension_numbers = #tpu.dot_dimension_numbers<[1], [0], [0], [1], [0, 0, 1, 1], [], []>, transpose_lhs_hint = false} : vector<32x64xf32>, vector<64x192xf32>, vector<32x192xf32> -> vector<32x192xf32>
    %swap3A_925 = arith.constant 1024 : index
    %swap3A_926 = arith.constant 0 : index
    %swap3A_927 = vector.load %arg16[%swap3A_925, %swap3A_926] : memref<2048x192xf32, #tpu.memory_space<vmem>>, vector<32x192xf32>
    tpu.vector_store %arg16[%swap3A_925, %swap3A_926], %dot_general3A_924 {strides = array<i32>} : memref<2048x192xf32, #tpu.memory_space<vmem>>, vector<32x192xf32>,
    %get3A_928 = arith.constant 2112 : index
    %get3A_929 = arith.constant 0 : index
    %get3A_930 = vector.load %arg15[%get3A_928, %get3A_929] : memref<4096x192xf32, #tpu.memory_space<vmem>>, vector<64x192xf32>
    %dot_general3A_931 = arith.constant dense<0.000000e+00> : vector<32x192xf32>
    %dot_general3A_932 = tpu.matmul %get3A_9, %get3A_930, %dot_general3A_931 {dimension_numbers = #tpu.dot_dimension_numbers<[1], [0], [0], [1], [0, 0, 1, 1], [], []>, transpose_lhs_hint = false} : vector<32x64xf32>, vector<64x192xf32>, vector<32x192xf32> -> vector<32x192xf32>
    %swap3A_933 = arith.constant 1056 : index
    %swap3A_934 = arith.constant 0 : index
    %swap3A_935 = vector.load %arg16[%swap3A_933, %swap3A_934] : memref<2048x192xf32, #tpu.memory_space<vmem>>, vector<32x192xf32>
    tpu.vector_store %arg16[%swap3A_933, %swap3A_934], %dot_general3A_932 {strides = array<i32>} : memref<2048x192xf32, #tpu.memory_space<vmem>>, vector<32x192xf32>,
    %get3A_936 = arith.constant 2176 : index
    %get3A_937 = arith.constant 0 : index
    %get3A_938 = vector.load %arg15[%get3A_936, %get3A_937] : memref<4096x192xf32, #tpu.memory_space<vmem>>, vector<64x192xf32>
    %dot_general3A_939 = arith.constant dense<0.000000e+00> : vector<32x192xf32>
    %dot_general3A_940 = tpu.matmul %get3A_9, %get3A_938, %dot_general3A_939 {dimension_numbers = #tpu.dot_dimension_numbers<[1], [0], [0], [1], [0, 0, 1, 1], [], []>, transpose_lhs_hint = false} : vector<32x64xf32>, vector<64x192xf32>, vector<32x192xf32> -> vector<32x192xf32>
    %swap3A_941 = arith.constant 1088 : index
    %swap3A_942 = arith.constant 0 : index
    %swap3A_943 = vector.load %arg16[%swap3A_941, %swap3A_942] : memref<2048x192xf32, #tpu.memory_space<vmem>>, vector<32x192xf32>
    tpu.vector_store %arg16[%swap3A_941, %swap3A_942], %dot_general3A_940 {strides = array<i32>} : memref<2048x192xf32, #tpu.memory_space<vmem>>, vector<32x192xf32>,
    %get3A_944 = arith.constant 2240 : index
    %get3A_945 = arith.constant 0 : index
    %get3A_946 = vector.load %arg15[%get3A_944, %get3A_945] : memref<4096x192xf32, #tpu.memory_space<vmem>>, vector<64x192xf32>
    %dot_general3A_947 = arith.constant dense<0.000000e+00> : vector<32x192xf32>
    %dot_general3A_948 = tpu.matmul %get3A_9, %get3A_946, %dot_general3A_947 {dimension_numbers = #tpu.dot_dimension_numbers<[1], [0], [0], [1], [0, 0, 1, 1], [], []>, transpose_lhs_hint = false} : vector<32x64xf32>, vector<64x192xf32>, vector<32x192xf32> -> vector<32x192xf32>
    %swap3A_949 = arith.constant 1120 : index
    %swap3A_950 = arith.constant 0 : index
    %swap3A_951 = vector.load %arg16[%swap3A_949, %swap3A_950] : memref<2048x192xf32, #tpu.memory_space<vmem>>, vector<32x192xf32>
    tpu.vector_store %arg16[%swap3A_949, %swap3A_950], %dot_general3A_948 {strides = array<i32>} : memref<2048x192xf32, #tpu.memory_space<vmem>>, vector<32x192xf32>,
    %get3A_952 = arith.constant 2304 : index
    %get3A_953 = arith.constant 0 : index
    %get3A_954 = vector.load %arg15[%get3A_952, %get3A_953] : memref<4096x192xf32, #tpu.memory_space<vmem>>, vector<64x192xf32>
    %dot_general3A_955 = arith.constant dense<0.000000e+00> : vector<32x192xf32>
    %dot_general3A_956 = tpu.matmul %get3A_9, %get3A_954, %dot_general3A_955 {dimension_numbers = #tpu.dot_dimension_numbers<[1], [0], [0], [1], [0, 0, 1, 1], [], []>, transpose_lhs_hint = false} : vector<32x64xf32>, vector<64x192xf32>, vector<32x192xf32> -> vector<32x192xf32>
    %swap3A_957 = arith.constant 1152 : index
    %swap3A_958 = arith.constant 0 : index
    %swap3A_959 = vector.load %arg16[%swap3A_957, %swap3A_958] : memref<2048x192xf32, #tpu.memory_space<vmem>>, vector<32x192xf32>
    tpu.vector_store %arg16[%swap3A_957, %swap3A_958], %dot_general3A_956 {strides = array<i32>} : memref<2048x192xf32, #tpu.memory_space<vmem>>, vector<32x192xf32>,
    %get3A_960 = arith.constant 2368 : index
    %get3A_961 = arith.constant 0 : index
    %get3A_962 = vector.load %arg15[%get3A_960, %get3A_961] : memref<4096x192xf32, #tpu.memory_space<vmem>>, vector<64x192xf32>
    %dot_general3A_963 = arith.constant dense<0.000000e+00> : vector<32x192xf32>
    %dot_general3A_964 = tpu.matmul %get3A_9, %get3A_962, %dot_general3A_963 {dimension_numbers = #tpu.dot_dimension_numbers<[1], [0], [0], [1], [0, 0, 1, 1], [], []>, transpose_lhs_hint = false} : vector<32x64xf32>, vector<64x192xf32>, vector<32x192xf32> -> vector<32x192xf32>
    %swap3A_965 = arith.constant 1184 : index
    %swap3A_966 = arith.constant 0 : index
    %swap3A_967 = vector.load %arg16[%swap3A_965, %swap3A_966] : memref<2048x192xf32, #tpu.memory_space<vmem>>, vector<32x192xf32>
    tpu.vector_store %arg16[%swap3A_965, %swap3A_966], %dot_general3A_964 {strides = array<i32>} : memref<2048x192xf32, #tpu.memory_space<vmem>>, vector<32x192xf32>,
    %get3A_968 = arith.constant 2432 : index
    %get3A_969 = arith.constant 0 : index
    %get3A_970 = vector.load %arg15[%get3A_968, %get3A_969] : memref<4096x192xf32, #tpu.memory_space<vmem>>, vector<64x192xf32>
    %dot_general3A_971 = arith.constant dense<0.000000e+00> : vector<32x192xf32>
    %dot_general3A_972 = tpu.matmul %get3A_9, %get3A_970, %dot_general3A_971 {dimension_numbers = #tpu.dot_dimension_numbers<[1], [0], [0], [1], [0, 0, 1, 1], [], []>, transpose_lhs_hint = false} : vector<32x64xf32>, vector<64x192xf32>, vector<32x192xf32> -> vector<32x192xf32>
    %swap3A_973 = arith.constant 1216 : index
    %swap3A_974 = arith.constant 0 : index
    %swap3A_975 = vector.load %arg16[%swap3A_973, %swap3A_974] : memref<2048x192xf32, #tpu.memory_space<vmem>>, vector<32x192xf32>
    tpu.vector_store %arg16[%swap3A_973, %swap3A_974], %dot_general3A_972 {strides = array<i32>} : memref<2048x192xf32, #tpu.memory_space<vmem>>, vector<32x192xf32>,
    %get3A_976 = arith.constant 2496 : index
    %get3A_977 = arith.constant 0 : index
    %get3A_978 = vector.load %arg15[%get3A_976, %get3A_977] : memref<4096x192xf32, #tpu.memory_space<vmem>>, vector<64x192xf32>
    %dot_general3A_979 = arith.constant dense<0.000000e+00> : vector<32x192xf32>
    %dot_general3A_980 = tpu.matmul %get3A_9, %get3A_978, %dot_general3A_979 {dimension_numbers = #tpu.dot_dimension_numbers<[1], [0], [0], [1], [0, 0, 1, 1], [], []>, transpose_lhs_hint = false} : vector<32x64xf32>, vector<64x192xf32>, vector<32x192xf32> -> vector<32x192xf32>
    %swap3A_981 = arith.constant 1248 : index
    %swap3A_982 = arith.constant 0 : index
    %swap3A_983 = vector.load %arg16[%swap3A_981, %swap3A_982] : memref<2048x192xf32, #tpu.memory_space<vmem>>, vector<32x192xf32>
    tpu.vector_store %arg16[%swap3A_981, %swap3A_982], %dot_general3A_980 {strides = array<i32>} : memref<2048x192xf32, #tpu.memory_space<vmem>>, vector<32x192xf32>,
    %get3A_984 = arith.constant 2560 : index
    %get3A_985 = arith.constant 0 : index
    %get3A_986 = vector.load %arg15[%get3A_984, %get3A_985] : memref<4096x192xf32, #tpu.memory_space<vmem>>, vector<64x192xf32>
    %dot_general3A_987 = arith.constant dense<0.000000e+00> : vector<32x192xf32>
    %dot_general3A_988 = tpu.matmul %get3A_9, %get3A_986, %dot_general3A_987 {dimension_numbers = #tpu.dot_dimension_numbers<[1], [0], [0], [1], [0, 0, 1, 1], [], []>, transpose_lhs_hint = false} : vector<32x64xf32>, vector<64x192xf32>, vector<32x192xf32> -> vector<32x192xf32>
    %swap3A_989 = arith.constant 1280 : index
    %swap3A_990 = arith.constant 0 : index
    %swap3A_991 = vector.load %arg16[%swap3A_989, %swap3A_990] : memref<2048x192xf32, #tpu.memory_space<vmem>>, vector<32x192xf32>
    tpu.vector_store %arg16[%swap3A_989, %swap3A_990], %dot_general3A_988 {strides = array<i32>} : memref<2048x192xf32, #tpu.memory_space<vmem>>, vector<32x192xf32>,
    %get3A_992 = arith.constant 2624 : index
    %get3A_993 = arith.constant 0 : index
    %get3A_994 = vector.load %arg15[%get3A_992, %get3A_993] : memref<4096x192xf32, #tpu.memory_space<vmem>>, vector<64x192xf32>
    %dot_general3A_995 = arith.constant dense<0.000000e+00> : vector<32x192xf32>
    %dot_general3A_996 = tpu.matmul %get3A_9, %get3A_994, %dot_general3A_995 {dimension_numbers = #tpu.dot_dimension_numbers<[1], [0], [0], [1], [0, 0, 1, 1], [], []>, transpose_lhs_hint = false} : vector<32x64xf32>, vector<64x192xf32>, vector<32x192xf32> -> vector<32x192xf32>
    %swap3A_997 = arith.constant 1312 : index
    %swap3A_998 = arith.constant 0 : index
    %swap3A_999 = vector.load %arg16[%swap3A_997, %swap3A_998] : memref<2048x192xf32, #tpu.memory_space<vmem>>, vector<32x192xf32>
    tpu.vector_store %arg16[%swap3A_997, %swap3A_998], %dot_general3A_996 {strides = array<i32>} : memref<2048x192xf32, #tpu.memory_space<vmem>>, vector<32x192xf32>,
    %get3A_1000 = arith.constant 2688 : index
    %get3A_1001 = arith.constant 0 : index
    %get3A_1002 = vector.load %arg15[%get3A_1000, %get3A_1001] : memref<4096x192xf32, #tpu.memory_space<vmem>>, vector<64x192xf32>
    %dot_general3A_1003 = arith.constant dense<0.000000e+00> : vector<32x192xf32>
    %dot_general3A_1004 = tpu.matmul %get3A_9, %get3A_1002, %dot_general3A_1003 {dimension_numbers = #tpu.dot_dimension_numbers<[1], [0], [0], [1], [0, 0, 1, 1], [], []>, transpose_lhs_hint = false} : vector<32x64xf32>, vector<64x192xf32>, vector<32x192xf32> -> vector<32x192xf32>
    %swap3A_1005 = arith.constant 1344 : index
    %swap3A_1006 = arith.constant 0 : index
    %swap3A_1007 = vector.load %arg16[%swap3A_1005, %swap3A_1006] : memref<2048x192xf32, #tpu.memory_space<vmem>>, vector<32x192xf32>
    tpu.vector_store %arg16[%swap3A_1005, %swap3A_1006], %dot_general3A_1004 {strides = array<i32>} : memref<2048x192xf32, #tpu.memory_space<vmem>>, vector<32x192xf32>,
    %get3A_1008 = arith.constant 2752 : index
    %get3A_1009 = arith.constant 0 : index
    %get3A_1010 = vector.load %arg15[%get3A_1008, %get3A_1009] : memref<4096x192xf32, #tpu.memory_space<vmem>>, vector<64x192xf32>
    %dot_general3A_1011 = arith.constant dense<0.000000e+00> : vector<32x192xf32>
    %dot_general3A_1012 = tpu.matmul %get3A_9, %get3A_1010, %dot_general3A_1011 {dimension_numbers = #tpu.dot_dimension_numbers<[1], [0], [0], [1], [0, 0, 1, 1], [], []>, transpose_lhs_hint = false} : vector<32x64xf32>, vector<64x192xf32>, vector<32x192xf32> -> vector<32x192xf32>
    %swap3A_1013 = arith.constant 1376 : index
    %swap3A_1014 = arith.constant 0 : index
    %swap3A_1015 = vector.load %arg16[%swap3A_1013, %swap3A_1014] : memref<2048x192xf32, #tpu.memory_space<vmem>>, vector<32x192xf32>
    tpu.vector_store %arg16[%swap3A_1013, %swap3A_1014], %dot_general3A_1012 {strides = array<i32>} : memref<2048x192xf32, #tpu.memory_space<vmem>>, vector<32x192xf32>,
    %get3A_1016 = arith.constant 2816 : index
    %get3A_1017 = arith.constant 0 : index
    %get3A_1018 = vector.load %arg15[%get3A_1016, %get3A_1017] : memref<4096x192xf32, #tpu.memory_space<vmem>>, vector<64x192xf32>
    %dot_general3A_1019 = arith.constant dense<0.000000e+00> : vector<32x192xf32>
    %dot_general3A_1020 = tpu.matmul %get3A_9, %get3A_1018, %dot_general3A_1019 {dimension_numbers = #tpu.dot_dimension_numbers<[1], [0], [0], [1], [0, 0, 1, 1], [], []>, transpose_lhs_hint = false} : vector<32x64xf32>, vector<64x192xf32>, vector<32x192xf32> -> vector<32x192xf32>
    %swap3A_1021 = arith.constant 1408 : index
    %swap3A_1022 = arith.constant 0 : index
    %swap3A_1023 = vector.load %arg16[%swap3A_1021, %swap3A_1022] : memref<2048x192xf32, #tpu.memory_space<vmem>>, vector<32x192xf32>
    tpu.vector_store %arg16[%swap3A_1021, %swap3A_1022], %dot_general3A_1020 {strides = array<i32>} : memref<2048x192xf32, #tpu.memory_space<vmem>>, vector<32x192xf32>,
    %get3A_1024 = arith.constant 2880 : index
    %get3A_1025 = arith.constant 0 : index
    %get3A_1026 = vector.load %arg15[%get3A_1024, %get3A_1025] : memref<4096x192xf32, #tpu.memory_space<vmem>>, vector<64x192xf32>
    %dot_general3A_1027 = arith.constant dense<0.000000e+00> : vector<32x192xf32>
    %dot_general3A_1028 = tpu.matmul %get3A_9, %get3A_1026, %dot_general3A_1027 {dimension_numbers = #tpu.dot_dimension_numbers<[1], [0], [0], [1], [0, 0, 1, 1], [], []>, transpose_lhs_hint = false} : vector<32x64xf32>, vector<64x192xf32>, vector<32x192xf32> -> vector<32x192xf32>
    %swap3A_1029 = arith.constant 1440 : index
    %swap3A_1030 = arith.constant 0 : index
    %swap3A_1031 = vector.load %arg16[%swap3A_1029, %swap3A_1030] : memref<2048x192xf32, #tpu.memory_space<vmem>>, vector<32x192xf32>
    tpu.vector_store %arg16[%swap3A_1029, %swap3A_1030], %dot_general3A_1028 {strides = array<i32>} : memref<2048x192xf32, #tpu.memory_space<vmem>>, vector<32x192xf32>,
    %get3A_1032 = arith.constant 2944 : index
    %get3A_1033 = arith.constant 0 : index
    %get3A_1034 = vector.load %arg15[%get3A_1032, %get3A_1033] : memref<4096x192xf32, #tpu.memory_space<vmem>>, vector<64x192xf32>
    %dot_general3A_1035 = arith.constant dense<0.000000e+00> : vector<32x192xf32>
    %dot_general3A_1036 = tpu.matmul %get3A_9, %get3A_1034, %dot_general3A_1035 {dimension_numbers = #tpu.dot_dimension_numbers<[1], [0], [0], [1], [0, 0, 1, 1], [], []>, transpose_lhs_hint = false} : vector<32x64xf32>, vector<64x192xf32>, vector<32x192xf32> -> vector<32x192xf32>
    %swap3A_1037 = arith.constant 1472 : index
    %swap3A_1038 = arith.constant 0 : index
    %swap3A_1039 = vector.load %arg16[%swap3A_1037, %swap3A_1038] : memref<2048x192xf32, #tpu.memory_space<vmem>>, vector<32x192xf32>
    tpu.vector_store %arg16[%swap3A_1037, %swap3A_1038], %dot_general3A_1036 {strides = array<i32>} : memref<2048x192xf32, #tpu.memory_space<vmem>>, vector<32x192xf32>,
    %get3A_1040 = arith.constant 3008 : index
    %get3A_1041 = arith.constant 0 : index
    %get3A_1042 = vector.load %arg15[%get3A_1040, %get3A_1041] : memref<4096x192xf32, #tpu.memory_space<vmem>>, vector<64x192xf32>
    %dot_general3A_1043 = arith.constant dense<0.000000e+00> : vector<32x192xf32>
    %dot_general3A_1044 = tpu.matmul %get3A_9, %get3A_1042, %dot_general3A_1043 {dimension_numbers = #tpu.dot_dimension_numbers<[1], [0], [0], [1], [0, 0, 1, 1], [], []>, transpose_lhs_hint = false} : vector<32x64xf32>, vector<64x192xf32>, vector<32x192xf32> -> vector<32x192xf32>
    %swap3A_1045 = arith.constant 1504 : index
    %swap3A_1046 = arith.constant 0 : index
    %swap3A_1047 = vector.load %arg16[%swap3A_1045, %swap3A_1046] : memref<2048x192xf32, #tpu.memory_space<vmem>>, vector<32x192xf32>
    tpu.vector_store %arg16[%swap3A_1045, %swap3A_1046], %dot_general3A_1044 {strides = array<i32>} : memref<2048x192xf32, #tpu.memory_space<vmem>>, vector<32x192xf32>,
    %get3A_1048 = arith.constant 3072 : index
    %get3A_1049 = arith.constant 0 : index
    %get3A_1050 = vector.load %arg15[%get3A_1048, %get3A_1049] : memref<4096x192xf32, #tpu.memory_space<vmem>>, vector<64x192xf32>
    %dot_general3A_1051 = arith.constant dense<0.000000e+00> : vector<32x192xf32>
    %dot_general3A_1052 = tpu.matmul %get3A_9, %get3A_1050, %dot_general3A_1051 {dimension_numbers = #tpu.dot_dimension_numbers<[1], [0], [0], [1], [0, 0, 1, 1], [], []>, transpose_lhs_hint = false} : vector<32x64xf32>, vector<64x192xf32>, vector<32x192xf32> -> vector<32x192xf32>
    %swap3A_1053 = arith.constant 1536 : index
    %swap3A_1054 = arith.constant 0 : index
    %swap3A_1055 = vector.load %arg16[%swap3A_1053, %swap3A_1054] : memref<2048x192xf32, #tpu.memory_space<vmem>>, vector<32x192xf32>
    tpu.vector_store %arg16[%swap3A_1053, %swap3A_1054], %dot_general3A_1052 {strides = array<i32>} : memref<2048x192xf32, #tpu.memory_space<vmem>>, vector<32x192xf32>,
    %get3A_1056 = arith.constant 3136 : index
    %get3A_1057 = arith.constant 0 : index
    %get3A_1058 = vector.load %arg15[%get3A_1056, %get3A_1057] : memref<4096x192xf32, #tpu.memory_space<vmem>>, vector<64x192xf32>
    %dot_general3A_1059 = arith.constant dense<0.000000e+00> : vector<32x192xf32>
    %dot_general3A_1060 = tpu.matmul %get3A_9, %get3A_1058, %dot_general3A_1059 {dimension_numbers = #tpu.dot_dimension_numbers<[1], [0], [0], [1], [0, 0, 1, 1], [], []>, transpose_lhs_hint = false} : vector<32x64xf32>, vector<64x192xf32>, vector<32x192xf32> -> vector<32x192xf32>
    %swap3A_1061 = arith.constant 1568 : index
    %swap3A_1062 = arith.constant 0 : index
    %swap3A_1063 = vector.load %arg16[%swap3A_1061, %swap3A_1062] : memref<2048x192xf32, #tpu.memory_space<vmem>>, vector<32x192xf32>
    tpu.vector_store %arg16[%swap3A_1061, %swap3A_1062], %dot_general3A_1060 {strides = array<i32>} : memref<2048x192xf32, #tpu.memory_space<vmem>>, vector<32x192xf32>,
    %get3A_1064 = arith.constant 3200 : index
    %get3A_1065 = arith.constant 0 : index
    %get3A_1066 = vector.load %arg15[%get3A_1064, %get3A_1065] : memref<4096x192xf32, #tpu.memory_space<vmem>>, vector<64x192xf32>
    %dot_general3A_1067 = arith.constant dense<0.000000e+00> : vector<32x192xf32>
    %dot_general3A_1068 = tpu.matmul %get3A_9, %get3A_1066, %dot_general3A_1067 {dimension_numbers = #tpu.dot_dimension_numbers<[1], [0], [0], [1], [0, 0, 1, 1], [], []>, transpose_lhs_hint = false} : vector<32x64xf32>, vector<64x192xf32>, vector<32x192xf32> -> vector<32x192xf32>
    %swap3A_1069 = arith.constant 1600 : index
    %swap3A_1070 = arith.constant 0 : index
    %swap3A_1071 = vector.load %arg16[%swap3A_1069, %swap3A_1070] : memref<2048x192xf32, #tpu.memory_space<vmem>>, vector<32x192xf32>
    tpu.vector_store %arg16[%swap3A_1069, %swap3A_1070], %dot_general3A_1068 {strides = array<i32>} : memref<2048x192xf32, #tpu.memory_space<vmem>>, vector<32x192xf32>,
    %get3A_1072 = arith.constant 3264 : index
    %get3A_1073 = arith.constant 0 : index
    %get3A_1074 = vector.load %arg15[%get3A_1072, %get3A_1073] : memref<4096x192xf32, #tpu.memory_space<vmem>>, vector<64x192xf32>
    %dot_general3A_1075 = arith.constant dense<0.000000e+00> : vector<32x192xf32>
    %dot_general3A_1076 = tpu.matmul %get3A_9, %get3A_1074, %dot_general3A_1075 {dimension_numbers = #tpu.dot_dimension_numbers<[1], [0], [0], [1], [0, 0, 1, 1], [], []>, transpose_lhs_hint = false} : vector<32x64xf32>, vector<64x192xf32>, vector<32x192xf32> -> vector<32x192xf32>
    %swap3A_1077 = arith.constant 1632 : index
    %swap3A_1078 = arith.constant 0 : index
    %swap3A_1079 = vector.load %arg16[%swap3A_1077, %swap3A_1078] : memref<2048x192xf32, #tpu.memory_space<vmem>>, vector<32x192xf32>
    tpu.vector_store %arg16[%swap3A_1077, %swap3A_1078], %dot_general3A_1076 {strides = array<i32>} : memref<2048x192xf32, #tpu.memory_space<vmem>>, vector<32x192xf32>,
    %get3A_1080 = arith.constant 3328 : index
    %get3A_1081 = arith.constant 0 : index
    %get3A_1082 = vector.load %arg15[%get3A_1080, %get3A_1081] : memref<4096x192xf32, #tpu.memory_space<vmem>>, vector<64x192xf32>
    %dot_general3A_1083 = arith.constant dense<0.000000e+00> : vector<32x192xf32>
    %dot_general3A_1084 = tpu.matmul %get3A_9, %get3A_1082, %dot_general3A_1083 {dimension_numbers = #tpu.dot_dimension_numbers<[1], [0], [0], [1], [0, 0, 1, 1], [], []>, transpose_lhs_hint = false} : vector<32x64xf32>, vector<64x192xf32>, vector<32x192xf32> -> vector<32x192xf32>
    %swap3A_1085 = arith.constant 1664 : index
    %swap3A_1086 = arith.constant 0 : index
    %swap3A_1087 = vector.load %arg16[%swap3A_1085, %swap3A_1086] : memref<2048x192xf32, #tpu.memory_space<vmem>>, vector<32x192xf32>
    tpu.vector_store %arg16[%swap3A_1085, %swap3A_1086], %dot_general3A_1084 {strides = array<i32>} : memref<2048x192xf32, #tpu.memory_space<vmem>>, vector<32x192xf32>,
    %get3A_1088 = arith.constant 3392 : index
    %get3A_1089 = arith.constant 0 : index
    %get3A_1090 = vector.load %arg15[%get3A_1088, %get3A_1089] : memref<4096x192xf32, #tpu.memory_space<vmem>>, vector<64x192xf32>
    %dot_general3A_1091 = arith.constant dense<0.000000e+00> : vector<32x192xf32>
    %dot_general3A_1092 = tpu.matmul %get3A_9, %get3A_1090, %dot_general3A_1091 {dimension_numbers = #tpu.dot_dimension_numbers<[1], [0], [0], [1], [0, 0, 1, 1], [], []>, transpose_lhs_hint = false} : vector<32x64xf32>, vector<64x192xf32>, vector<32x192xf32> -> vector<32x192xf32>
    %swap3A_1093 = arith.constant 1696 : index
    %swap3A_1094 = arith.constant 0 : index
    %swap3A_1095 = vector.load %arg16[%swap3A_1093, %swap3A_1094] : memref<2048x192xf32, #tpu.memory_space<vmem>>, vector<32x192xf32>
    tpu.vector_store %arg16[%swap3A_1093, %swap3A_1094], %dot_general3A_1092 {strides = array<i32>} : memref<2048x192xf32, #tpu.memory_space<vmem>>, vector<32x192xf32>,
    %get3A_1096 = arith.constant 3456 : index
    %get3A_1097 = arith.constant 0 : index
    %get3A_1098 = vector.load %arg15[%get3A_1096, %get3A_1097] : memref<4096x192xf32, #tpu.memory_space<vmem>>, vector<64x192xf32>
    %dot_general3A_1099 = arith.constant dense<0.000000e+00> : vector<32x192xf32>
    %dot_general3A_1100 = tpu.matmul %get3A_9, %get3A_1098, %dot_general3A_1099 {dimension_numbers = #tpu.dot_dimension_numbers<[1], [0], [0], [1], [0, 0, 1, 1], [], []>, transpose_lhs_hint = false} : vector<32x64xf32>, vector<64x192xf32>, vector<32x192xf32> -> vector<32x192xf32>
    %swap3A_1101 = arith.constant 1728 : index
    %swap3A_1102 = arith.constant 0 : index
    %swap3A_1103 = vector.load %arg16[%swap3A_1101, %swap3A_1102] : memref<2048x192xf32, #tpu.memory_space<vmem>>, vector<32x192xf32>
    tpu.vector_store %arg16[%swap3A_1101, %swap3A_1102], %dot_general3A_1100 {strides = array<i32>} : memref<2048x192xf32, #tpu.memory_space<vmem>>, vector<32x192xf32>,
    %get3A_1104 = arith.constant 3520 : index
    %get3A_1105 = arith.constant 0 : index
    %get3A_1106 = vector.load %arg15[%get3A_1104, %get3A_1105] : memref<4096x192xf32, #tpu.memory_space<vmem>>, vector<64x192xf32>
    %dot_general3A_1107 = arith.constant dense<0.000000e+00> : vector<32x192xf32>
    %dot_general3A_1108 = tpu.matmul %get3A_9, %get3A_1106, %dot_general3A_1107 {dimension_numbers = #tpu.dot_dimension_numbers<[1], [0], [0], [1], [0, 0, 1, 1], [], []>, transpose_lhs_hint = false} : vector<32x64xf32>, vector<64x192xf32>, vector<32x192xf32> -> vector<32x192xf32>
    %swap3A_1109 = arith.constant 1760 : index
    %swap3A_1110 = arith.constant 0 : index
    %swap3A_1111 = vector.load %arg16[%swap3A_1109, %swap3A_1110] : memref<2048x192xf32, #tpu.memory_space<vmem>>, vector<32x192xf32>
    tpu.vector_store %arg16[%swap3A_1109, %swap3A_1110], %dot_general3A_1108 {strides = array<i32>} : memref<2048x192xf32, #tpu.memory_space<vmem>>, vector<32x192xf32>,
    %get3A_1112 = arith.constant 3584 : index
    %get3A_1113 = arith.constant 0 : index
    %get3A_1114 = vector.load %arg15[%get3A_1112, %get3A_1113] : memref<4096x192xf32, #tpu.memory_space<vmem>>, vector<64x192xf32>
    %dot_general3A_1115 = arith.constant dense<0.000000e+00> : vector<32x192xf32>
    %dot_general3A_1116 = tpu.matmul %get3A_9, %get3A_1114, %dot_general3A_1115 {dimension_numbers = #tpu.dot_dimension_numbers<[1], [0], [0], [1], [0, 0, 1, 1], [], []>, transpose_lhs_hint = false} : vector<32x64xf32>, vector<64x192xf32>, vector<32x192xf32> -> vector<32x192xf32>
    %swap3A_1117 = arith.constant 1792 : index
    %swap3A_1118 = arith.constant 0 : index
    %swap3A_1119 = vector.load %arg16[%swap3A_1117, %swap3A_1118] : memref<2048x192xf32, #tpu.memory_space<vmem>>, vector<32x192xf32>
    tpu.vector_store %arg16[%swap3A_1117, %swap3A_1118], %dot_general3A_1116 {strides = array<i32>} : memref<2048x192xf32, #tpu.memory_space<vmem>>, vector<32x192xf32>,
    %get3A_1120 = arith.constant 3648 : index
    %get3A_1121 = arith.constant 0 : index
    %get3A_1122 = vector.load %arg15[%get3A_1120, %get3A_1121] : memref<4096x192xf32, #tpu.memory_space<vmem>>, vector<64x192xf32>
    %dot_general3A_1123 = arith.constant dense<0.000000e+00> : vector<32x192xf32>
    %dot_general3A_1124 = tpu.matmul %get3A_9, %get3A_1122, %dot_general3A_1123 {dimension_numbers = #tpu.dot_dimension_numbers<[1], [0], [0], [1], [0, 0, 1, 1], [], []>, transpose_lhs_hint = false} : vector<32x64xf32>, vector<64x192xf32>, vector<32x192xf32> -> vector<32x192xf32>
    %swap3A_1125 = arith.constant 1824 : index
    %swap3A_1126 = arith.constant 0 : index
    %swap3A_1127 = vector.load %arg16[%swap3A_1125, %swap3A_1126] : memref<2048x192xf32, #tpu.memory_space<vmem>>, vector<32x192xf32>
    tpu.vector_store %arg16[%swap3A_1125, %swap3A_1126], %dot_general3A_1124 {strides = array<i32>} : memref<2048x192xf32, #tpu.memory_space<vmem>>, vector<32x192xf32>,
    %get3A_1128 = arith.constant 3712 : index
    %get3A_1129 = arith.constant 0 : index
    %get3A_1130 = vector.load %arg15[%get3A_1128, %get3A_1129] : memref<4096x192xf32, #tpu.memory_space<vmem>>, vector<64x192xf32>
    %dot_general3A_1131 = arith.constant dense<0.000000e+00> : vector<32x192xf32>
    %dot_general3A_1132 = tpu.matmul %get3A_9, %get3A_1130, %dot_general3A_1131 {dimension_numbers = #tpu.dot_dimension_numbers<[1], [0], [0], [1], [0, 0, 1, 1], [], []>, transpose_lhs_hint = false} : vector<32x64xf32>, vector<64x192xf32>, vector<32x192xf32> -> vector<32x192xf32>
    %swap3A_1133 = arith.constant 1856 : index
    %swap3A_1134 = arith.constant 0 : index
    %swap3A_1135 = vector.load %arg16[%swap3A_1133, %swap3A_1134] : memref<2048x192xf32, #tpu.memory_space<vmem>>, vector<32x192xf32>
    tpu.vector_store %arg16[%swap3A_1133, %swap3A_1134], %dot_general3A_1132 {strides = array<i32>} : memref<2048x192xf32, #tpu.memory_space<vmem>>, vector<32x192xf32>,
    %get3A_1136 = arith.constant 3776 : index
    %get3A_1137 = arith.constant 0 : index
    %get3A_1138 = vector.load %arg15[%get3A_1136, %get3A_1137] : memref<4096x192xf32, #tpu.memory_space<vmem>>, vector<64x192xf32>
    %dot_general3A_1139 = arith.constant dense<0.000000e+00> : vector<32x192xf32>
    %dot_general3A_1140 = tpu.matmul %get3A_9, %get3A_1138, %dot_general3A_1139 {dimension_numbers = #tpu.dot_dimension_numbers<[1], [0], [0], [1], [0, 0, 1, 1], [], []>, transpose_lhs_hint = false} : vector<32x64xf32>, vector<64x192xf32>, vector<32x192xf32> -> vector<32x192xf32>
    %swap3A_1141 = arith.constant 1888 : index
    %swap3A_1142 = arith.constant 0 : index
    %swap3A_1143 = vector.load %arg16[%swap3A_1141, %swap3A_1142] : memref<2048x192xf32, #tpu.memory_space<vmem>>, vector<32x192xf32>
    tpu.vector_store %arg16[%swap3A_1141, %swap3A_1142], %dot_general3A_1140 {strides = array<i32>} : memref<2048x192xf32, #tpu.memory_space<vmem>>, vector<32x192xf32>,
    %get3A_1144 = arith.constant 3840 : index
    %get3A_1145 = arith.constant 0 : index
    %get3A_1146 = vector.load %arg15[%get3A_1144, %get3A_1145] : memref<4096x192xf32, #tpu.memory_space<vmem>>, vector<64x192xf32>
    %dot_general3A_1147 = arith.constant dense<0.000000e+00> : vector<32x192xf32>
    %dot_general3A_1148 = tpu.matmul %get3A_9, %get3A_1146, %dot_general3A_1147 {dimension_numbers = #tpu.dot_dimension_numbers<[1], [0], [0], [1], [0, 0, 1, 1], [], []>, transpose_lhs_hint = false} : vector<32x64xf32>, vector<64x192xf32>, vector<32x192xf32> -> vector<32x192xf32>
    %swap3A_1149 = arith.constant 1920 : index
    %swap3A_1150 = arith.constant 0 : index
    %swap3A_1151 = vector.load %arg16[%swap3A_1149, %swap3A_1150] : memref<2048x192xf32, #tpu.memory_space<vmem>>, vector<32x192xf32>
    tpu.vector_store %arg16[%swap3A_1149, %swap3A_1150], %dot_general3A_1148 {strides = array<i32>} : memref<2048x192xf32, #tpu.memory_space<vmem>>, vector<32x192xf32>,
    %get3A_1152 = arith.constant 3904 : index
    %get3A_1153 = arith.constant 0 : index
    %get3A_1154 = vector.load %arg15[%get3A_1152, %get3A_1153] : memref<4096x192xf32, #tpu.memory_space<vmem>>, vector<64x192xf32>
    %dot_general3A_1155 = arith.constant dense<0.000000e+00> : vector<32x192xf32>
    %dot_general3A_1156 = tpu.matmul %get3A_9, %get3A_1154, %dot_general3A_1155 {dimension_numbers = #tpu.dot_dimension_numbers<[1], [0], [0], [1], [0, 0, 1, 1], [], []>, transpose_lhs_hint = false} : vector<32x64xf32>, vector<64x192xf32>, vector<32x192xf32> -> vector<32x192xf32>
    %swap3A_1157 = arith.constant 1952 : index
    %swap3A_1158 = arith.constant 0 : index
    %swap3A_1159 = vector.load %arg16[%swap3A_1157, %swap3A_1158] : memref<2048x192xf32, #tpu.memory_space<vmem>>, vector<32x192xf32>
    tpu.vector_store %arg16[%swap3A_1157, %swap3A_1158], %dot_general3A_1156 {strides = array<i32>} : memref<2048x192xf32, #tpu.memory_space<vmem>>, vector<32x192xf32>,
    %get3A_1160 = arith.constant 3968 : index
    %get3A_1161 = arith.constant 0 : index
    %get3A_1162 = vector.load %arg15[%get3A_1160, %get3A_1161] : memref<4096x192xf32, #tpu.memory_space<vmem>>, vector<64x192xf32>
    %dot_general3A_1163 = arith.constant dense<0.000000e+00> : vector<32x192xf32>
    %dot_general3A_1164 = tpu.matmul %get3A_9, %get3A_1162, %dot_general3A_1163 {dimension_numbers = #tpu.dot_dimension_numbers<[1], [0], [0], [1], [0, 0, 1, 1], [], []>, transpose_lhs_hint = false} : vector<32x64xf32>, vector<64x192xf32>, vector<32x192xf32> -> vector<32x192xf32>
    %swap3A_1165 = arith.constant 1984 : index
    %swap3A_1166 = arith.constant 0 : index
    %swap3A_1167 = vector.load %arg16[%swap3A_1165, %swap3A_1166] : memref<2048x192xf32, #tpu.memory_space<vmem>>, vector<32x192xf32>
    tpu.vector_store %arg16[%swap3A_1165, %swap3A_1166], %dot_general3A_1164 {strides = array<i32>} : memref<2048x192xf32, #tpu.memory_space<vmem>>, vector<32x192xf32>,
    %get3A_1168 = arith.constant 4032 : index
    %get3A_1169 = arith.constant 0 : index
    %get3A_1170 = vector.load %arg15[%get3A_1168, %get3A_1169] : memref<4096x192xf32, #tpu.memory_space<vmem>>, vector<64x192xf32>
    %dot_general3A_1171 = arith.constant dense<0.000000e+00> : vector<32x192xf32>
    %dot_general3A_1172 = tpu.matmul %get3A_9, %get3A_1170, %dot_general3A_1171 {dimension_numbers = #tpu.dot_dimension_numbers<[1], [0], [0], [1], [0, 0, 1, 1], [], []>, transpose_lhs_hint = false} : vector<32x64xf32>, vector<64x192xf32>, vector<32x192xf32> -> vector<32x192xf32>
    %swap3A_1173 = arith.constant 2016 : index
    %swap3A_1174 = arith.constant 0 : index
    %swap3A_1175 = vector.load %arg16[%swap3A_1173, %swap3A_1174] : memref<2048x192xf32, #tpu.memory_space<vmem>>, vector<32x192xf32>
    tpu.vector_store %arg16[%swap3A_1173, %swap3A_1174], %dot_general3A_1172 {strides = array<i32>} : memref<2048x192xf32, #tpu.memory_space<vmem>>, vector<32x192xf32>,
    %get3A_1176 = arith.constant 0 : index
    %get3A_1177 = arith.constant 0 : index
    %get3A_1178 = vector.load %arg16[%get3A_1176, %get3A_1177] : memref<2048x192xf32, #tpu.memory_space<vmem>>, vector<2048x192xf32>
    %dot_general3A_1179 = arith.constant dense<0.000000e+00> : vector<2048x192xf32>
    %dot_general3A_1180 = tpu.matmul %get3A_1178, %get3A_3, %dot_general3A_1179 {dimension_numbers = #tpu.dot_dimension_numbers<[1], [0], [0], [1], [0, 0, 1, 1], [], []>, transpose_lhs_hint = false} : vector<2048x192xf32>, vector<192x192xf32>, vector<2048x192xf32> -> vector<2048x192xf32>
    %reshape3A_1181 = vector.shape_cast %dot_general3A_1180 : vector<2048x192xf32> to vector<64x32x192xf32>
    %get3A_1182 = arith.constant 0 : index
    %get3A_1183 = arith.constant 0 : index
    %get3A_1184 = vector.load %arg6[%get3A_1182, %get3A_1183] : memref<32x1xf32, #tpu.memory_space<vmem>>, vector<32x1xf32>
    %reshape3A_1185 = vector.shape_cast %get3A_1184 : vector<32x1xf32> to vector<1x32x1xf32>
    %add3A_1186 = vector.broadcast %reshape3A_1185 : vector<1x32x1xf32> to vector<64x32x192xf32>
    %add3A_1187 = arith.addf %reshape3A_1181, %add3A_1186 : vector<64x32x192xf32>
    %max3A_1188 = arith.constant 0.000000e+00 : f32
    %max3A_1189 = vector.broadcast %max3A_1188 : f32 to vector<64x32x192xf32>
    %max3A_1190 = arith.maximumf %add3A_1187, %max3A_1189 : vector<64x32x192xf32>
    %reshape3A_1191 = vector.shape_cast %max3A_1190 : vector<64x32x192xf32> to vector<2048x192xf32>
    %swap3A_1192 = arith.constant 0 : index
    %swap3A_1193 = arith.constant 0 : index
    %swap3A_1194 = vector.load %arg16[%swap3A_1192, %swap3A_1193] : memref<2048x192xf32, #tpu.memory_space<vmem>>, vector<2048x192xf32>
    tpu.vector_store %arg16[%swap3A_1192, %swap3A_1193], %reshape3A_1191 {strides = array<i32>} : memref<2048x192xf32, #tpu.memory_space<vmem>>, vector<2048x192xf32>,
    %get3A_1195 = arith.constant 0 : index
    %get3A_1196 = arith.constant 0 : index
    %get3A_1197 = vector.load %arg16[%get3A_1195, %get3A_1196] : memref<2048x192xf32, #tpu.memory_space<vmem>>, vector<32x192xf32>
    %transpose3A = tpu.transpose %get3A_1197, [1, 0] : vector<32x192xf32> -> vector<192x32xf32>
    %swap3A_1198 = arith.constant 0 : index
    %swap3A_1199 = arith.constant 0 : index
    %swap3A_1200 = arith.constant 0 : index
    %swap3A_1201 = vector.load %arg17[%swap3A_1198, %swap3A_1199, %swap3A_1200] : memref<192x64x32xf32, #tpu.memory_space<vmem>>, vector<192x1x32xf32>
    %swap3A_1202 = vector.shape_cast %swap3A_1201 : vector<192x1x32xf32> to vector<192x32xf32>
    %swap3A_1203 = vector.shape_cast %transpose3A : vector<192x32xf32> to vector<192x1x32xf32>
    tpu.vector_store %arg17[%swap3A_1198, %swap3A_1199, %swap3A_1200], %swap3A_1203 {strides = array<i32>} : memref<192x64x32xf32, #tpu.memory_space<vmem>>, vector<192x1x32xf32>,
    %get3A_1204 = arith.constant 32 : index
    %get3A_1205 = arith.constant 0 : index
    %get3A_1206 = vector.load %arg16[%get3A_1204, %get3A_1205] : memref<2048x192xf32, #tpu.memory_space<vmem>>, vector<32x192xf32>
    %transpose3A_1207 = tpu.transpose %get3A_1206, [1, 0] : vector<32x192xf32> -> vector<192x32xf32>
    %swap3A_1208 = arith.constant 0 : index
    %swap3A_1209 = arith.constant 1 : index
    %swap3A_1210 = arith.constant 0 : index
    %swap3A_1211 = vector.load %arg17[%swap3A_1208, %swap3A_1209, %swap3A_1210] : memref<192x64x32xf32, #tpu.memory_space<vmem>>, vector<192x1x32xf32>
    %swap3A_1212 = vector.shape_cast %swap3A_1211 : vector<192x1x32xf32> to vector<192x32xf32>
    %swap3A_1213 = vector.shape_cast %transpose3A_1207 : vector<192x32xf32> to vector<192x1x32xf32>
    tpu.vector_store %arg17[%swap3A_1208, %swap3A_1209, %swap3A_1210], %swap3A_1213 {strides = array<i32>} : memref<192x64x32xf32, #tpu.memory_space<vmem>>, vector<192x1x32xf32>,
    %get3A_1214 = arith.constant 64 : index
    %get3A_1215 = arith.constant 0 : index
    %get3A_1216 = vector.load %arg16[%get3A_1214, %get3A_1215] : memref<2048x192xf32, #tpu.memory_space<vmem>>, vector<32x192xf32>
    %transpose3A_1217 = tpu.transpose %get3A_1216, [1, 0] : vector<32x192xf32> -> vector<192x32xf32>
    %swap3A_1218 = arith.constant 0 : index
    %swap3A_1219 = arith.constant 2 : index
    %swap3A_1220 = arith.constant 0 : index
    %swap3A_1221 = vector.load %arg17[%swap3A_1218, %swap3A_1219, %swap3A_1220] : memref<192x64x32xf32, #tpu.memory_space<vmem>>, vector<192x1x32xf32>
    %swap3A_1222 = vector.shape_cast %swap3A_1221 : vector<192x1x32xf32> to vector<192x32xf32>
    %swap3A_1223 = vector.shape_cast %transpose3A_1217 : vector<192x32xf32> to vector<192x1x32xf32>
    tpu.vector_store %arg17[%swap3A_1218, %swap3A_1219, %swap3A_1220], %swap3A_1223 {strides = array<i32>} : memref<192x64x32xf32, #tpu.memory_space<vmem>>, vector<192x1x32xf32>,
    %get3A_1224 = arith.constant 96 : index
    %get3A_1225 = arith.constant 0 : index
    %get3A_1226 = vector.load %arg16[%get3A_1224, %get3A_1225] : memref<2048x192xf32, #tpu.memory_space<vmem>>, vector<32x192xf32>
    %transpose3A_1227 = tpu.transpose %get3A_1226, [1, 0] : vector<32x192xf32> -> vector<192x32xf32>
    %swap3A_1228 = arith.constant 0 : index
    %swap3A_1229 = arith.constant 3 : index
    %swap3A_1230 = arith.constant 0 : index
    %swap3A_1231 = vector.load %arg17[%swap3A_1228, %swap3A_1229, %swap3A_1230] : memref<192x64x32xf32, #tpu.memory_space<vmem>>, vector<192x1x32xf32>
    %swap3A_1232 = vector.shape_cast %swap3A_1231 : vector<192x1x32xf32> to vector<192x32xf32>
    %swap3A_1233 = vector.shape_cast %transpose3A_1227 : vector<192x32xf32> to vector<192x1x32xf32>
    tpu.vector_store %arg17[%swap3A_1228, %swap3A_1229, %swap3A_1230], %swap3A_1233 {strides = array<i32>} : memref<192x64x32xf32, #tpu.memory_space<vmem>>, vector<192x1x32xf32>,
    %get3A_1234 = arith.constant 128 : index
    %get3A_1235 = arith.constant 0 : index
    %get3A_1236 = vector.load %arg16[%get3A_1234, %get3A_1235] : memref<2048x192xf32, #tpu.memory_space<vmem>>, vector<32x192xf32>
    %transpose3A_1237 = tpu.transpose %get3A_1236, [1, 0] : vector<32x192xf32> -> vector<192x32xf32>
    %swap3A_1238 = arith.constant 0 : index
    %swap3A_1239 = arith.constant 4 : index
    %swap3A_1240 = arith.constant 0 : index
    %swap3A_1241 = vector.load %arg17[%swap3A_1238, %swap3A_1239, %swap3A_1240] : memref<192x64x32xf32, #tpu.memory_space<vmem>>, vector<192x1x32xf32>
    %swap3A_1242 = vector.shape_cast %swap3A_1241 : vector<192x1x32xf32> to vector<192x32xf32>
    %swap3A_1243 = vector.shape_cast %transpose3A_1237 : vector<192x32xf32> to vector<192x1x32xf32>
    tpu.vector_store %arg17[%swap3A_1238, %swap3A_1239, %swap3A_1240], %swap3A_1243 {strides = array<i32>} : memref<192x64x32xf32, #tpu.memory_space<vmem>>, vector<192x1x32xf32>,
    %get3A_1244 = arith.constant 160 : index
    %get3A_1245 = arith.constant 0 : index
    %get3A_1246 = vector.load %arg16[%get3A_1244, %get3A_1245] : memref<2048x192xf32, #tpu.memory_space<vmem>>, vector<32x192xf32>
    %transpose3A_1247 = tpu.transpose %get3A_1246, [1, 0] : vector<32x192xf32> -> vector<192x32xf32>
    %swap3A_1248 = arith.constant 0 : index
    %swap3A_1249 = arith.constant 5 : index
    %swap3A_1250 = arith.constant 0 : index
    %swap3A_1251 = vector.load %arg17[%swap3A_1248, %swap3A_1249, %swap3A_1250] : memref<192x64x32xf32, #tpu.memory_space<vmem>>, vector<192x1x32xf32>
    %swap3A_1252 = vector.shape_cast %swap3A_1251 : vector<192x1x32xf32> to vector<192x32xf32>
    %swap3A_1253 = vector.shape_cast %transpose3A_1247 : vector<192x32xf32> to vector<192x1x32xf32>
    tpu.vector_store %arg17[%swap3A_1248, %swap3A_1249, %swap3A_1250], %swap3A_1253 {strides = array<i32>} : memref<192x64x32xf32, #tpu.memory_space<vmem>>, vector<192x1x32xf32>,
    %get3A_1254 = arith.constant 192 : index
    %get3A_1255 = arith.constant 0 : index
    %get3A_1256 = vector.load %arg16[%get3A_1254, %get3A_1255] : memref<2048x192xf32, #tpu.memory_space<vmem>>, vector<32x192xf32>
    %transpose3A_1257 = tpu.transpose %get3A_1256, [1, 0] : vector<32x192xf32> -> vector<192x32xf32>
    %swap3A_1258 = arith.constant 0 : index
    %swap3A_1259 = arith.constant 6 : index
    %swap3A_1260 = arith.constant 0 : index
    %swap3A_1261 = vector.load %arg17[%swap3A_1258, %swap3A_1259, %swap3A_1260] : memref<192x64x32xf32, #tpu.memory_space<vmem>>, vector<192x1x32xf32>
    %swap3A_1262 = vector.shape_cast %swap3A_1261 : vector<192x1x32xf32> to vector<192x32xf32>
    %swap3A_1263 = vector.shape_cast %transpose3A_1257 : vector<192x32xf32> to vector<192x1x32xf32>
    tpu.vector_store %arg17[%swap3A_1258, %swap3A_1259, %swap3A_1260], %swap3A_1263 {strides = array<i32>} : memref<192x64x32xf32, #tpu.memory_space<vmem>>, vector<192x1x32xf32>,
    %get3A_1264 = arith.constant 224 : index
    %get3A_1265 = arith.constant 0 : index
    %get3A_1266 = vector.load %arg16[%get3A_1264, %get3A_1265] : memref<2048x192xf32, #tpu.memory_space<vmem>>, vector<32x192xf32>
    %transpose3A_1267 = tpu.transpose %get3A_1266, [1, 0] : vector<32x192xf32> -> vector<192x32xf32>
    %swap3A_1268 = arith.constant 0 : index
    %swap3A_1269 = arith.constant 7 : index
    %swap3A_1270 = arith.constant 0 : index
    %swap3A_1271 = vector.load %arg17[%swap3A_1268, %swap3A_1269, %swap3A_1270] : memref<192x64x32xf32, #tpu.memory_space<vmem>>, vector<192x1x32xf32>
    %swap3A_1272 = vector.shape_cast %swap3A_1271 : vector<192x1x32xf32> to vector<192x32xf32>
    %swap3A_1273 = vector.shape_cast %transpose3A_1267 : vector<192x32xf32> to vector<192x1x32xf32>
    tpu.vector_store %arg17[%swap3A_1268, %swap3A_1269, %swap3A_1270], %swap3A_1273 {strides = array<i32>} : memref<192x64x32xf32, #tpu.memory_space<vmem>>, vector<192x1x32xf32>,
    %get3A_1274 = arith.constant 256 : index
    %get3A_1275 = arith.constant 0 : index
    %get3A_1276 = vector.load %arg16[%get3A_1274, %get3A_1275] : memref<2048x192xf32, #tpu.memory_space<vmem>>, vector<32x192xf32>
    %transpose3A_1277 = tpu.transpose %get3A_1276, [1, 0] : vector<32x192xf32> -> vector<192x32xf32>
    %swap3A_1278 = arith.constant 0 : index
    %swap3A_1279 = arith.constant 8 : index
    %swap3A_1280 = arith.constant 0 : index
    %swap3A_1281 = vector.load %arg17[%swap3A_1278, %swap3A_1279, %swap3A_1280] : memref<192x64x32xf32, #tpu.memory_space<vmem>>, vector<192x1x32xf32>
    %swap3A_1282 = vector.shape_cast %swap3A_1281 : vector<192x1x32xf32> to vector<192x32xf32>
    %swap3A_1283 = vector.shape_cast %transpose3A_1277 : vector<192x32xf32> to vector<192x1x32xf32>
    tpu.vector_store %arg17[%swap3A_1278, %swap3A_1279, %swap3A_1280], %swap3A_1283 {strides = array<i32>} : memref<192x64x32xf32, #tpu.memory_space<vmem>>, vector<192x1x32xf32>,
    %get3A_1284 = arith.constant 288 : index
    %get3A_1285 = arith.constant 0 : index
    %get3A_1286 = vector.load %arg16[%get3A_1284, %get3A_1285] : memref<2048x192xf32, #tpu.memory_space<vmem>>, vector<32x192xf32>
    %transpose3A_1287 = tpu.transpose %get3A_1286, [1, 0] : vector<32x192xf32> -> vector<192x32xf32>
    %swap3A_1288 = arith.constant 0 : index
    %swap3A_1289 = arith.constant 9 : index
    %swap3A_1290 = arith.constant 0 : index
    %swap3A_1291 = vector.load %arg17[%swap3A_1288, %swap3A_1289, %swap3A_1290] : memref<192x64x32xf32, #tpu.memory_space<vmem>>, vector<192x1x32xf32>
    %swap3A_1292 = vector.shape_cast %swap3A_1291 : vector<192x1x32xf32> to vector<192x32xf32>
    %swap3A_1293 = vector.shape_cast %transpose3A_1287 : vector<192x32xf32> to vector<192x1x32xf32>
    tpu.vector_store %arg17[%swap3A_1288, %swap3A_1289, %swap3A_1290], %swap3A_1293 {strides = array<i32>} : memref<192x64x32xf32, #tpu.memory_space<vmem>>, vector<192x1x32xf32>,
    %get3A_1294 = arith.constant 320 : index
    %get3A_1295 = arith.constant 0 : index
    %get3A_1296 = vector.load %arg16[%get3A_1294, %get3A_1295] : memref<2048x192xf32, #tpu.memory_space<vmem>>, vector<32x192xf32>
    %transpose3A_1297 = tpu.transpose %get3A_1296, [1, 0] : vector<32x192xf32> -> vector<192x32xf32>
    %swap3A_1298 = arith.constant 0 : index
    %swap3A_1299 = arith.constant 10 : index
    %swap3A_1300 = arith.constant 0 : index
    %swap3A_1301 = vector.load %arg17[%swap3A_1298, %swap3A_1299, %swap3A_1300] : memref<192x64x32xf32, #tpu.memory_space<vmem>>, vector<192x1x32xf32>
    %swap3A_1302 = vector.shape_cast %swap3A_1301 : vector<192x1x32xf32> to vector<192x32xf32>
    %swap3A_1303 = vector.shape_cast %transpose3A_1297 : vector<192x32xf32> to vector<192x1x32xf32>
    tpu.vector_store %arg17[%swap3A_1298, %swap3A_1299, %swap3A_1300], %swap3A_1303 {strides = array<i32>} : memref<192x64x32xf32, #tpu.memory_space<vmem>>, vector<192x1x32xf32>,
    %get3A_1304 = arith.constant 352 : index
    %get3A_1305 = arith.constant 0 : index
    %get3A_1306 = vector.load %arg16[%get3A_1304, %get3A_1305] : memref<2048x192xf32, #tpu.memory_space<vmem>>, vector<32x192xf32>
    %transpose3A_1307 = tpu.transpose %get3A_1306, [1, 0] : vector<32x192xf32> -> vector<192x32xf32>
    %swap3A_1308 = arith.constant 0 : index
    %swap3A_1309 = arith.constant 11 : index
    %swap3A_1310 = arith.constant 0 : index
    %swap3A_1311 = vector.load %arg17[%swap3A_1308, %swap3A_1309, %swap3A_1310] : memref<192x64x32xf32, #tpu.memory_space<vmem>>, vector<192x1x32xf32>
    %swap3A_1312 = vector.shape_cast %swap3A_1311 : vector<192x1x32xf32> to vector<192x32xf32>
    %swap3A_1313 = vector.shape_cast %transpose3A_1307 : vector<192x32xf32> to vector<192x1x32xf32>
    tpu.vector_store %arg17[%swap3A_1308, %swap3A_1309, %swap3A_1310], %swap3A_1313 {strides = array<i32>} : memref<192x64x32xf32, #tpu.memory_space<vmem>>, vector<192x1x32xf32>,
    %get3A_1314 = arith.constant 384 : index
    %get3A_1315 = arith.constant 0 : index
    %get3A_1316 = vector.load %arg16[%get3A_1314, %get3A_1315] : memref<2048x192xf32, #tpu.memory_space<vmem>>, vector<32x192xf32>
    %transpose3A_1317 = tpu.transpose %get3A_1316, [1, 0] : vector<32x192xf32> -> vector<192x32xf32>
    %swap3A_1318 = arith.constant 0 : index
    %swap3A_1319 = arith.constant 12 : index
    %swap3A_1320 = arith.constant 0 : index
    %swap3A_1321 = vector.load %arg17[%swap3A_1318, %swap3A_1319, %swap3A_1320] : memref<192x64x32xf32, #tpu.memory_space<vmem>>, vector<192x1x32xf32>
    %swap3A_1322 = vector.shape_cast %swap3A_1321 : vector<192x1x32xf32> to vector<192x32xf32>
    %swap3A_1323 = vector.shape_cast %transpose3A_1317 : vector<192x32xf32> to vector<192x1x32xf32>
    tpu.vector_store %arg17[%swap3A_1318, %swap3A_1319, %swap3A_1320], %swap3A_1323 {strides = array<i32>} : memref<192x64x32xf32, #tpu.memory_space<vmem>>, vector<192x1x32xf32>,
    %get3A_1324 = arith.constant 416 : index
    %get3A_1325 = arith.constant 0 : index
    %get3A_1326 = vector.load %arg16[%get3A_1324, %get3A_1325] : memref<2048x192xf32, #tpu.memory_space<vmem>>, vector<32x192xf32>
    %transpose3A_1327 = tpu.transpose %get3A_1326, [1, 0] : vector<32x192xf32> -> vector<192x32xf32>
    %swap3A_1328 = arith.constant 0 : index
    %swap3A_1329 = arith.constant 13 : index
    %swap3A_1330 = arith.constant 0 : index
    %swap3A_1331 = vector.load %arg17[%swap3A_1328, %swap3A_1329, %swap3A_1330] : memref<192x64x32xf32, #tpu.memory_space<vmem>>, vector<192x1x32xf32>
    %swap3A_1332 = vector.shape_cast %swap3A_1331 : vector<192x1x32xf32> to vector<192x32xf32>
    %swap3A_1333 = vector.shape_cast %transpose3A_1327 : vector<192x32xf32> to vector<192x1x32xf32>
    tpu.vector_store %arg17[%swap3A_1328, %swap3A_1329, %swap3A_1330], %swap3A_1333 {strides = array<i32>} : memref<192x64x32xf32, #tpu.memory_space<vmem>>, vector<192x1x32xf32>,
    %get3A_1334 = arith.constant 448 : index
    %get3A_1335 = arith.constant 0 : index
    %get3A_1336 = vector.load %arg16[%get3A_1334, %get3A_1335] : memref<2048x192xf32, #tpu.memory_space<vmem>>, vector<32x192xf32>
    %transpose3A_1337 = tpu.transpose %get3A_1336, [1, 0] : vector<32x192xf32> -> vector<192x32xf32>
    %swap3A_1338 = arith.constant 0 : index
    %swap3A_1339 = arith.constant 14 : index
    %swap3A_1340 = arith.constant 0 : index
    %swap3A_1341 = vector.load %arg17[%swap3A_1338, %swap3A_1339, %swap3A_1340] : memref<192x64x32xf32, #tpu.memory_space<vmem>>, vector<192x1x32xf32>
    %swap3A_1342 = vector.shape_cast %swap3A_1341 : vector<192x1x32xf32> to vector<192x32xf32>
    %swap3A_1343 = vector.shape_cast %transpose3A_1337 : vector<192x32xf32> to vector<192x1x32xf32>
    tpu.vector_store %arg17[%swap3A_1338, %swap3A_1339, %swap3A_1340], %swap3A_1343 {strides = array<i32>} : memref<192x64x32xf32, #tpu.memory_space<vmem>>, vector<192x1x32xf32>,
    %get3A_1344 = arith.constant 480 : index
    %get3A_1345 = arith.constant 0 : index
    %get3A_1346 = vector.load %arg16[%get3A_1344, %get3A_1345] : memref<2048x192xf32, #tpu.memory_space<vmem>>, vector<32x192xf32>
    %transpose3A_1347 = tpu.transpose %get3A_1346, [1, 0] : vector<32x192xf32> -> vector<192x32xf32>
    %swap3A_1348 = arith.constant 0 : index
    %swap3A_1349 = arith.constant 15 : index
    %swap3A_1350 = arith.constant 0 : index
    %swap3A_1351 = vector.load %arg17[%swap3A_1348, %swap3A_1349, %swap3A_1350] : memref<192x64x32xf32, #tpu.memory_space<vmem>>, vector<192x1x32xf32>
    %swap3A_1352 = vector.shape_cast %swap3A_1351 : vector<192x1x32xf32> to vector<192x32xf32>
    %swap3A_1353 = vector.shape_cast %transpose3A_1347 : vector<192x32xf32> to vector<192x1x32xf32>
    tpu.vector_store %arg17[%swap3A_1348, %swap3A_1349, %swap3A_1350], %swap3A_1353 {strides = array<i32>} : memref<192x64x32xf32, #tpu.memory_space<vmem>>, vector<192x1x32xf32>,
    %get3A_1354 = arith.constant 512 : index
    %get3A_1355 = arith.constant 0 : index
    %get3A_1356 = vector.load %arg16[%get3A_1354, %get3A_1355] : memref<2048x192xf32, #tpu.memory_space<vmem>>, vector<32x192xf32>
    %transpose3A_1357 = tpu.transpose %get3A_1356, [1, 0] : vector<32x192xf32> -> vector<192x32xf32>
    %swap3A_1358 = arith.constant 0 : index
    %swap3A_1359 = arith.constant 16 : index
    %swap3A_1360 = arith.constant 0 : index
    %swap3A_1361 = vector.load %arg17[%swap3A_1358, %swap3A_1359, %swap3A_1360] : memref<192x64x32xf32, #tpu.memory_space<vmem>>, vector<192x1x32xf32>
    %swap3A_1362 = vector.shape_cast %swap3A_1361 : vector<192x1x32xf32> to vector<192x32xf32>
    %swap3A_1363 = vector.shape_cast %transpose3A_1357 : vector<192x32xf32> to vector<192x1x32xf32>
    tpu.vector_store %arg17[%swap3A_1358, %swap3A_1359, %swap3A_1360], %swap3A_1363 {strides = array<i32>} : memref<192x64x32xf32, #tpu.memory_space<vmem>>, vector<192x1x32xf32>,
    %get3A_1364 = arith.constant 544 : index
    %get3A_1365 = arith.constant 0 : index
    %get3A_1366 = vector.load %arg16[%get3A_1364, %get3A_1365] : memref<2048x192xf32, #tpu.memory_space<vmem>>, vector<32x192xf32>
    %transpose3A_1367 = tpu.transpose %get3A_1366, [1, 0] : vector<32x192xf32> -> vector<192x32xf32>
    %swap3A_1368 = arith.constant 0 : index
    %swap3A_1369 = arith.constant 17 : index
    %swap3A_1370 = arith.constant 0 : index
    %swap3A_1371 = vector.load %arg17[%swap3A_1368, %swap3A_1369, %swap3A_1370] : memref<192x64x32xf32, #tpu.memory_space<vmem>>, vector<192x1x32xf32>
    %swap3A_1372 = vector.shape_cast %swap3A_1371 : vector<192x1x32xf32> to vector<192x32xf32>
    %swap3A_1373 = vector.shape_cast %transpose3A_1367 : vector<192x32xf32> to vector<192x1x32xf32>
    tpu.vector_store %arg17[%swap3A_1368, %swap3A_1369, %swap3A_1370], %swap3A_1373 {strides = array<i32>} : memref<192x64x32xf32, #tpu.memory_space<vmem>>, vector<192x1x32xf32>,
    %get3A_1374 = arith.constant 576 : index
    %get3A_1375 = arith.constant 0 : index
    %get3A_1376 = vector.load %arg16[%get3A_1374, %get3A_1375] : memref<2048x192xf32, #tpu.memory_space<vmem>>, vector<32x192xf32>
    %transpose3A_1377 = tpu.transpose %get3A_1376, [1, 0] : vector<32x192xf32> -> vector<192x32xf32>
    %swap3A_1378 = arith.constant 0 : index
    %swap3A_1379 = arith.constant 18 : index
    %swap3A_1380 = arith.constant 0 : index
    %swap3A_1381 = vector.load %arg17[%swap3A_1378, %swap3A_1379, %swap3A_1380] : memref<192x64x32xf32, #tpu.memory_space<vmem>>, vector<192x1x32xf32>
    %swap3A_1382 = vector.shape_cast %swap3A_1381 : vector<192x1x32xf32> to vector<192x32xf32>
    %swap3A_1383 = vector.shape_cast %transpose3A_1377 : vector<192x32xf32> to vector<192x1x32xf32>
    tpu.vector_store %arg17[%swap3A_1378, %swap3A_1379, %swap3A_1380], %swap3A_1383 {strides = array<i32>} : memref<192x64x32xf32, #tpu.memory_space<vmem>>, vector<192x1x32xf32>,
    %get3A_1384 = arith.constant 608 : index
    %get3A_1385 = arith.constant 0 : index
    %get3A_1386 = vector.load %arg16[%get3A_1384, %get3A_1385] : memref<2048x192xf32, #tpu.memory_space<vmem>>, vector<32x192xf32>
    %transpose3A_1387 = tpu.transpose %get3A_1386, [1, 0] : vector<32x192xf32> -> vector<192x32xf32>
    %swap3A_1388 = arith.constant 0 : index
    %swap3A_1389 = arith.constant 19 : index
    %swap3A_1390 = arith.constant 0 : index
    %swap3A_1391 = vector.load %arg17[%swap3A_1388, %swap3A_1389, %swap3A_1390] : memref<192x64x32xf32, #tpu.memory_space<vmem>>, vector<192x1x32xf32>
    %swap3A_1392 = vector.shape_cast %swap3A_1391 : vector<192x1x32xf32> to vector<192x32xf32>
    %swap3A_1393 = vector.shape_cast %transpose3A_1387 : vector<192x32xf32> to vector<192x1x32xf32>
    tpu.vector_store %arg17[%swap3A_1388, %swap3A_1389, %swap3A_1390], %swap3A_1393 {strides = array<i32>} : memref<192x64x32xf32, #tpu.memory_space<vmem>>, vector<192x1x32xf32>,
    %get3A_1394 = arith.constant 640 : index
    %get3A_1395 = arith.constant 0 : index
    %get3A_1396 = vector.load %arg16[%get3A_1394, %get3A_1395] : memref<2048x192xf32, #tpu.memory_space<vmem>>, vector<32x192xf32>
    %transpose3A_1397 = tpu.transpose %get3A_1396, [1, 0] : vector<32x192xf32> -> vector<192x32xf32>
    %swap3A_1398 = arith.constant 0 : index
    %swap3A_1399 = arith.constant 20 : index
    %swap3A_1400 = arith.constant 0 : index
    %swap3A_1401 = vector.load %arg17[%swap3A_1398, %swap3A_1399, %swap3A_1400] : memref<192x64x32xf32, #tpu.memory_space<vmem>>, vector<192x1x32xf32>
    %swap3A_1402 = vector.shape_cast %swap3A_1401 : vector<192x1x32xf32> to vector<192x32xf32>
    %swap3A_1403 = vector.shape_cast %transpose3A_1397 : vector<192x32xf32> to vector<192x1x32xf32>
    tpu.vector_store %arg17[%swap3A_1398, %swap3A_1399, %swap3A_1400], %swap3A_1403 {strides = array<i32>} : memref<192x64x32xf32, #tpu.memory_space<vmem>>, vector<192x1x32xf32>,
    %get3A_1404 = arith.constant 672 : index
    %get3A_1405 = arith.constant 0 : index
    %get3A_1406 = vector.load %arg16[%get3A_1404, %get3A_1405] : memref<2048x192xf32, #tpu.memory_space<vmem>>, vector<32x192xf32>
    %transpose3A_1407 = tpu.transpose %get3A_1406, [1, 0] : vector<32x192xf32> -> vector<192x32xf32>
    %swap3A_1408 = arith.constant 0 : index
    %swap3A_1409 = arith.constant 21 : index
    %swap3A_1410 = arith.constant 0 : index
    %swap3A_1411 = vector.load %arg17[%swap3A_1408, %swap3A_1409, %swap3A_1410] : memref<192x64x32xf32, #tpu.memory_space<vmem>>, vector<192x1x32xf32>
    %swap3A_1412 = vector.shape_cast %swap3A_1411 : vector<192x1x32xf32> to vector<192x32xf32>
    %swap3A_1413 = vector.shape_cast %transpose3A_1407 : vector<192x32xf32> to vector<192x1x32xf32>
    tpu.vector_store %arg17[%swap3A_1408, %swap3A_1409, %swap3A_1410], %swap3A_1413 {strides = array<i32>} : memref<192x64x32xf32, #tpu.memory_space<vmem>>, vector<192x1x32xf32>,
    %get3A_1414 = arith.constant 704 : index
    %get3A_1415 = arith.constant 0 : index
    %get3A_1416 = vector.load %arg16[%get3A_1414, %get3A_1415] : memref<2048x192xf32, #tpu.memory_space<vmem>>, vector<32x192xf32>
    %transpose3A_1417 = tpu.transpose %get3A_1416, [1, 0] : vector<32x192xf32> -> vector<192x32xf32>
    %swap3A_1418 = arith.constant 0 : index
    %swap3A_1419 = arith.constant 22 : index
    %swap3A_1420 = arith.constant 0 : index
    %swap3A_1421 = vector.load %arg17[%swap3A_1418, %swap3A_1419, %swap3A_1420] : memref<192x64x32xf32, #tpu.memory_space<vmem>>, vector<192x1x32xf32>
    %swap3A_1422 = vector.shape_cast %swap3A_1421 : vector<192x1x32xf32> to vector<192x32xf32>
    %swap3A_1423 = vector.shape_cast %transpose3A_1417 : vector<192x32xf32> to vector<192x1x32xf32>
    tpu.vector_store %arg17[%swap3A_1418, %swap3A_1419, %swap3A_1420], %swap3A_1423 {strides = array<i32>} : memref<192x64x32xf32, #tpu.memory_space<vmem>>, vector<192x1x32xf32>,
    %get3A_1424 = arith.constant 736 : index
    %get3A_1425 = arith.constant 0 : index
    %get3A_1426 = vector.load %arg16[%get3A_1424, %get3A_1425] : memref<2048x192xf32, #tpu.memory_space<vmem>>, vector<32x192xf32>
    %transpose3A_1427 = tpu.transpose %get3A_1426, [1, 0] : vector<32x192xf32> -> vector<192x32xf32>
    %swap3A_1428 = arith.constant 0 : index
    %swap3A_1429 = arith.constant 23 : index
    %swap3A_1430 = arith.constant 0 : index
    %swap3A_1431 = vector.load %arg17[%swap3A_1428, %swap3A_1429, %swap3A_1430] : memref<192x64x32xf32, #tpu.memory_space<vmem>>, vector<192x1x32xf32>
    %swap3A_1432 = vector.shape_cast %swap3A_1431 : vector<192x1x32xf32> to vector<192x32xf32>
    %swap3A_1433 = vector.shape_cast %transpose3A_1427 : vector<192x32xf32> to vector<192x1x32xf32>
    tpu.vector_store %arg17[%swap3A_1428, %swap3A_1429, %swap3A_1430], %swap3A_1433 {strides = array<i32>} : memref<192x64x32xf32, #tpu.memory_space<vmem>>, vector<192x1x32xf32>,
    %get3A_1434 = arith.constant 768 : index
    %get3A_1435 = arith.constant 0 : index
    %get3A_1436 = vector.load %arg16[%get3A_1434, %get3A_1435] : memref<2048x192xf32, #tpu.memory_space<vmem>>, vector<32x192xf32>
    %transpose3A_1437 = tpu.transpose %get3A_1436, [1, 0] : vector<32x192xf32> -> vector<192x32xf32>
    %swap3A_1438 = arith.constant 0 : index
    %swap3A_1439 = arith.constant 24 : index
    %swap3A_1440 = arith.constant 0 : index
    %swap3A_1441 = vector.load %arg17[%swap3A_1438, %swap3A_1439, %swap3A_1440] : memref<192x64x32xf32, #tpu.memory_space<vmem>>, vector<192x1x32xf32>
    %swap3A_1442 = vector.shape_cast %swap3A_1441 : vector<192x1x32xf32> to vector<192x32xf32>
    %swap3A_1443 = vector.shape_cast %transpose3A_1437 : vector<192x32xf32> to vector<192x1x32xf32>
    tpu.vector_store %arg17[%swap3A_1438, %swap3A_1439, %swap3A_1440], %swap3A_1443 {strides = array<i32>} : memref<192x64x32xf32, #tpu.memory_space<vmem>>, vector<192x1x32xf32>,
    %get3A_1444 = arith.constant 800 : index
    %get3A_1445 = arith.constant 0 : index
    %get3A_1446 = vector.load %arg16[%get3A_1444, %get3A_1445] : memref<2048x192xf32, #tpu.memory_space<vmem>>, vector<32x192xf32>
    %transpose3A_1447 = tpu.transpose %get3A_1446, [1, 0] : vector<32x192xf32> -> vector<192x32xf32>
    %swap3A_1448 = arith.constant 0 : index
    %swap3A_1449 = arith.constant 25 : index
    %swap3A_1450 = arith.constant 0 : index
    %swap3A_1451 = vector.load %arg17[%swap3A_1448, %swap3A_1449, %swap3A_1450] : memref<192x64x32xf32, #tpu.memory_space<vmem>>, vector<192x1x32xf32>
    %swap3A_1452 = vector.shape_cast %swap3A_1451 : vector<192x1x32xf32> to vector<192x32xf32>
    %swap3A_1453 = vector.shape_cast %transpose3A_1447 : vector<192x32xf32> to vector<192x1x32xf32>
    tpu.vector_store %arg17[%swap3A_1448, %swap3A_1449, %swap3A_1450], %swap3A_1453 {strides = array<i32>} : memref<192x64x32xf32, #tpu.memory_space<vmem>>, vector<192x1x32xf32>,
    %get3A_1454 = arith.constant 832 : index
    %get3A_1455 = arith.constant 0 : index
    %get3A_1456 = vector.load %arg16[%get3A_1454, %get3A_1455] : memref<2048x192xf32, #tpu.memory_space<vmem>>, vector<32x192xf32>
    %transpose3A_1457 = tpu.transpose %get3A_1456, [1, 0] : vector<32x192xf32> -> vector<192x32xf32>
    %swap3A_1458 = arith.constant 0 : index
    %swap3A_1459 = arith.constant 26 : index
    %swap3A_1460 = arith.constant 0 : index
    %swap3A_1461 = vector.load %arg17[%swap3A_1458, %swap3A_1459, %swap3A_1460] : memref<192x64x32xf32, #tpu.memory_space<vmem>>, vector<192x1x32xf32>
    %swap3A_1462 = vector.shape_cast %swap3A_1461 : vector<192x1x32xf32> to vector<192x32xf32>
    %swap3A_1463 = vector.shape_cast %transpose3A_1457 : vector<192x32xf32> to vector<192x1x32xf32>
    tpu.vector_store %arg17[%swap3A_1458, %swap3A_1459, %swap3A_1460], %swap3A_1463 {strides = array<i32>} : memref<192x64x32xf32, #tpu.memory_space<vmem>>, vector<192x1x32xf32>,
    %get3A_1464 = arith.constant 864 : index
    %get3A_1465 = arith.constant 0 : index
    %get3A_1466 = vector.load %arg16[%get3A_1464, %get3A_1465] : memref<2048x192xf32, #tpu.memory_space<vmem>>, vector<32x192xf32>
    %transpose3A_1467 = tpu.transpose %get3A_1466, [1, 0] : vector<32x192xf32> -> vector<192x32xf32>
    %swap3A_1468 = arith.constant 0 : index
    %swap3A_1469 = arith.constant 27 : index
    %swap3A_1470 = arith.constant 0 : index
    %swap3A_1471 = vector.load %arg17[%swap3A_1468, %swap3A_1469, %swap3A_1470] : memref<192x64x32xf32, #tpu.memory_space<vmem>>, vector<192x1x32xf32>
    %swap3A_1472 = vector.shape_cast %swap3A_1471 : vector<192x1x32xf32> to vector<192x32xf32>
    %swap3A_1473 = vector.shape_cast %transpose3A_1467 : vector<192x32xf32> to vector<192x1x32xf32>
    tpu.vector_store %arg17[%swap3A_1468, %swap3A_1469, %swap3A_1470], %swap3A_1473 {strides = array<i32>} : memref<192x64x32xf32, #tpu.memory_space<vmem>>, vector<192x1x32xf32>,
    %get3A_1474 = arith.constant 896 : index
    %get3A_1475 = arith.constant 0 : index
    %get3A_1476 = vector.load %arg16[%get3A_1474, %get3A_1475] : memref<2048x192xf32, #tpu.memory_space<vmem>>, vector<32x192xf32>
    %transpose3A_1477 = tpu.transpose %get3A_1476, [1, 0] : vector<32x192xf32> -> vector<192x32xf32>
    %swap3A_1478 = arith.constant 0 : index
    %swap3A_1479 = arith.constant 28 : index
    %swap3A_1480 = arith.constant 0 : index
    %swap3A_1481 = vector.load %arg17[%swap3A_1478, %swap3A_1479, %swap3A_1480] : memref<192x64x32xf32, #tpu.memory_space<vmem>>, vector<192x1x32xf32>
    %swap3A_1482 = vector.shape_cast %swap3A_1481 : vector<192x1x32xf32> to vector<192x32xf32>
    %swap3A_1483 = vector.shape_cast %transpose3A_1477 : vector<192x32xf32> to vector<192x1x32xf32>
    tpu.vector_store %arg17[%swap3A_1478, %swap3A_1479, %swap3A_1480], %swap3A_1483 {strides = array<i32>} : memref<192x64x32xf32, #tpu.memory_space<vmem>>, vector<192x1x32xf32>,
    %get3A_1484 = arith.constant 928 : index
    %get3A_1485 = arith.constant 0 : index
    %get3A_1486 = vector.load %arg16[%get3A_1484, %get3A_1485] : memref<2048x192xf32, #tpu.memory_space<vmem>>, vector<32x192xf32>
    %transpose3A_1487 = tpu.transpose %get3A_1486, [1, 0] : vector<32x192xf32> -> vector<192x32xf32>
    %swap3A_1488 = arith.constant 0 : index
    %swap3A_1489 = arith.constant 29 : index
    %swap3A_1490 = arith.constant 0 : index
    %swap3A_1491 = vector.load %arg17[%swap3A_1488, %swap3A_1489, %swap3A_1490] : memref<192x64x32xf32, #tpu.memory_space<vmem>>, vector<192x1x32xf32>
    %swap3A_1492 = vector.shape_cast %swap3A_1491 : vector<192x1x32xf32> to vector<192x32xf32>
    %swap3A_1493 = vector.shape_cast %transpose3A_1487 : vector<192x32xf32> to vector<192x1x32xf32>
    tpu.vector_store %arg17[%swap3A_1488, %swap3A_1489, %swap3A_1490], %swap3A_1493 {strides = array<i32>} : memref<192x64x32xf32, #tpu.memory_space<vmem>>, vector<192x1x32xf32>,
    %get3A_1494 = arith.constant 960 : index
    %get3A_1495 = arith.constant 0 : index
    %get3A_1496 = vector.load %arg16[%get3A_1494, %get3A_1495] : memref<2048x192xf32, #tpu.memory_space<vmem>>, vector<32x192xf32>
    %transpose3A_1497 = tpu.transpose %get3A_1496, [1, 0] : vector<32x192xf32> -> vector<192x32xf32>
    %swap3A_1498 = arith.constant 0 : index
    %swap3A_1499 = arith.constant 30 : index
    %swap3A_1500 = arith.constant 0 : index
    %swap3A_1501 = vector.load %arg17[%swap3A_1498, %swap3A_1499, %swap3A_1500] : memref<192x64x32xf32, #tpu.memory_space<vmem>>, vector<192x1x32xf32>
    %swap3A_1502 = vector.shape_cast %swap3A_1501 : vector<192x1x32xf32> to vector<192x32xf32>
    %swap3A_1503 = vector.shape_cast %transpose3A_1497 : vector<192x32xf32> to vector<192x1x32xf32>
    tpu.vector_store %arg17[%swap3A_1498, %swap3A_1499, %swap3A_1500], %swap3A_1503 {strides = array<i32>} : memref<192x64x32xf32, #tpu.memory_space<vmem>>, vector<192x1x32xf32>,
    %get3A_1504 = arith.constant 992 : index
    %get3A_1505 = arith.constant 0 : index
    %get3A_1506 = vector.load %arg16[%get3A_1504, %get3A_1505] : memref<2048x192xf32, #tpu.memory_space<vmem>>, vector<32x192xf32>
    %transpose3A_1507 = tpu.transpose %get3A_1506, [1, 0] : vector<32x192xf32> -> vector<192x32xf32>
    %swap3A_1508 = arith.constant 0 : index
    %swap3A_1509 = arith.constant 31 : index
    %swap3A_1510 = arith.constant 0 : index
    %swap3A_1511 = vector.load %arg17[%swap3A_1508, %swap3A_1509, %swap3A_1510] : memref<192x64x32xf32, #tpu.memory_space<vmem>>, vector<192x1x32xf32>
    %swap3A_1512 = vector.shape_cast %swap3A_1511 : vector<192x1x32xf32> to vector<192x32xf32>
    %swap3A_1513 = vector.shape_cast %transpose3A_1507 : vector<192x32xf32> to vector<192x1x32xf32>
    tpu.vector_store %arg17[%swap3A_1508, %swap3A_1509, %swap3A_1510], %swap3A_1513 {strides = array<i32>} : memref<192x64x32xf32, #tpu.memory_space<vmem>>, vector<192x1x32xf32>,
    %get3A_1514 = arith.constant 1024 : index
    %get3A_1515 = arith.constant 0 : index
    %get3A_1516 = vector.load %arg16[%get3A_1514, %get3A_1515] : memref<2048x192xf32, #tpu.memory_space<vmem>>, vector<32x192xf32>
    %transpose3A_1517 = tpu.transpose %get3A_1516, [1, 0] : vector<32x192xf32> -> vector<192x32xf32>
    %swap3A_1518 = arith.constant 0 : index
    %swap3A_1519 = arith.constant 32 : index
    %swap3A_1520 = arith.constant 0 : index
    %swap3A_1521 = vector.load %arg17[%swap3A_1518, %swap3A_1519, %swap3A_1520] : memref<192x64x32xf32, #tpu.memory_space<vmem>>, vector<192x1x32xf32>
    %swap3A_1522 = vector.shape_cast %swap3A_1521 : vector<192x1x32xf32> to vector<192x32xf32>
    %swap3A_1523 = vector.shape_cast %transpose3A_1517 : vector<192x32xf32> to vector<192x1x32xf32>
    tpu.vector_store %arg17[%swap3A_1518, %swap3A_1519, %swap3A_1520], %swap3A_1523 {strides = array<i32>} : memref<192x64x32xf32, #tpu.memory_space<vmem>>, vector<192x1x32xf32>,
    %get3A_1524 = arith.constant 1056 : index
    %get3A_1525 = arith.constant 0 : index
    %get3A_1526 = vector.load %arg16[%get3A_1524, %get3A_1525] : memref<2048x192xf32, #tpu.memory_space<vmem>>, vector<32x192xf32>
    %transpose3A_1527 = tpu.transpose %get3A_1526, [1, 0] : vector<32x192xf32> -> vector<192x32xf32>
    %swap3A_1528 = arith.constant 0 : index
    %swap3A_1529 = arith.constant 33 : index
    %swap3A_1530 = arith.constant 0 : index
    %swap3A_1531 = vector.load %arg17[%swap3A_1528, %swap3A_1529, %swap3A_1530] : memref<192x64x32xf32, #tpu.memory_space<vmem>>, vector<192x1x32xf32>
    %swap3A_1532 = vector.shape_cast %swap3A_1531 : vector<192x1x32xf32> to vector<192x32xf32>
    %swap3A_1533 = vector.shape_cast %transpose3A_1527 : vector<192x32xf32> to vector<192x1x32xf32>
    tpu.vector_store %arg17[%swap3A_1528, %swap3A_1529, %swap3A_1530], %swap3A_1533 {strides = array<i32>} : memref<192x64x32xf32, #tpu.memory_space<vmem>>, vector<192x1x32xf32>,
    %get3A_1534 = arith.constant 1088 : index
    %get3A_1535 = arith.constant 0 : index
    %get3A_1536 = vector.load %arg16[%get3A_1534, %get3A_1535] : memref<2048x192xf32, #tpu.memory_space<vmem>>, vector<32x192xf32>
    %transpose3A_1537 = tpu.transpose %get3A_1536, [1, 0] : vector<32x192xf32> -> vector<192x32xf32>
    %swap3A_1538 = arith.constant 0 : index
    %swap3A_1539 = arith.constant 34 : index
    %swap3A_1540 = arith.constant 0 : index
    %swap3A_1541 = vector.load %arg17[%swap3A_1538, %swap3A_1539, %swap3A_1540] : memref<192x64x32xf32, #tpu.memory_space<vmem>>, vector<192x1x32xf32>
    %swap3A_1542 = vector.shape_cast %swap3A_1541 : vector<192x1x32xf32> to vector<192x32xf32>
    %swap3A_1543 = vector.shape_cast %transpose3A_1537 : vector<192x32xf32> to vector<192x1x32xf32>
    tpu.vector_store %arg17[%swap3A_1538, %swap3A_1539, %swap3A_1540], %swap3A_1543 {strides = array<i32>} : memref<192x64x32xf32, #tpu.memory_space<vmem>>, vector<192x1x32xf32>,
    %get3A_1544 = arith.constant 1120 : index
    %get3A_1545 = arith.constant 0 : index
    %get3A_1546 = vector.load %arg16[%get3A_1544, %get3A_1545] : memref<2048x192xf32, #tpu.memory_space<vmem>>, vector<32x192xf32>
    %transpose3A_1547 = tpu.transpose %get3A_1546, [1, 0] : vector<32x192xf32> -> vector<192x32xf32>
    %swap3A_1548 = arith.constant 0 : index
    %swap3A_1549 = arith.constant 35 : index
    %swap3A_1550 = arith.constant 0 : index
    %swap3A_1551 = vector.load %arg17[%swap3A_1548, %swap3A_1549, %swap3A_1550] : memref<192x64x32xf32, #tpu.memory_space<vmem>>, vector<192x1x32xf32>
    %swap3A_1552 = vector.shape_cast %swap3A_1551 : vector<192x1x32xf32> to vector<192x32xf32>
    %swap3A_1553 = vector.shape_cast %transpose3A_1547 : vector<192x32xf32> to vector<192x1x32xf32>
    tpu.vector_store %arg17[%swap3A_1548, %swap3A_1549, %swap3A_1550], %swap3A_1553 {strides = array<i32>} : memref<192x64x32xf32, #tpu.memory_space<vmem>>, vector<192x1x32xf32>,
    %get3A_1554 = arith.constant 1152 : index
    %get3A_1555 = arith.constant 0 : index
    %get3A_1556 = vector.load %arg16[%get3A_1554, %get3A_1555] : memref<2048x192xf32, #tpu.memory_space<vmem>>, vector<32x192xf32>
    %transpose3A_1557 = tpu.transpose %get3A_1556, [1, 0] : vector<32x192xf32> -> vector<192x32xf32>
    %swap3A_1558 = arith.constant 0 : index
    %swap3A_1559 = arith.constant 36 : index
    %swap3A_1560 = arith.constant 0 : index
    %swap3A_1561 = vector.load %arg17[%swap3A_1558, %swap3A_1559, %swap3A_1560] : memref<192x64x32xf32, #tpu.memory_space<vmem>>, vector<192x1x32xf32>
    %swap3A_1562 = vector.shape_cast %swap3A_1561 : vector<192x1x32xf32> to vector<192x32xf32>
    %swap3A_1563 = vector.shape_cast %transpose3A_1557 : vector<192x32xf32> to vector<192x1x32xf32>
    tpu.vector_store %arg17[%swap3A_1558, %swap3A_1559, %swap3A_1560], %swap3A_1563 {strides = array<i32>} : memref<192x64x32xf32, #tpu.memory_space<vmem>>, vector<192x1x32xf32>,
    %get3A_1564 = arith.constant 1184 : index
    %get3A_1565 = arith.constant 0 : index
    %get3A_1566 = vector.load %arg16[%get3A_1564, %get3A_1565] : memref<2048x192xf32, #tpu.memory_space<vmem>>, vector<32x192xf32>
    %transpose3A_1567 = tpu.transpose %get3A_1566, [1, 0] : vector<32x192xf32> -> vector<192x32xf32>
    %swap3A_1568 = arith.constant 0 : index
    %swap3A_1569 = arith.constant 37 : index
    %swap3A_1570 = arith.constant 0 : index
    %swap3A_1571 = vector.load %arg17[%swap3A_1568, %swap3A_1569, %swap3A_1570] : memref<192x64x32xf32, #tpu.memory_space<vmem>>, vector<192x1x32xf32>
    %swap3A_1572 = vector.shape_cast %swap3A_1571 : vector<192x1x32xf32> to vector<192x32xf32>
    %swap3A_1573 = vector.shape_cast %transpose3A_1567 : vector<192x32xf32> to vector<192x1x32xf32>
    tpu.vector_store %arg17[%swap3A_1568, %swap3A_1569, %swap3A_1570], %swap3A_1573 {strides = array<i32>} : memref<192x64x32xf32, #tpu.memory_space<vmem>>, vector<192x1x32xf32>,
    %get3A_1574 = arith.constant 1216 : index
    %get3A_1575 = arith.constant 0 : index
    %get3A_1576 = vector.load %arg16[%get3A_1574, %get3A_1575] : memref<2048x192xf32, #tpu.memory_space<vmem>>, vector<32x192xf32>
    %transpose3A_1577 = tpu.transpose %get3A_1576, [1, 0] : vector<32x192xf32> -> vector<192x32xf32>
    %swap3A_1578 = arith.constant 0 : index
    %swap3A_1579 = arith.constant 38 : index
    %swap3A_1580 = arith.constant 0 : index
    %swap3A_1581 = vector.load %arg17[%swap3A_1578, %swap3A_1579, %swap3A_1580] : memref<192x64x32xf32, #tpu.memory_space<vmem>>, vector<192x1x32xf32>
    %swap3A_1582 = vector.shape_cast %swap3A_1581 : vector<192x1x32xf32> to vector<192x32xf32>
    %swap3A_1583 = vector.shape_cast %transpose3A_1577 : vector<192x32xf32> to vector<192x1x32xf32>
    tpu.vector_store %arg17[%swap3A_1578, %swap3A_1579, %swap3A_1580], %swap3A_1583 {strides = array<i32>} : memref<192x64x32xf32, #tpu.memory_space<vmem>>, vector<192x1x32xf32>,
    %get3A_1584 = arith.constant 1248 : index
    %get3A_1585 = arith.constant 0 : index
    %get3A_1586 = vector.load %arg16[%get3A_1584, %get3A_1585] : memref<2048x192xf32, #tpu.memory_space<vmem>>, vector<32x192xf32>
    %transpose3A_1587 = tpu.transpose %get3A_1586, [1, 0] : vector<32x192xf32> -> vector<192x32xf32>
    %swap3A_1588 = arith.constant 0 : index
    %swap3A_1589 = arith.constant 39 : index
    %swap3A_1590 = arith.constant 0 : index
    %swap3A_1591 = vector.load %arg17[%swap3A_1588, %swap3A_1589, %swap3A_1590] : memref<192x64x32xf32, #tpu.memory_space<vmem>>, vector<192x1x32xf32>
    %swap3A_1592 = vector.shape_cast %swap3A_1591 : vector<192x1x32xf32> to vector<192x32xf32>
    %swap3A_1593 = vector.shape_cast %transpose3A_1587 : vector<192x32xf32> to vector<192x1x32xf32>
    tpu.vector_store %arg17[%swap3A_1588, %swap3A_1589, %swap3A_1590], %swap3A_1593 {strides = array<i32>} : memref<192x64x32xf32, #tpu.memory_space<vmem>>, vector<192x1x32xf32>,
    %get3A_1594 = arith.constant 1280 : index
    %get3A_1595 = arith.constant 0 : index
    %get3A_1596 = vector.load %arg16[%get3A_1594, %get3A_1595] : memref<2048x192xf32, #tpu.memory_space<vmem>>, vector<32x192xf32>
    %transpose3A_1597 = tpu.transpose %get3A_1596, [1, 0] : vector<32x192xf32> -> vector<192x32xf32>
    %swap3A_1598 = arith.constant 0 : index
    %swap3A_1599 = arith.constant 40 : index
    %swap3A_1600 = arith.constant 0 : index
    %swap3A_1601 = vector.load %arg17[%swap3A_1598, %swap3A_1599, %swap3A_1600] : memref<192x64x32xf32, #tpu.memory_space<vmem>>, vector<192x1x32xf32>
    %swap3A_1602 = vector.shape_cast %swap3A_1601 : vector<192x1x32xf32> to vector<192x32xf32>
    %swap3A_1603 = vector.shape_cast %transpose3A_1597 : vector<192x32xf32> to vector<192x1x32xf32>
    tpu.vector_store %arg17[%swap3A_1598, %swap3A_1599, %swap3A_1600], %swap3A_1603 {strides = array<i32>} : memref<192x64x32xf32, #tpu.memory_space<vmem>>, vector<192x1x32xf32>,
    %get3A_1604 = arith.constant 1312 : index
    %get3A_1605 = arith.constant 0 : index
    %get3A_1606 = vector.load %arg16[%get3A_1604, %get3A_1605] : memref<2048x192xf32, #tpu.memory_space<vmem>>, vector<32x192xf32>
    %transpose3A_1607 = tpu.transpose %get3A_1606, [1, 0] : vector<32x192xf32> -> vector<192x32xf32>
    %swap3A_1608 = arith.constant 0 : index
    %swap3A_1609 = arith.constant 41 : index
    %swap3A_1610 = arith.constant 0 : index
    %swap3A_1611 = vector.load %arg17[%swap3A_1608, %swap3A_1609, %swap3A_1610] : memref<192x64x32xf32, #tpu.memory_space<vmem>>, vector<192x1x32xf32>
    %swap3A_1612 = vector.shape_cast %swap3A_1611 : vector<192x1x32xf32> to vector<192x32xf32>
    %swap3A_1613 = vector.shape_cast %transpose3A_1607 : vector<192x32xf32> to vector<192x1x32xf32>
    tpu.vector_store %arg17[%swap3A_1608, %swap3A_1609, %swap3A_1610], %swap3A_1613 {strides = array<i32>} : memref<192x64x32xf32, #tpu.memory_space<vmem>>, vector<192x1x32xf32>,
    %get3A_1614 = arith.constant 1344 : index
    %get3A_1615 = arith.constant 0 : index
    %get3A_1616 = vector.load %arg16[%get3A_1614, %get3A_1615] : memref<2048x192xf32, #tpu.memory_space<vmem>>, vector<32x192xf32>
    %transpose3A_1617 = tpu.transpose %get3A_1616, [1, 0] : vector<32x192xf32> -> vector<192x32xf32>
    %swap3A_1618 = arith.constant 0 : index
    %swap3A_1619 = arith.constant 42 : index
    %swap3A_1620 = arith.constant 0 : index
    %swap3A_1621 = vector.load %arg17[%swap3A_1618, %swap3A_1619, %swap3A_1620] : memref<192x64x32xf32, #tpu.memory_space<vmem>>, vector<192x1x32xf32>
    %swap3A_1622 = vector.shape_cast %swap3A_1621 : vector<192x1x32xf32> to vector<192x32xf32>
    %swap3A_1623 = vector.shape_cast %transpose3A_1617 : vector<192x32xf32> to vector<192x1x32xf32>
    tpu.vector_store %arg17[%swap3A_1618, %swap3A_1619, %swap3A_1620], %swap3A_1623 {strides = array<i32>} : memref<192x64x32xf32, #tpu.memory_space<vmem>>, vector<192x1x32xf32>,
    %get3A_1624 = arith.constant 1376 : index
    %get3A_1625 = arith.constant 0 : index
    %get3A_1626 = vector.load %arg16[%get3A_1624, %get3A_1625] : memref<2048x192xf32, #tpu.memory_space<vmem>>, vector<32x192xf32>
    %transpose3A_1627 = tpu.transpose %get3A_1626, [1, 0] : vector<32x192xf32> -> vector<192x32xf32>
    %swap3A_1628 = arith.constant 0 : index
    %swap3A_1629 = arith.constant 43 : index
    %swap3A_1630 = arith.constant 0 : index
    %swap3A_1631 = vector.load %arg17[%swap3A_1628, %swap3A_1629, %swap3A_1630] : memref<192x64x32xf32, #tpu.memory_space<vmem>>, vector<192x1x32xf32>
    %swap3A_1632 = vector.shape_cast %swap3A_1631 : vector<192x1x32xf32> to vector<192x32xf32>
    %swap3A_1633 = vector.shape_cast %transpose3A_1627 : vector<192x32xf32> to vector<192x1x32xf32>
    tpu.vector_store %arg17[%swap3A_1628, %swap3A_1629, %swap3A_1630], %swap3A_1633 {strides = array<i32>} : memref<192x64x32xf32, #tpu.memory_space<vmem>>, vector<192x1x32xf32>,
    %get3A_1634 = arith.constant 1408 : index
    %get3A_1635 = arith.constant 0 : index
    %get3A_1636 = vector.load %arg16[%get3A_1634, %get3A_1635] : memref<2048x192xf32, #tpu.memory_space<vmem>>, vector<32x192xf32>
    %transpose3A_1637 = tpu.transpose %get3A_1636, [1, 0] : vector<32x192xf32> -> vector<192x32xf32>
    %swap3A_1638 = arith.constant 0 : index
    %swap3A_1639 = arith.constant 44 : index
    %swap3A_1640 = arith.constant 0 : index
    %swap3A_1641 = vector.load %arg17[%swap3A_1638, %swap3A_1639, %swap3A_1640] : memref<192x64x32xf32, #tpu.memory_space<vmem>>, vector<192x1x32xf32>
    %swap3A_1642 = vector.shape_cast %swap3A_1641 : vector<192x1x32xf32> to vector<192x32xf32>
    %swap3A_1643 = vector.shape_cast %transpose3A_1637 : vector<192x32xf32> to vector<192x1x32xf32>
    tpu.vector_store %arg17[%swap3A_1638, %swap3A_1639, %swap3A_1640], %swap3A_1643 {strides = array<i32>} : memref<192x64x32xf32, #tpu.memory_space<vmem>>, vector<192x1x32xf32>,
    %get3A_1644 = arith.constant 1440 : index
    %get3A_1645 = arith.constant 0 : index
    %get3A_1646 = vector.load %arg16[%get3A_1644, %get3A_1645] : memref<2048x192xf32, #tpu.memory_space<vmem>>, vector<32x192xf32>
    %transpose3A_1647 = tpu.transpose %get3A_1646, [1, 0] : vector<32x192xf32> -> vector<192x32xf32>
    %swap3A_1648 = arith.constant 0 : index
    %swap3A_1649 = arith.constant 45 : index
    %swap3A_1650 = arith.constant 0 : index
    %swap3A_1651 = vector.load %arg17[%swap3A_1648, %swap3A_1649, %swap3A_1650] : memref<192x64x32xf32, #tpu.memory_space<vmem>>, vector<192x1x32xf32>
    %swap3A_1652 = vector.shape_cast %swap3A_1651 : vector<192x1x32xf32> to vector<192x32xf32>
    %swap3A_1653 = vector.shape_cast %transpose3A_1647 : vector<192x32xf32> to vector<192x1x32xf32>
    tpu.vector_store %arg17[%swap3A_1648, %swap3A_1649, %swap3A_1650], %swap3A_1653 {strides = array<i32>} : memref<192x64x32xf32, #tpu.memory_space<vmem>>, vector<192x1x32xf32>,
    %get3A_1654 = arith.constant 1472 : index
    %get3A_1655 = arith.constant 0 : index
    %get3A_1656 = vector.load %arg16[%get3A_1654, %get3A_1655] : memref<2048x192xf32, #tpu.memory_space<vmem>>, vector<32x192xf32>
    %transpose3A_1657 = tpu.transpose %get3A_1656, [1, 0] : vector<32x192xf32> -> vector<192x32xf32>
    %swap3A_1658 = arith.constant 0 : index
    %swap3A_1659 = arith.constant 46 : index
    %swap3A_1660 = arith.constant 0 : index
    %swap3A_1661 = vector.load %arg17[%swap3A_1658, %swap3A_1659, %swap3A_1660] : memref<192x64x32xf32, #tpu.memory_space<vmem>>, vector<192x1x32xf32>
    %swap3A_1662 = vector.shape_cast %swap3A_1661 : vector<192x1x32xf32> to vector<192x32xf32>
    %swap3A_1663 = vector.shape_cast %transpose3A_1657 : vector<192x32xf32> to vector<192x1x32xf32>
    tpu.vector_store %arg17[%swap3A_1658, %swap3A_1659, %swap3A_1660], %swap3A_1663 {strides = array<i32>} : memref<192x64x32xf32, #tpu.memory_space<vmem>>, vector<192x1x32xf32>,
    %get3A_1664 = arith.constant 1504 : index
    %get3A_1665 = arith.constant 0 : index
    %get3A_1666 = vector.load %arg16[%get3A_1664, %get3A_1665] : memref<2048x192xf32, #tpu.memory_space<vmem>>, vector<32x192xf32>
    %transpose3A_1667 = tpu.transpose %get3A_1666, [1, 0] : vector<32x192xf32> -> vector<192x32xf32>
    %swap3A_1668 = arith.constant 0 : index
    %swap3A_1669 = arith.constant 47 : index
    %swap3A_1670 = arith.constant 0 : index
    %swap3A_1671 = vector.load %arg17[%swap3A_1668, %swap3A_1669, %swap3A_1670] : memref<192x64x32xf32, #tpu.memory_space<vmem>>, vector<192x1x32xf32>
    %swap3A_1672 = vector.shape_cast %swap3A_1671 : vector<192x1x32xf32> to vector<192x32xf32>
    %swap3A_1673 = vector.shape_cast %transpose3A_1667 : vector<192x32xf32> to vector<192x1x32xf32>
    tpu.vector_store %arg17[%swap3A_1668, %swap3A_1669, %swap3A_1670], %swap3A_1673 {strides = array<i32>} : memref<192x64x32xf32, #tpu.memory_space<vmem>>, vector<192x1x32xf32>,
    %get3A_1674 = arith.constant 1536 : index
    %get3A_1675 = arith.constant 0 : index
    %get3A_1676 = vector.load %arg16[%get3A_1674, %get3A_1675] : memref<2048x192xf32, #tpu.memory_space<vmem>>, vector<32x192xf32>
    %transpose3A_1677 = tpu.transpose %get3A_1676, [1, 0] : vector<32x192xf32> -> vector<192x32xf32>
    %swap3A_1678 = arith.constant 0 : index
    %swap3A_1679 = arith.constant 48 : index
    %swap3A_1680 = arith.constant 0 : index
    %swap3A_1681 = vector.load %arg17[%swap3A_1678, %swap3A_1679, %swap3A_1680] : memref<192x64x32xf32, #tpu.memory_space<vmem>>, vector<192x1x32xf32>
    %swap3A_1682 = vector.shape_cast %swap3A_1681 : vector<192x1x32xf32> to vector<192x32xf32>
    %swap3A_1683 = vector.shape_cast %transpose3A_1677 : vector<192x32xf32> to vector<192x1x32xf32>
    tpu.vector_store %arg17[%swap3A_1678, %swap3A_1679, %swap3A_1680], %swap3A_1683 {strides = array<i32>} : memref<192x64x32xf32, #tpu.memory_space<vmem>>, vector<192x1x32xf32>,
    %get3A_1684 = arith.constant 1568 : index
    %get3A_1685 = arith.constant 0 : index
    %get3A_1686 = vector.load %arg16[%get3A_1684, %get3A_1685] : memref<2048x192xf32, #tpu.memory_space<vmem>>, vector<32x192xf32>
    %transpose3A_1687 = tpu.transpose %get3A_1686, [1, 0] : vector<32x192xf32> -> vector<192x32xf32>
    %swap3A_1688 = arith.constant 0 : index
    %swap3A_1689 = arith.constant 49 : index
    %swap3A_1690 = arith.constant 0 : index
    %swap3A_1691 = vector.load %arg17[%swap3A_1688, %swap3A_1689, %swap3A_1690] : memref<192x64x32xf32, #tpu.memory_space<vmem>>, vector<192x1x32xf32>
    %swap3A_1692 = vector.shape_cast %swap3A_1691 : vector<192x1x32xf32> to vector<192x32xf32>
    %swap3A_1693 = vector.shape_cast %transpose3A_1687 : vector<192x32xf32> to vector<192x1x32xf32>
    tpu.vector_store %arg17[%swap3A_1688, %swap3A_1689, %swap3A_1690], %swap3A_1693 {strides = array<i32>} : memref<192x64x32xf32, #tpu.memory_space<vmem>>, vector<192x1x32xf32>,
    %get3A_1694 = arith.constant 1600 : index
    %get3A_1695 = arith.constant 0 : index
    %get3A_1696 = vector.load %arg16[%get3A_1694, %get3A_1695] : memref<2048x192xf32, #tpu.memory_space<vmem>>, vector<32x192xf32>
    %transpose3A_1697 = tpu.transpose %get3A_1696, [1, 0] : vector<32x192xf32> -> vector<192x32xf32>
    %swap3A_1698 = arith.constant 0 : index
    %swap3A_1699 = arith.constant 50 : index
    %swap3A_1700 = arith.constant 0 : index
    %swap3A_1701 = vector.load %arg17[%swap3A_1698, %swap3A_1699, %swap3A_1700] : memref<192x64x32xf32, #tpu.memory_space<vmem>>, vector<192x1x32xf32>
    %swap3A_1702 = vector.shape_cast %swap3A_1701 : vector<192x1x32xf32> to vector<192x32xf32>
    %swap3A_1703 = vector.shape_cast %transpose3A_1697 : vector<192x32xf32> to vector<192x1x32xf32>
    tpu.vector_store %arg17[%swap3A_1698, %swap3A_1699, %swap3A_1700], %swap3A_1703 {strides = array<i32>} : memref<192x64x32xf32, #tpu.memory_space<vmem>>, vector<192x1x32xf32>,
    %get3A_1704 = arith.constant 1632 : index
    %get3A_1705 = arith.constant 0 : index
    %get3A_1706 = vector.load %arg16[%get3A_1704, %get3A_1705] : memref<2048x192xf32, #tpu.memory_space<vmem>>, vector<32x192xf32>
    %transpose3A_1707 = tpu.transpose %get3A_1706, [1, 0] : vector<32x192xf32> -> vector<192x32xf32>
    %swap3A_1708 = arith.constant 0 : index
    %swap3A_1709 = arith.constant 51 : index
    %swap3A_1710 = arith.constant 0 : index
    %swap3A_1711 = vector.load %arg17[%swap3A_1708, %swap3A_1709, %swap3A_1710] : memref<192x64x32xf32, #tpu.memory_space<vmem>>, vector<192x1x32xf32>
    %swap3A_1712 = vector.shape_cast %swap3A_1711 : vector<192x1x32xf32> to vector<192x32xf32>
    %swap3A_1713 = vector.shape_cast %transpose3A_1707 : vector<192x32xf32> to vector<192x1x32xf32>
    tpu.vector_store %arg17[%swap3A_1708, %swap3A_1709, %swap3A_1710], %swap3A_1713 {strides = array<i32>} : memref<192x64x32xf32, #tpu.memory_space<vmem>>, vector<192x1x32xf32>,
    %get3A_1714 = arith.constant 1664 : index
    %get3A_1715 = arith.constant 0 : index
    %get3A_1716 = vector.load %arg16[%get3A_1714, %get3A_1715] : memref<2048x192xf32, #tpu.memory_space<vmem>>, vector<32x192xf32>
    %transpose3A_1717 = tpu.transpose %get3A_1716, [1, 0] : vector<32x192xf32> -> vector<192x32xf32>
    %swap3A_1718 = arith.constant 0 : index
    %swap3A_1719 = arith.constant 52 : index
    %swap3A_1720 = arith.constant 0 : index
    %swap3A_1721 = vector.load %arg17[%swap3A_1718, %swap3A_1719, %swap3A_1720] : memref<192x64x32xf32, #tpu.memory_space<vmem>>, vector<192x1x32xf32>
    %swap3A_1722 = vector.shape_cast %swap3A_1721 : vector<192x1x32xf32> to vector<192x32xf32>
    %swap3A_1723 = vector.shape_cast %transpose3A_1717 : vector<192x32xf32> to vector<192x1x32xf32>
    tpu.vector_store %arg17[%swap3A_1718, %swap3A_1719, %swap3A_1720], %swap3A_1723 {strides = array<i32>} : memref<192x64x32xf32, #tpu.memory_space<vmem>>, vector<192x1x32xf32>,
    %get3A_1724 = arith.constant 1696 : index
    %get3A_1725 = arith.constant 0 : index
    %get3A_1726 = vector.load %arg16[%get3A_1724, %get3A_1725] : memref<2048x192xf32, #tpu.memory_space<vmem>>, vector<32x192xf32>
    %transpose3A_1727 = tpu.transpose %get3A_1726, [1, 0] : vector<32x192xf32> -> vector<192x32xf32>
    %swap3A_1728 = arith.constant 0 : index
    %swap3A_1729 = arith.constant 53 : index
    %swap3A_1730 = arith.constant 0 : index
    %swap3A_1731 = vector.load %arg17[%swap3A_1728, %swap3A_1729, %swap3A_1730] : memref<192x64x32xf32, #tpu.memory_space<vmem>>, vector<192x1x32xf32>
    %swap3A_1732 = vector.shape_cast %swap3A_1731 : vector<192x1x32xf32> to vector<192x32xf32>
    %swap3A_1733 = vector.shape_cast %transpose3A_1727 : vector<192x32xf32> to vector<192x1x32xf32>
    tpu.vector_store %arg17[%swap3A_1728, %swap3A_1729, %swap3A_1730], %swap3A_1733 {strides = array<i32>} : memref<192x64x32xf32, #tpu.memory_space<vmem>>, vector<192x1x32xf32>,
    %get3A_1734 = arith.constant 1728 : index
    %get3A_1735 = arith.constant 0 : index
    %get3A_1736 = vector.load %arg16[%get3A_1734, %get3A_1735] : memref<2048x192xf32, #tpu.memory_space<vmem>>, vector<32x192xf32>
    %transpose3A_1737 = tpu.transpose %get3A_1736, [1, 0] : vector<32x192xf32> -> vector<192x32xf32>
    %swap3A_1738 = arith.constant 0 : index
    %swap3A_1739 = arith.constant 54 : index
    %swap3A_1740 = arith.constant 0 : index
    %swap3A_1741 = vector.load %arg17[%swap3A_1738, %swap3A_1739, %swap3A_1740] : memref<192x64x32xf32, #tpu.memory_space<vmem>>, vector<192x1x32xf32>
    %swap3A_1742 = vector.shape_cast %swap3A_1741 : vector<192x1x32xf32> to vector<192x32xf32>
    %swap3A_1743 = vector.shape_cast %transpose3A_1737 : vector<192x32xf32> to vector<192x1x32xf32>
    tpu.vector_store %arg17[%swap3A_1738, %swap3A_1739, %swap3A_1740], %swap3A_1743 {strides = array<i32>} : memref<192x64x32xf32, #tpu.memory_space<vmem>>, vector<192x1x32xf32>,
    %get3A_1744 = arith.constant 1760 : index
    %get3A_1745 = arith.constant 0 : index
    %get3A_1746 = vector.load %arg16[%get3A_1744, %get3A_1745] : memref<2048x192xf32, #tpu.memory_space<vmem>>, vector<32x192xf32>
    %transpose3A_1747 = tpu.transpose %get3A_1746, [1, 0] : vector<32x192xf32> -> vector<192x32xf32>
    %swap3A_1748 = arith.constant 0 : index
    %swap3A_1749 = arith.constant 55 : index
    %swap3A_1750 = arith.constant 0 : index
    %swap3A_1751 = vector.load %arg17[%swap3A_1748, %swap3A_1749, %swap3A_1750] : memref<192x64x32xf32, #tpu.memory_space<vmem>>, vector<192x1x32xf32>
    %swap3A_1752 = vector.shape_cast %swap3A_1751 : vector<192x1x32xf32> to vector<192x32xf32>
    %swap3A_1753 = vector.shape_cast %transpose3A_1747 : vector<192x32xf32> to vector<192x1x32xf32>
    tpu.vector_store %arg17[%swap3A_1748, %swap3A_1749, %swap3A_1750], %swap3A_1753 {strides = array<i32>} : memref<192x64x32xf32, #tpu.memory_space<vmem>>, vector<192x1x32xf32>,
    %get3A_1754 = arith.constant 1792 : index
    %get3A_1755 = arith.constant 0 : index
    %get3A_1756 = vector.load %arg16[%get3A_1754, %get3A_1755] : memref<2048x192xf32, #tpu.memory_space<vmem>>, vector<32x192xf32>
    %transpose3A_1757 = tpu.transpose %get3A_1756, [1, 0] : vector<32x192xf32> -> vector<192x32xf32>
    %swap3A_1758 = arith.constant 0 : index
    %swap3A_1759 = arith.constant 56 : index
    %swap3A_1760 = arith.constant 0 : index
    %swap3A_1761 = vector.load %arg17[%swap3A_1758, %swap3A_1759, %swap3A_1760] : memref<192x64x32xf32, #tpu.memory_space<vmem>>, vector<192x1x32xf32>
    %swap3A_1762 = vector.shape_cast %swap3A_1761 : vector<192x1x32xf32> to vector<192x32xf32>
    %swap3A_1763 = vector.shape_cast %transpose3A_1757 : vector<192x32xf32> to vector<192x1x32xf32>
    tpu.vector_store %arg17[%swap3A_1758, %swap3A_1759, %swap3A_1760], %swap3A_1763 {strides = array<i32>} : memref<192x64x32xf32, #tpu.memory_space<vmem>>, vector<192x1x32xf32>,
    %get3A_1764 = arith.constant 1824 : index
    %get3A_1765 = arith.constant 0 : index
    %get3A_1766 = vector.load %arg16[%get3A_1764, %get3A_1765] : memref<2048x192xf32, #tpu.memory_space<vmem>>, vector<32x192xf32>
    %transpose3A_1767 = tpu.transpose %get3A_1766, [1, 0] : vector<32x192xf32> -> vector<192x32xf32>
    %swap3A_1768 = arith.constant 0 : index
    %swap3A_1769 = arith.constant 57 : index
    %swap3A_1770 = arith.constant 0 : index
    %swap3A_1771 = vector.load %arg17[%swap3A_1768, %swap3A_1769, %swap3A_1770] : memref<192x64x32xf32, #tpu.memory_space<vmem>>, vector<192x1x32xf32>
    %swap3A_1772 = vector.shape_cast %swap3A_1771 : vector<192x1x32xf32> to vector<192x32xf32>
    %swap3A_1773 = vector.shape_cast %transpose3A_1767 : vector<192x32xf32> to vector<192x1x32xf32>
    tpu.vector_store %arg17[%swap3A_1768, %swap3A_1769, %swap3A_1770], %swap3A_1773 {strides = array<i32>} : memref<192x64x32xf32, #tpu.memory_space<vmem>>, vector<192x1x32xf32>,
    %get3A_1774 = arith.constant 1856 : index
    %get3A_1775 = arith.constant 0 : index
    %get3A_1776 = vector.load %arg16[%get3A_1774, %get3A_1775] : memref<2048x192xf32, #tpu.memory_space<vmem>>, vector<32x192xf32>
    %transpose3A_1777 = tpu.transpose %get3A_1776, [1, 0] : vector<32x192xf32> -> vector<192x32xf32>
    %swap3A_1778 = arith.constant 0 : index
    %swap3A_1779 = arith.constant 58 : index
    %swap3A_1780 = arith.constant 0 : index
    %swap3A_1781 = vector.load %arg17[%swap3A_1778, %swap3A_1779, %swap3A_1780] : memref<192x64x32xf32, #tpu.memory_space<vmem>>, vector<192x1x32xf32>
    %swap3A_1782 = vector.shape_cast %swap3A_1781 : vector<192x1x32xf32> to vector<192x32xf32>
    %swap3A_1783 = vector.shape_cast %transpose3A_1777 : vector<192x32xf32> to vector<192x1x32xf32>
    tpu.vector_store %arg17[%swap3A_1778, %swap3A_1779, %swap3A_1780], %swap3A_1783 {strides = array<i32>} : memref<192x64x32xf32, #tpu.memory_space<vmem>>, vector<192x1x32xf32>,
    %get3A_1784 = arith.constant 1888 : index
    %get3A_1785 = arith.constant 0 : index
    %get3A_1786 = vector.load %arg16[%get3A_1784, %get3A_1785] : memref<2048x192xf32, #tpu.memory_space<vmem>>, vector<32x192xf32>
    %transpose3A_1787 = tpu.transpose %get3A_1786, [1, 0] : vector<32x192xf32> -> vector<192x32xf32>
    %swap3A_1788 = arith.constant 0 : index
    %swap3A_1789 = arith.constant 59 : index
    %swap3A_1790 = arith.constant 0 : index
    %swap3A_1791 = vector.load %arg17[%swap3A_1788, %swap3A_1789, %swap3A_1790] : memref<192x64x32xf32, #tpu.memory_space<vmem>>, vector<192x1x32xf32>
    %swap3A_1792 = vector.shape_cast %swap3A_1791 : vector<192x1x32xf32> to vector<192x32xf32>
    %swap3A_1793 = vector.shape_cast %transpose3A_1787 : vector<192x32xf32> to vector<192x1x32xf32>
    tpu.vector_store %arg17[%swap3A_1788, %swap3A_1789, %swap3A_1790], %swap3A_1793 {strides = array<i32>} : memref<192x64x32xf32, #tpu.memory_space<vmem>>, vector<192x1x32xf32>,
    %get3A_1794 = arith.constant 1920 : index
    %get3A_1795 = arith.constant 0 : index
    %get3A_1796 = vector.load %arg16[%get3A_1794, %get3A_1795] : memref<2048x192xf32, #tpu.memory_space<vmem>>, vector<32x192xf32>
    %transpose3A_1797 = tpu.transpose %get3A_1796, [1, 0] : vector<32x192xf32> -> vector<192x32xf32>
    %swap3A_1798 = arith.constant 0 : index
    %swap3A_1799 = arith.constant 60 : index
    %swap3A_1800 = arith.constant 0 : index
    %swap3A_1801 = vector.load %arg17[%swap3A_1798, %swap3A_1799, %swap3A_1800] : memref<192x64x32xf32, #tpu.memory_space<vmem>>, vector<192x1x32xf32>
    %swap3A_1802 = vector.shape_cast %swap3A_1801 : vector<192x1x32xf32> to vector<192x32xf32>
    %swap3A_1803 = vector.shape_cast %transpose3A_1797 : vector<192x32xf32> to vector<192x1x32xf32>
    tpu.vector_store %arg17[%swap3A_1798, %swap3A_1799, %swap3A_1800], %swap3A_1803 {strides = array<i32>} : memref<192x64x32xf32, #tpu.memory_space<vmem>>, vector<192x1x32xf32>,
    %get3A_1804 = arith.constant 1952 : index
    %get3A_1805 = arith.constant 0 : index
    %get3A_1806 = vector.load %arg16[%get3A_1804, %get3A_1805] : memref<2048x192xf32, #tpu.memory_space<vmem>>, vector<32x192xf32>
    %transpose3A_1807 = tpu.transpose %get3A_1806, [1, 0] : vector<32x192xf32> -> vector<192x32xf32>
    %swap3A_1808 = arith.constant 0 : index
    %swap3A_1809 = arith.constant 61 : index
    %swap3A_1810 = arith.constant 0 : index
    %swap3A_1811 = vector.load %arg17[%swap3A_1808, %swap3A_1809, %swap3A_1810] : memref<192x64x32xf32, #tpu.memory_space<vmem>>, vector<192x1x32xf32>
    %swap3A_1812 = vector.shape_cast %swap3A_1811 : vector<192x1x32xf32> to vector<192x32xf32>
    %swap3A_1813 = vector.shape_cast %transpose3A_1807 : vector<192x32xf32> to vector<192x1x32xf32>
    tpu.vector_store %arg17[%swap3A_1808, %swap3A_1809, %swap3A_1810], %swap3A_1813 {strides = array<i32>} : memref<192x64x32xf32, #tpu.memory_space<vmem>>, vector<192x1x32xf32>,
    %get3A_1814 = arith.constant 1984 : index
    %get3A_1815 = arith.constant 0 : index
    %get3A_1816 = vector.load %arg16[%get3A_1814, %get3A_1815] : memref<2048x192xf32, #tpu.memory_space<vmem>>, vector<32x192xf32>
    %transpose3A_1817 = tpu.transpose %get3A_1816, [1, 0] : vector<32x192xf32> -> vector<192x32xf32>
    %swap3A_1818 = arith.constant 0 : index
    %swap3A_1819 = arith.constant 62 : index
    %swap3A_1820 = arith.constant 0 : index
    %swap3A_1821 = vector.load %arg17[%swap3A_1818, %swap3A_1819, %swap3A_1820] : memref<192x64x32xf32, #tpu.memory_space<vmem>>, vector<192x1x32xf32>
    %swap3A_1822 = vector.shape_cast %swap3A_1821 : vector<192x1x32xf32> to vector<192x32xf32>
    %swap3A_1823 = vector.shape_cast %transpose3A_1817 : vector<192x32xf32> to vector<192x1x32xf32>
    tpu.vector_store %arg17[%swap3A_1818, %swap3A_1819, %swap3A_1820], %swap3A_1823 {strides = array<i32>} : memref<192x64x32xf32, #tpu.memory_space<vmem>>, vector<192x1x32xf32>,
    %get3A_1824 = arith.constant 2016 : index
    %get3A_1825 = arith.constant 0 : index
    %get3A_1826 = vector.load %arg16[%get3A_1824, %get3A_1825] : memref<2048x192xf32, #tpu.memory_space<vmem>>, vector<32x192xf32>
    %transpose3A_1827 = tpu.transpose %get3A_1826, [1, 0] : vector<32x192xf32> -> vector<192x32xf32>
    %swap3A_1828 = arith.constant 0 : index
    %swap3A_1829 = arith.constant 63 : index
    %swap3A_1830 = arith.constant 0 : index
    %swap3A_1831 = vector.load %arg17[%swap3A_1828, %swap3A_1829, %swap3A_1830] : memref<192x64x32xf32, #tpu.memory_space<vmem>>, vector<192x1x32xf32>
    %swap3A_1832 = vector.shape_cast %swap3A_1831 : vector<192x1x32xf32> to vector<192x32xf32>
    %swap3A_1833 = vector.shape_cast %transpose3A_1827 : vector<192x32xf32> to vector<192x1x32xf32>
    tpu.vector_store %arg17[%swap3A_1828, %swap3A_1829, %swap3A_1830], %swap3A_1833 {strides = array<i32>} : memref<192x64x32xf32, #tpu.memory_space<vmem>>, vector<192x1x32xf32>,
    %get3A_1834 = arith.constant 0 : index
    %get3A_1835 = arith.constant 0 : index
    %get3A_1836 = arith.constant 0 : index
    %get3A_1837 = vector.load %arg17[%get3A_1834, %get3A_1835, %get3A_1836] : memref<192x64x32xf32, #tpu.memory_space<vmem>>, vector<192x64x32xf32>
    %reshape3A_1838 = vector.shape_cast %get3A_1837 : vector<192x64x32xf32> to vector<96x2x64x32xf32>
    %broadcast_in_dim3A = arith.constant 0.000000e+00 : f32
    %broadcast_in_dim3A_1839 = vector.broadcast %broadcast_in_dim3A : f32 to vector<2x2x64x32xf32>
    %concatenate3A = tpu.concatenate %broadcast_in_dim3A_1839, %reshape3A_1838, %broadcast_in_dim3A_1839 in 0 : vector<2x2x64x32xf32>, vector<96x2x64x32xf32>, vector<2x2x64x32xf32> -> vector<100x2x64x32xf32>
    %slice3A = vector.extract_strided_slice %concatenate3A {offsets = [0, 1, 0, 0], sizes = [96, 1, 64, 32], strides = [1, 1, 1, 1]} : vector<100x2x64x32xf32> to vector<96x1x64x32xf32>
    %squeeze3A = vector.shape_cast %slice3A : vector<96x1x64x32xf32> to vector<96x64x32xf32>
    %reshape3A_1840 = vector.shape_cast %squeeze3A : vector<96x64x32xf32> to vector<6144x32xf32>
    %get3A_1841 = arith.constant 0 : index
    %get3A_1842 = arith.constant 0 : index
    %get3A_1843 = arith.constant 0 : index
    %get3A_1844 = vector.load %arg7[%get3A_1841, %get3A_1842, %get3A_1843] : memref<7x32x32xf32, #tpu.memory_space<vmem>>, vector<1x32x32xf32>
    %get3A_1845 = vector.shape_cast %get3A_1844 : vector<1x32x32xf32> to vector<32x32xf32>
    %dot_general3A_1846 = arith.constant dense<0.000000e+00> : vector<6144x32xf32>
    %dot_general3A_1847 = tpu.matmul %reshape3A_1840, %get3A_1845, %dot_general3A_1846 {dimension_numbers = #tpu.dot_dimension_numbers<[1], [0], [0], [1], [0, 0, 1, 1], [], []>, transpose_lhs_hint = false} : vector<6144x32xf32>, vector<32x32xf32>, vector<6144x32xf32> -> vector<6144x32xf32>
    %slice3A_1848 = vector.extract_strided_slice %concatenate3A {offsets = [1, 0, 0, 0], sizes = [96, 1, 64, 32], strides = [1, 1, 1, 1]} : vector<100x2x64x32xf32> to vector<96x1x64x32xf32>
    %squeeze3A_1849 = vector.shape_cast %slice3A_1848 : vector<96x1x64x32xf32> to vector<96x64x32xf32>
    %reshape3A_1850 = vector.shape_cast %squeeze3A_1849 : vector<96x64x32xf32> to vector<6144x32xf32>
    %get3A_1851 = arith.constant 1 : index
    %get3A_1852 = arith.constant 0 : index
    %get3A_1853 = arith.constant 0 : index
    %get3A_1854 = vector.load %arg7[%get3A_1851, %get3A_1852, %get3A_1853] : memref<7x32x32xf32, #tpu.memory_space<vmem>>, vector<1x32x32xf32>
    %get3A_1855 = vector.shape_cast %get3A_1854 : vector<1x32x32xf32> to vector<32x32xf32>
    %dot_general3A_1856 = arith.constant dense<0.000000e+00> : vector<6144x32xf32>
    %dot_general3A_1857 = tpu.matmul %reshape3A_1850, %get3A_1855, %dot_general3A_1856 {dimension_numbers = #tpu.dot_dimension_numbers<[1], [0], [0], [1], [0, 0, 1, 1], [], []>, transpose_lhs_hint = false} : vector<6144x32xf32>, vector<32x32xf32>, vector<6144x32xf32> -> vector<6144x32xf32>
    %add3A_1858 = arith.addf %dot_general3A_1847, %dot_general3A_1857 : vector<6144x32xf32>
    %slice3A_1859 = vector.extract_strided_slice %concatenate3A {offsets = [1, 1, 0, 0], sizes = [96, 1, 64, 32], strides = [1, 1, 1, 1]} : vector<100x2x64x32xf32> to vector<96x1x64x32xf32>
    %squeeze3A_1860 = vector.shape_cast %slice3A_1859 : vector<96x1x64x32xf32> to vector<96x64x32xf32>
    %reshape3A_1861 = vector.shape_cast %squeeze3A_1860 : vector<96x64x32xf32> to vector<6144x32xf32>
    %get3A_1862 = arith.constant 2 : index
    %get3A_1863 = arith.constant 0 : index
    %get3A_1864 = arith.constant 0 : index
    %get3A_1865 = vector.load %arg7[%get3A_1862, %get3A_1863, %get3A_1864] : memref<7x32x32xf32, #tpu.memory_space<vmem>>, vector<1x32x32xf32>
    %get3A_1866 = vector.shape_cast %get3A_1865 : vector<1x32x32xf32> to vector<32x32xf32>
    %dot_general3A_1867 = arith.constant dense<0.000000e+00> : vector<6144x32xf32>
    %dot_general3A_1868 = tpu.matmul %reshape3A_1861, %get3A_1866, %dot_general3A_1867 {dimension_numbers = #tpu.dot_dimension_numbers<[1], [0], [0], [1], [0, 0, 1, 1], [], []>, transpose_lhs_hint = false} : vector<6144x32xf32>, vector<32x32xf32>, vector<6144x32xf32> -> vector<6144x32xf32>
    %add3A_1869 = arith.addf %add3A_1858, %dot_general3A_1868 : vector<6144x32xf32>
    %slice3A_1870 = vector.extract_strided_slice %concatenate3A {offsets = [2, 0, 0, 0], sizes = [96, 1, 64, 32], strides = [1, 1, 1, 1]} : vector<100x2x64x32xf32> to vector<96x1x64x32xf32>
    %squeeze3A_1871 = vector.shape_cast %slice3A_1870 : vector<96x1x64x32xf32> to vector<96x64x32xf32>
    %reshape3A_1872 = vector.shape_cast %squeeze3A_1871 : vector<96x64x32xf32> to vector<6144x32xf32>
    %get3A_1873 = arith.constant 3 : index
    %get3A_1874 = arith.constant 0 : index
    %get3A_1875 = arith.constant 0 : index
    %get3A_1876 = vector.load %arg7[%get3A_1873, %get3A_1874, %get3A_1875] : memref<7x32x32xf32, #tpu.memory_space<vmem>>, vector<1x32x32xf32>
    %get3A_1877 = vector.shape_cast %get3A_1876 : vector<1x32x32xf32> to vector<32x32xf32>
    %dot_general3A_1878 = arith.constant dense<0.000000e+00> : vector<6144x32xf32>
    %dot_general3A_1879 = tpu.matmul %reshape3A_1872, %get3A_1877, %dot_general3A_1878 {dimension_numbers = #tpu.dot_dimension_numbers<[1], [0], [0], [1], [0, 0, 1, 1], [], []>, transpose_lhs_hint = false} : vector<6144x32xf32>, vector<32x32xf32>, vector<6144x32xf32> -> vector<6144x32xf32>
    %add3A_1880 = arith.addf %add3A_1869, %dot_general3A_1879 : vector<6144x32xf32>
    %slice3A_1881 = vector.extract_strided_slice %concatenate3A {offsets = [2, 1, 0, 0], sizes = [96, 1, 64, 32], strides = [1, 1, 1, 1]} : vector<100x2x64x32xf32> to vector<96x1x64x32xf32>
    %squeeze3A_1882 = vector.shape_cast %slice3A_1881 : vector<96x1x64x32xf32> to vector<96x64x32xf32>
    %reshape3A_1883 = vector.shape_cast %squeeze3A_1882 : vector<96x64x32xf32> to vector<6144x32xf32>
    %get3A_1884 = arith.constant 4 : index
    %get3A_1885 = arith.constant 0 : index
    %get3A_1886 = arith.constant 0 : index
    %get3A_1887 = vector.load %arg7[%get3A_1884, %get3A_1885, %get3A_1886] : memref<7x32x32xf32, #tpu.memory_space<vmem>>, vector<1x32x32xf32>
    %get3A_1888 = vector.shape_cast %get3A_1887 : vector<1x32x32xf32> to vector<32x32xf32>
    %dot_general3A_1889 = arith.constant dense<0.000000e+00> : vector<6144x32xf32>
    %dot_general3A_1890 = tpu.matmul %reshape3A_1883, %get3A_1888, %dot_general3A_1889 {dimension_numbers = #tpu.dot_dimension_numbers<[1], [0], [0], [1], [0, 0, 1, 1], [], []>, transpose_lhs_hint = false} : vector<6144x32xf32>, vector<32x32xf32>, vector<6144x32xf32> -> vector<6144x32xf32>
    %add3A_1891 = arith.addf %add3A_1880, %dot_general3A_1890 : vector<6144x32xf32>
    %slice3A_1892 = vector.extract_strided_slice %concatenate3A {offsets = [3, 0, 0, 0], sizes = [96, 1, 64, 32], strides = [1, 1, 1, 1]} : vector<100x2x64x32xf32> to vector<96x1x64x32xf32>
    %squeeze3A_1893 = vector.shape_cast %slice3A_1892 : vector<96x1x64x32xf32> to vector<96x64x32xf32>
    %reshape3A_1894 = vector.shape_cast %squeeze3A_1893 : vector<96x64x32xf32> to vector<6144x32xf32>
    %get3A_1895 = arith.constant 5 : index
    %get3A_1896 = arith.constant 0 : index
    %get3A_1897 = arith.constant 0 : index
    %get3A_1898 = vector.load %arg7[%get3A_1895, %get3A_1896, %get3A_1897] : memref<7x32x32xf32, #tpu.memory_space<vmem>>, vector<1x32x32xf32>
    %get3A_1899 = vector.shape_cast %get3A_1898 : vector<1x32x32xf32> to vector<32x32xf32>
    %dot_general3A_1900 = arith.constant dense<0.000000e+00> : vector<6144x32xf32>
    %dot_general3A_1901 = tpu.matmul %reshape3A_1894, %get3A_1899, %dot_general3A_1900 {dimension_numbers = #tpu.dot_dimension_numbers<[1], [0], [0], [1], [0, 0, 1, 1], [], []>, transpose_lhs_hint = false} : vector<6144x32xf32>, vector<32x32xf32>, vector<6144x32xf32> -> vector<6144x32xf32>
    %add3A_1902 = arith.addf %add3A_1891, %dot_general3A_1901 : vector<6144x32xf32>
    %slice3A_1903 = vector.extract_strided_slice %concatenate3A {offsets = [3, 1, 0, 0], sizes = [96, 1, 64, 32], strides = [1, 1, 1, 1]} : vector<100x2x64x32xf32> to vector<96x1x64x32xf32>
    %squeeze3A_1904 = vector.shape_cast %slice3A_1903 : vector<96x1x64x32xf32> to vector<96x64x32xf32>
    %reshape3A_1905 = vector.shape_cast %squeeze3A_1904 : vector<96x64x32xf32> to vector<6144x32xf32>
    %get3A_1906 = arith.constant 6 : index
    %get3A_1907 = arith.constant 0 : index
    %get3A_1908 = arith.constant 0 : index
    %get3A_1909 = vector.load %arg7[%get3A_1906, %get3A_1907, %get3A_1908] : memref<7x32x32xf32, #tpu.memory_space<vmem>>, vector<1x32x32xf32>
    %get3A_1910 = vector.shape_cast %get3A_1909 : vector<1x32x32xf32> to vector<32x32xf32>
    %dot_general3A_1911 = arith.constant dense<0.000000e+00> : vector<6144x32xf32>
    %dot_general3A_1912 = tpu.matmul %reshape3A_1905, %get3A_1910, %dot_general3A_1911 {dimension_numbers = #tpu.dot_dimension_numbers<[1], [0], [0], [1], [0, 0, 1, 1], [], []>, transpose_lhs_hint = false} : vector<6144x32xf32>, vector<32x32xf32>, vector<6144x32xf32> -> vector<6144x32xf32>
    %add3A_1913 = arith.addf %add3A_1902, %dot_general3A_1912 : vector<6144x32xf32>
    %reshape3A_1914 = vector.shape_cast %add3A_1913 : vector<6144x32xf32> to vector<96x64x32xf32>
    %get3A_1915 = arith.constant 0 : index
    %get3A_1916 = arith.constant 0 : index
    %get3A_1917 = vector.load %arg8[%get3A_1915, %get3A_1916] : memref<1x32xf32, #tpu.memory_space<vmem>>, vector<1x32xf32>
    %reshape3A_1918 = vector.shape_cast %get3A_1917 : vector<1x32xf32> to vector<1x1x32xf32>
    %add3A_1919 = vector.broadcast %reshape3A_1918 : vector<1x1x32xf32> to vector<96x64x32xf32>
    %add3A_1920 = arith.addf %reshape3A_1914, %add3A_1919 : vector<96x64x32xf32>
    %max3A_1921 = arith.constant 0.000000e+00 : f32
    %max3A_1922 = vector.broadcast %max3A_1921 : f32 to vector<96x64x32xf32>
    %max3A_1923 = arith.maximumf %add3A_1920, %max3A_1922 : vector<96x64x32xf32>
    %reshape3A_1924 = vector.shape_cast %max3A_1923 : vector<96x64x32xf32> to vector<48x2x64x32xf32>
    %broadcast_in_dim3A_1925 = arith.constant 0.000000e+00 : f32
    %broadcast_in_dim3A_1926 = vector.broadcast %broadcast_in_dim3A_1925 : f32 to vector<2x2x64x32xf32>
    %concatenate3A_1927 = tpu.concatenate %broadcast_in_dim3A_1926, %reshape3A_1924, %broadcast_in_dim3A_1926 in 0 : vector<2x2x64x32xf32>, vector<48x2x64x32xf32>, vector<2x2x64x32xf32> -> vector<52x2x64x32xf32>
    %slice3A_1928 = vector.extract_strided_slice %concatenate3A_1927 {offsets = [1, 0, 0, 0], sizes = [48, 1, 64, 32], strides = [1, 1, 1, 1]} : vector<52x2x64x32xf32> to vector<48x1x64x32xf32>
    %squeeze3A_1929 = vector.shape_cast %slice3A_1928 : vector<48x1x64x32xf32> to vector<48x64x32xf32>
    %reshape3A_1930 = vector.shape_cast %squeeze3A_1929 : vector<48x64x32xf32> to vector<3072x32xf32>
    %get3A_1931 = arith.constant 0 : index
    %get3A_1932 = arith.constant 0 : index
    %get3A_1933 = arith.constant 0 : index
    %get3A_1934 = vector.load %arg9[%get3A_1931, %get3A_1932, %get3A_1933] : memref<5x32x64xf32, #tpu.memory_space<vmem>>, vector<1x32x64xf32>
    %get3A_1935 = vector.shape_cast %get3A_1934 : vector<1x32x64xf32> to vector<32x64xf32>
    %dot_general3A_1936 = arith.constant dense<0.000000e+00> : vector<3072x64xf32>
    %dot_general3A_1937 = tpu.matmul %reshape3A_1930, %get3A_1935, %dot_general3A_1936 {dimension_numbers = #tpu.dot_dimension_numbers<[1], [0], [0], [1], [0, 0, 1, 1], [], []>, transpose_lhs_hint = false} : vector<3072x32xf32>, vector<32x64xf32>, vector<3072x64xf32> -> vector<3072x64xf32>
    %slice3A_1938 = vector.extract_strided_slice %concatenate3A_1927 {offsets = [1, 1, 0, 0], sizes = [48, 1, 64, 32], strides = [1, 1, 1, 1]} : vector<52x2x64x32xf32> to vector<48x1x64x32xf32>
    %squeeze3A_1939 = vector.shape_cast %slice3A_1938 : vector<48x1x64x32xf32> to vector<48x64x32xf32>
    %reshape3A_1940 = vector.shape_cast %squeeze3A_1939 : vector<48x64x32xf32> to vector<3072x32xf32>
    %get3A_1941 = arith.constant 1 : index
    %get3A_1942 = arith.constant 0 : index
    %get3A_1943 = arith.constant 0 : index
    %get3A_1944 = vector.load %arg9[%get3A_1941, %get3A_1942, %get3A_1943] : memref<5x32x64xf32, #tpu.memory_space<vmem>>, vector<1x32x64xf32>
    %get3A_1945 = vector.shape_cast %get3A_1944 : vector<1x32x64xf32> to vector<32x64xf32>
    %dot_general3A_1946 = arith.constant dense<0.000000e+00> : vector<3072x64xf32>
    %dot_general3A_1947 = tpu.matmul %reshape3A_1940, %get3A_1945, %dot_general3A_1946 {dimension_numbers = #tpu.dot_dimension_numbers<[1], [0], [0], [1], [0, 0, 1, 1], [], []>, transpose_lhs_hint = false} : vector<3072x32xf32>, vector<32x64xf32>, vector<3072x64xf32> -> vector<3072x64xf32>
    %add3A_1948 = arith.addf %dot_general3A_1937, %dot_general3A_1947 : vector<3072x64xf32>
    %slice3A_1949 = vector.extract_strided_slice %concatenate3A_1927 {offsets = [2, 0, 0, 0], sizes = [48, 1, 64, 32], strides = [1, 1, 1, 1]} : vector<52x2x64x32xf32> to vector<48x1x64x32xf32>
    %squeeze3A_1950 = vector.shape_cast %slice3A_1949 : vector<48x1x64x32xf32> to vector<48x64x32xf32>
    %reshape3A_1951 = vector.shape_cast %squeeze3A_1950 : vector<48x64x32xf32> to vector<3072x32xf32>
    %get3A_1952 = arith.constant 2 : index
    %get3A_1953 = arith.constant 0 : index
    %get3A_1954 = arith.constant 0 : index
    %get3A_1955 = vector.load %arg9[%get3A_1952, %get3A_1953, %get3A_1954] : memref<5x32x64xf32, #tpu.memory_space<vmem>>, vector<1x32x64xf32>
    %get3A_1956 = vector.shape_cast %get3A_1955 : vector<1x32x64xf32> to vector<32x64xf32>
    %dot_general3A_1957 = arith.constant dense<0.000000e+00> : vector<3072x64xf32>
    %dot_general3A_1958 = tpu.matmul %reshape3A_1951, %get3A_1956, %dot_general3A_1957 {dimension_numbers = #tpu.dot_dimension_numbers<[1], [0], [0], [1], [0, 0, 1, 1], [], []>, transpose_lhs_hint = false} : vector<3072x32xf32>, vector<32x64xf32>, vector<3072x64xf32> -> vector<3072x64xf32>
    %add3A_1959 = arith.addf %add3A_1948, %dot_general3A_1958 : vector<3072x64xf32>
    %slice3A_1960 = vector.extract_strided_slice %concatenate3A_1927 {offsets = [2, 1, 0, 0], sizes = [48, 1, 64, 32], strides = [1, 1, 1, 1]} : vector<52x2x64x32xf32> to vector<48x1x64x32xf32>
    %squeeze3A_1961 = vector.shape_cast %slice3A_1960 : vector<48x1x64x32xf32> to vector<48x64x32xf32>
    %reshape3A_1962 = vector.shape_cast %squeeze3A_1961 : vector<48x64x32xf32> to vector<3072x32xf32>
    %get3A_1963 = arith.constant 3 : index
    %get3A_1964 = arith.constant 0 : index
    %get3A_1965 = arith.constant 0 : index
    %get3A_1966 = vector.load %arg9[%get3A_1963, %get3A_1964, %get3A_1965] : memref<5x32x64xf32, #tpu.memory_space<vmem>>, vector<1x32x64xf32>
    %get3A_1967 = vector.shape_cast %get3A_1966 : vector<1x32x64xf32> to vector<32x64xf32>
    %dot_general3A_1968 = arith.constant dense<0.000000e+00> : vector<3072x64xf32>
    %dot_general3A_1969 = tpu.matmul %reshape3A_1962, %get3A_1967, %dot_general3A_1968 {dimension_numbers = #tpu.dot_dimension_numbers<[1], [0], [0], [1], [0, 0, 1, 1], [], []>, transpose_lhs_hint = false} : vector<3072x32xf32>, vector<32x64xf32>, vector<3072x64xf32> -> vector<3072x64xf32>
    %add3A_1970 = arith.addf %add3A_1959, %dot_general3A_1969 : vector<3072x64xf32>
    %slice3A_1971 = vector.extract_strided_slice %concatenate3A_1927 {offsets = [3, 0, 0, 0], sizes = [48, 1, 64, 32], strides = [1, 1, 1, 1]} : vector<52x2x64x32xf32> to vector<48x1x64x32xf32>
    %squeeze3A_1972 = vector.shape_cast %slice3A_1971 : vector<48x1x64x32xf32> to vector<48x64x32xf32>
    %reshape3A_1973 = vector.shape_cast %squeeze3A_1972 : vector<48x64x32xf32> to vector<3072x32xf32>
    %get3A_1974 = arith.constant 4 : index
    %get3A_1975 = arith.constant 0 : index
    %get3A_1976 = arith.constant 0 : index
    %get3A_1977 = vector.load %arg9[%get3A_1974, %get3A_1975, %get3A_1976] : memref<5x32x64xf32, #tpu.memory_space<vmem>>, vector<1x32x64xf32>
    %get3A_1978 = vector.shape_cast %get3A_1977 : vector<1x32x64xf32> to vector<32x64xf32>
    %dot_general3A_1979 = arith.constant dense<0.000000e+00> : vector<3072x64xf32>
    %dot_general3A_1980 = tpu.matmul %reshape3A_1973, %get3A_1978, %dot_general3A_1979 {dimension_numbers = #tpu.dot_dimension_numbers<[1], [0], [0], [1], [0, 0, 1, 1], [], []>, transpose_lhs_hint = false} : vector<3072x32xf32>, vector<32x64xf32>, vector<3072x64xf32> -> vector<3072x64xf32>
    %add3A_1981 = arith.addf %add3A_1970, %dot_general3A_1980 : vector<3072x64xf32>
    %reshape3A_1982 = vector.shape_cast %add3A_1981 : vector<3072x64xf32> to vector<48x64x64xf32>
    %get3A_1983 = arith.constant 0 : index
    %get3A_1984 = arith.constant 0 : index
    %get3A_1985 = vector.load %arg10[%get3A_1983, %get3A_1984] : memref<1x64xf32, #tpu.memory_space<vmem>>, vector<1x64xf32>
    %reshape3A_1986 = vector.shape_cast %get3A_1985 : vector<1x64xf32> to vector<1x1x64xf32>
    %add3A_1987 = vector.broadcast %reshape3A_1986 : vector<1x1x64xf32> to vector<48x64x64xf32>
    %add3A_1988 = arith.addf %reshape3A_1982, %add3A_1987 : vector<48x64x64xf32>
    %max3A_1989 = arith.constant 0.000000e+00 : f32
    %max3A_1990 = vector.broadcast %max3A_1989 : f32 to vector<48x64x64xf32>
    %max3A_1991 = arith.maximumf %add3A_1988, %max3A_1990 : vector<48x64x64xf32>
    %reshape3A_1992 = vector.shape_cast %max3A_1991 : vector<48x64x64xf32> to vector<24x2x64x64xf32>
    %broadcast_in_dim3A_1993 = arith.constant 0.000000e+00 : f32
    %broadcast_in_dim3A_1994 = vector.broadcast %broadcast_in_dim3A_1993 : f32 to vector<2x2x64x64xf32>
    %concatenate3A_1995 = tpu.concatenate %broadcast_in_dim3A_1994, %reshape3A_1992, %broadcast_in_dim3A_1994 in 0 : vector<2x2x64x64xf32>, vector<24x2x64x64xf32>, vector<2x2x64x64xf32> -> vector<28x2x64x64xf32>
    %slice3A_1996 = vector.extract_strided_slice %concatenate3A_1995 {offsets = [1, 1, 0, 0], sizes = [24, 1, 64, 64], strides = [1, 1, 1, 1]} : vector<28x2x64x64xf32> to vector<24x1x64x64xf32>
    %squeeze3A_1997 = vector.shape_cast %slice3A_1996 : vector<24x1x64x64xf32> to vector<24x64x64xf32>
    %reshape3A_1998 = vector.shape_cast %squeeze3A_1997 : vector<24x64x64xf32> to vector<1536x64xf32>
    %get3A_1999 = arith.constant 0 : index
    %get3A_2000 = arith.constant 0 : index
    %get3A_2001 = arith.constant 0 : index
    %get3A_2002 = vector.load %arg11[%get3A_1999, %get3A_2000, %get3A_2001] : memref<3x64x128xf32, #tpu.memory_space<vmem>>, vector<1x64x128xf32>
    %get3A_2003 = vector.shape_cast %get3A_2002 : vector<1x64x128xf32> to vector<64x128xf32>
    %dot_general3A_2004 = arith.constant dense<0.000000e+00> : vector<1536x128xf32>
    %dot_general3A_2005 = tpu.matmul %reshape3A_1998, %get3A_2003, %dot_general3A_2004 {dimension_numbers = #tpu.dot_dimension_numbers<[1], [0], [0], [1], [0, 0, 1, 1], [], []>, transpose_lhs_hint = false} : vector<1536x64xf32>, vector<64x128xf32>, vector<1536x128xf32> -> vector<1536x128xf32>
    %slice3A_2006 = vector.extract_strided_slice %concatenate3A_1995 {offsets = [2, 0, 0, 0], sizes = [24, 1, 64, 64], strides = [1, 1, 1, 1]} : vector<28x2x64x64xf32> to vector<24x1x64x64xf32>
    %squeeze3A_2007 = vector.shape_cast %slice3A_2006 : vector<24x1x64x64xf32> to vector<24x64x64xf32>
    %reshape3A_2008 = vector.shape_cast %squeeze3A_2007 : vector<24x64x64xf32> to vector<1536x64xf32>
    %get3A_2009 = arith.constant 1 : index
    %get3A_2010 = arith.constant 0 : index
    %get3A_2011 = arith.constant 0 : index
    %get3A_2012 = vector.load %arg11[%get3A_2009, %get3A_2010, %get3A_2011] : memref<3x64x128xf32, #tpu.memory_space<vmem>>, vector<1x64x128xf32>
    %get3A_2013 = vector.shape_cast %get3A_2012 : vector<1x64x128xf32> to vector<64x128xf32>
    %dot_general3A_2014 = arith.constant dense<0.000000e+00> : vector<1536x128xf32>
    %dot_general3A_2015 = tpu.matmul %reshape3A_2008, %get3A_2013, %dot_general3A_2014 {dimension_numbers = #tpu.dot_dimension_numbers<[1], [0], [0], [1], [0, 0, 1, 1], [], []>, transpose_lhs_hint = false} : vector<1536x64xf32>, vector<64x128xf32>, vector<1536x128xf32> -> vector<1536x128xf32>
    %add3A_2016 = arith.addf %dot_general3A_2005, %dot_general3A_2015 : vector<1536x128xf32>
    %slice3A_2017 = vector.extract_strided_slice %concatenate3A_1995 {offsets = [2, 1, 0, 0], sizes = [24, 1, 64, 64], strides = [1, 1, 1, 1]} : vector<28x2x64x64xf32> to vector<24x1x64x64xf32>
    %squeeze3A_2018 = vector.shape_cast %slice3A_2017 : vector<24x1x64x64xf32> to vector<24x64x64xf32>
    %reshape3A_2019 = vector.shape_cast %squeeze3A_2018 : vector<24x64x64xf32> to vector<1536x64xf32>
    %get3A_2020 = arith.constant 2 : index
    %get3A_2021 = arith.constant 0 : index
    %get3A_2022 = arith.constant 0 : index
    %get3A_2023 = vector.load %arg11[%get3A_2020, %get3A_2021, %get3A_2022] : memref<3x64x128xf32, #tpu.memory_space<vmem>>, vector<1x64x128xf32>
    %get3A_2024 = vector.shape_cast %get3A_2023 : vector<1x64x128xf32> to vector<64x128xf32>
    %dot_general3A_2025 = arith.constant dense<0.000000e+00> : vector<1536x128xf32>
    %dot_general3A_2026 = tpu.matmul %reshape3A_2019, %get3A_2024, %dot_general3A_2025 {dimension_numbers = #tpu.dot_dimension_numbers<[1], [0], [0], [1], [0, 0, 1, 1], [], []>, transpose_lhs_hint = false} : vector<1536x64xf32>, vector<64x128xf32>, vector<1536x128xf32> -> vector<1536x128xf32>
    %add3A_2027 = arith.addf %add3A_2016, %dot_general3A_2026 : vector<1536x128xf32>
    %reshape3A_2028 = vector.shape_cast %add3A_2027 : vector<1536x128xf32> to vector<24x64x128xf32>
    %get3A_2029 = arith.constant 0 : index
    %get3A_2030 = arith.constant 0 : index
    %get3A_2031 = vector.load %arg12[%get3A_2029, %get3A_2030] : memref<1x128xf32, #tpu.memory_space<vmem>>, vector<1x128xf32>
    %reshape3A_2032 = vector.shape_cast %get3A_2031 : vector<1x128xf32> to vector<1x1x128xf32>
    %add3A_2033 = vector.broadcast %reshape3A_2032 : vector<1x1x128xf32> to vector<24x64x128xf32>
    %add3A_2034 = arith.addf %reshape3A_2028, %add3A_2033 : vector<24x64x128xf32>
    %max3A_2035 = arith.constant 0.000000e+00 : f32
    %max3A_2036 = vector.broadcast %max3A_2035 : f32 to vector<24x64x128xf32>
    %max3A_2037 = arith.maximumf %add3A_2034, %max3A_2036 : vector<24x64x128xf32>
    %swap3A_2038 = arith.constant 0 : index
    %swap3A_2039 = arith.constant 0 : index
    %swap3A_2040 = arith.constant 0 : index
    %swap3A_2041 = vector.load %arg13[%swap3A_2038, %swap3A_2039, %swap3A_2040] : memref<24x64x128xf32, #tpu.memory_space<vmem>>, vector<24x64x128xf32>
    tpu.vector_store %arg13[%swap3A_2038, %swap3A_2039, %swap3A_2040], %max3A_2037 {strides = array<i32>} : memref<24x64x128xf32, #tpu.memory_space<vmem>>, vector<24x64x128xf32>,
    return
  }
  func.func @transform_0(%arg0: i32) -> (i32, i32, i32) {
    %c0_i32 = arith.constant 0 : i32
    %c0_i32_0 = arith.constant 0 : i32
    %c0_i32_1 = arith.constant 0 : i32
    return %arg0, %c0_i32, %c0_i32_0 : i32, i32, i32
  }
  func.func @transform_1(%arg0: i32) -> (i32, i32, i32) {
    %c0_i32 = arith.constant 0 : i32
    %c0_i32_0 = arith.constant 0 : i32
    %c0_i32_1 = arith.constant 0 : i32
    %c0_i32_2 = arith.constant 0 : i32
    return %c0_i32, %c0_i32_0, %c0_i32_1 : i32, i32, i32
  }
  func.func @transform_2(%arg0: i32) -> (i32, i32) {
    %c0_i32 = arith.constant 0 : i32
    %c0_i32_0 = arith.constant 0 : i32
    %c0_i32_1 = arith.constant 0 : i32
    return %c0_i32, %c0_i32_0 : i32, i32
  }
  func.func @transform_3(%arg0: i32) -> (i32, i32) {
    %c0_i32 = arith.constant 0 : i32
    %c0_i32_0 = arith.constant 0 : i32
    %c0_i32_1 = arith.constant 0 : i32
    return %c0_i32, %c0_i32_0 : i32, i32
  }
  func.func @transform_4(%arg0: i32) -> (i32, i32) {
    %c0_i32 = arith.constant 0 : i32
    %c0_i32_0 = arith.constant 0 : i32
    %c0_i32_1 = arith.constant 0 : i32
    return %c0_i32, %c0_i32_0 : i32, i32
  }
  func.func @transform_5(%arg0: i32) -> (i32, i32) {
    %c0_i32 = arith.constant 0 : i32
    %c0_i32_0 = arith.constant 0 : i32
    %c0_i32_1 = arith.constant 0 : i32
    return %c0_i32, %c0_i32_0 : i32, i32
  }
  func.func @transform_6(%arg0: i32) -> (i32, i32, i32) {
    %c0_i32 = arith.constant 0 : i32
    %c0_i32_0 = arith.constant 0 : i32
    %c0_i32_1 = arith.constant 0 : i32
    %c0_i32_2 = arith.constant 0 : i32
    return %c0_i32, %c0_i32_0, %c0_i32_1 : i32, i32, i32
  }
  func.func @transform_7(%arg0: i32) -> (i32, i32) {
    %c0_i32 = arith.constant 0 : i32
    %c0_i32_0 = arith.constant 0 : i32
    %c0_i32_1 = arith.constant 0 : i32
    return %c0_i32, %c0_i32_0 : i32, i32
  }
  func.func @transform_8(%arg0: i32) -> (i32, i32, i32) {
    %c0_i32 = arith.constant 0 : i32
    %c0_i32_0 = arith.constant 0 : i32
    %c0_i32_1 = arith.constant 0 : i32
    %c0_i32_2 = arith.constant 0 : i32
    return %c0_i32, %c0_i32_0, %c0_i32_1 : i32, i32, i32
  }
  func.func @transform_9(%arg0: i32) -> (i32, i32) {
    %c0_i32 = arith.constant 0 : i32
    %c0_i32_0 = arith.constant 0 : i32
    %c0_i32_1 = arith.constant 0 : i32
    return %c0_i32, %c0_i32_0 : i32, i32
  }
  func.func @transform_10(%arg0: i32) -> (i32, i32, i32) {
    %c0_i32 = arith.constant 0 : i32
    %c0_i32_0 = arith.constant 0 : i32
    %c0_i32_1 = arith.constant 0 : i32
    %c0_i32_2 = arith.constant 0 : i32
    return %c0_i32, %c0_i32_0, %c0_i32_1 : i32, i32, i32
  }
  func.func @transform_11(%arg0: i32) -> (i32, i32) {
    %c0_i32 = arith.constant 0 : i32
    %c0_i32_0 = arith.constant 0 : i32
    %c0_i32_1 = arith.constant 0 : i32
    return %c0_i32, %c0_i32_0 : i32, i32
  }
  func.func @transform_12(%arg0: i32) -> (i32, i32, i32) {
    %c0_i32 = arith.constant 0 : i32
    %c0_i32_0 = arith.constant 0 : i32
    %c0_i32_1 = arith.constant 0 : i32
    return %c0_i32, %arg0, %c0_i32_0 : i32, i32, i32
  }
}

</mosaic_0001>

<sc_bundles>
// kernel: kernel.5.cloned.1.call-start
scs
__scs_entry_jumppad:
0x0: {  	(pc) =	sbr.rel $0x88, $3  }
0x1: {  	(tag) =	ssettag $0x0;
	lr =	simm.s32 $0x1  }
0x2: {  	[smem:$0x3F8F] =	sst lr;
	_ =	strace $0xD0000000  }
0x3: {  	_ = 	snop  }
0x4: {  	_ = 	snop  }
0x5: {  	_ = 	snop  }
0x6: {  	_ = 	snop  }
0x7: {  	_ = 	snop  }
__scs_overlays_trampoline_lowered:
0x8: {  	[smem:$0x3F9E] =	sst s0  }
0x9: {  	[smem:$0x3F9F] =	sst s1  }
0xa: {  	[smem:$0x3FA0] =	sst s2  }
0xb: {  	[smem:$0x3FA1] =	sst s3  }
0xc: {  	[smem:$0x3FA2] =	sst s4  }
0xd: {  	[smem:$0x3FA3] =	sst s5  }
0xe: {  	[smem:$0x3FA4] =	sst s6  }
0xf: {  	[smem:$0x3FA5] =	sst s7  }
0x10: {  	[smem:$0x3FA6] =	sst s8  }
0x11: {  	[smem:$0x3FA7] =	sst s9;
	s0 =	simm.s32 @!p0 $0x0  }
0x12: {  	s1 =	sld [smem:$0x3F8D];
	s0 =	simm.s32 @p0 $0x1  }
0x13: {  	[smem:$0x3FA8] =	sst s0;
	s0 =	simm.s32 @!p1 $0x0  }
0x14: {  	s2 =	sld [smem:$0x3F8C];
	s0 =	simm.s32 @p1 $0x1  }
0x15: {  	[smem:$0x3FA9] =	sst s0;
	s0 =	simm.s32 @!p2 $0x0  }
0x16: {  	s3 =	sld [smem:$0x3FDB];
	s0 =	simm.s32 @p2 $0x1  }
0x17: {  	s4 =	simm.s32 $0x1BF5;
	[smem:$0x3FAB] =	sst s0  }
0x18: {  	s0 =	sld [smem:$0x3F8E];
	_ =	swait.ge [sflag:s4], $0x0  }
0x19: {  	s7 =	sld [smem:$0x3F8F]  }
0x1a: {  	s8 =	sadd.s32 $0xFFFFE003, lr  }
0x1b: {  	s9 =	sadd.s32 $0xFFFFFEF7, lr;
	s5 =	simm.s32 $0xFFFFFFFF;
	p2 =	slt.u32 s8, $0xFFFFF086  }
0x1c: {  	p1 =	slt.u32 s9, $0xF7A;
	s5 =	simm.s32 @!p2 $0x0  }
0x1d: {  	s5 =	simm.s32 @p1 $0x1;
	p0 =	seq.s32 s7, s2  }
0x1e: {  	s7 =	smul.u32 @!p0 $0xF7A, s2;
	p2 =	seq.s32 @!p0 s5, $0x0  }
0x1f: {  	s9 =	smul.u32 $0xF7A, s1;
	s8 =	simm.s32 @!p0 $0x1BF5;
	p2 =	por !p2, p0  }
0x20: {  	[sflag:s8] =	ssyncset.s32 @!p0 $0xFFFFF086;
	s6 =	sadd.s32 @!p0 s3, s7;
	s7 =	simm.s32 @!p0 $0x108  }
0x21: {  	s3 =	sadd.s32 s3, s9;
	s6 =	sadd.s32 @!p0 $0x88, s6;
	s7 =	simm.s32 @p2 $0x1082  }
0x22: {  	[simem:s7], [sflag:s8] =	dma.local @!p0 [hbm:s6], $0xF7A  }
0x23: {  	s9 =	sor.u32 $0xD0000000, s2;
	s6 =	simm.s32 $0x108;
	_ =	swait.ge @!p0 [sflag:s8], $0x0  }
0x24: {  	s3 =	sadd.s32 $0x88, s3;
	s6 =	simm.s32 @!p1 $0x1082;
	[sflag:s4] =	ssyncset.s32 $0xFFFFF086  }
0x25: {  	[simem:s6], [sflag:s4] =	dma.local [hbm:s3], $0xF7A  }
0x26: {  	[smem:$0x3F8F] =	sst s1;
	(tag) =	ssettag s2;
	_ =	strace s9  }
0x27: {  	s1 =	sld [smem:$0x3F9F]  }
0x28: {  	s2 =	sld [smem:$0x3FA0]  }
0x29: {  	s4 =	sld [smem:$0x3FA2]  }
0x2a: {  	p0 =	seq.s32 s5, $0x0;
	s5 =	sld [smem:$0x3FA3]  }
0x2b: {  	s6 =	sld [smem:$0x3FA4]  }
0x2c: {  	s7 =	sld [smem:$0x3FA5]  }
0x2d: {  	s3 =	simm.s32 $0x108;
	s8 =	sld [smem:$0x3FA6]  }
0x2e: {  	s3 =	simm.s32 @!p0 $0x1082;
	s9 =	sld [smem:$0x3FA7]  }
0x2f: {  	lr =	sadd.s32 s0, s3;
	s0 =	sld [smem:$0x3F9E]  }
0x30: {  	s3 =	sld [smem:$0x3FA1]  }
0x31: {  	[smem:$0x3FAA] =	sst s10  }
0x32: {  	s10 =	sld [smem:$0x3FA8];
	_ =	sdelay $0x3  }
0x33: {  	p0 =	seq.s32 s10, $0x1;
	s10 =	sld [smem:$0x3FAA];
	_ =	sdelay $0x3  }
0x34: {  	[smem:$0x3FAA] =	sst s10  }
0x35: {  	s10 =	sld [smem:$0x3FA9];
	_ =	sdelay $0x3  }
0x36: {  	p1 =	seq.s32 s10, $0x1;
	s10 =	sld [smem:$0x3FAA];
	_ =	sdelay $0x3  }
0x37: {  	[smem:$0x3FAA] =	sst s10  }
0x38: {  	s10 =	sld [smem:$0x3FAB]  }
0x39: {  	_ = 	snop;
	(pc) =	sbr.ind lr, $3  }
0x3a: {  	_ = 	snop  }
0x3b: {  	_ = 	snop  }
0x3c: {  	p2 =	seq.s32 s10, $0x1;
	s10 =	sld [smem:$0x3FAA]  }
0x3d: {  	_ =	shalt  }
0x3e: {  	_ =	shalt  }
0x3f: {  	_ =	shalt  }
0x40: {  	_ =	shalt  }
0x41: {  	_ =	shalt  }
0x42: {  	_ =	shalt  }
0x43: {  	_ =	shalt  }
0x44: {  	_ =	shalt  }
0x45: {  	_ =	shalt  }
0x46: {  	_ =	shalt  }
0x47: {  	_ =	shalt  }
0x48: {  	_ =	shalt  }
0x49: {  	_ =	shalt  }
0x4a: {  	_ =	shalt  }
0x4b: {  	_ =	shalt  }
0x4c: {  	_ =	shalt  }
0x4d: {  	_ =	shalt  }
0x4e: {  	_ =	shalt  }
0x4f: {  	_ =	shalt  }
0x50: {  	_ =	shalt  }
0x51: {  	_ =	shalt  }
0x52: {  	_ =	shalt  }
0x53: {  	_ =	shalt  }
0x54: {  	_ =	shalt  }
0x55: {  	_ =	shalt  }
0x56: {  	_ =	shalt  }
0x57: {  	_ =	shalt  }
0x58: {  	_ =	shalt  }
0x59: {  	_ =	shalt  }
0x5a: {  	_ =	shalt  }
0x5b: {  	_ =	shalt  }
0x5c: {  	_ =	shalt  }
0x5d: {  	_ =	shalt  }
0x5e: {  	_ =	shalt  }
0x5f: {  	_ =	shalt  }
0x60: {  	_ =	shalt  }
0x61: {  	_ =	shalt  }
0x62: {  	_ =	shalt  }
0x63: {  	_ =	shalt  }
0x64: {  	_ =	shalt  }
0x65: {  	_ =	shalt  }
0x66: {  	_ =	shalt  }
0x67: {  	_ =	shalt  }
0x68: {  	_ =	shalt  }
0x69: {  	_ =	shalt  }
0x6a: {  	_ =	shalt  }
0x6b: {  	_ =	shalt  }
0x6c: {  	_ =	shalt  }
0x6d: {  	_ =	shalt  }
0x6e: {  	_ =	shalt  }
0x6f: {  	_ =	shalt  }
0x70: {  	_ =	shalt  }
0x71: {  	_ =	shalt  }
0x72: {  	_ =	shalt  }
0x73: {  	_ =	shalt  }
0x74: {  	_ =	shalt  }
0x75: {  	_ =	shalt  }
0x76: {  	_ =	shalt  }
0x77: {  	_ =	shalt  }
0x78: {  	_ =	shalt  }
0x79: {  	_ =	shalt  }
0x7a: {  	_ =	shalt  }
0x7b: {  	_ =	shalt  }
0x7c: {  	_ =	shalt  }
0x7d: {  	_ =	shalt  }
0x7e: {  	_ =	shalt  }
0x7f: {  	_ =	shalt  }
0x80: {  	_ =	shalt  }
0x81: {  	_ =	shalt  }
0x82: {  	_ =	shalt  }
0x83: {  	_ =	shalt  }
0x84: {  	_ =	shalt  }
0x85: {  	_ =	shalt  }
0x86: {  	_ =	shalt  }
0x87: {  	_ =	shalt  }
.Lfunc_end0:
.L_simem_size_0:
called_computation_lowered:
.L_overlay_start_0:
0x88: {  	s2 =	sld [smem:$0x3FD9]  }
0x89: {  	s3 =	sld [smem:$0x3FFE];
	_ =	sdelay $0x1  }
0x8a: {  	s1 =	srdreg.scid  }
0x8b: {  	s0 =	sand.u32 $0x1, s1  }
0x8c: {  	s14 =	sshll.u32 s0, $0xA;
	s2 =	sadd.s32 s3, s2  }
0x8d: {  	s2 =	sadd.s32 s2, s14  }
0x8e: {  	[smem:$0x3FB6] =	sst s2  }
0x8f: {  	_ = 	snop  }
0x90: {  	s2 =	sld [smem:$0x3FD0];
	_ =	sdelay $0x2  }
0x91: {  	s15 =	simm.s32 $0xA;
	s4 =	simm.s32 $0x10  }
0x92: {  	[smem:s4], [sflag:s15] =	dma.local [hbm:s2], $0x1  }
0x93: {  	_ =	swait.eq [sflag:s15], $0x1  }
0x94: {  	[sflag:s15] =	ssyncset.done $0x0  }
0x95: {  	[sflag:s15] =	ssyncadd.s32 $0xFFFFFFFF  }
0x96: {  	s16 =	sld [smem:$0x10];
	(tm) =	ssettm $0x1  }
0x97: {  	s17 =	sld [smem:$0x3FFB];
	_ =	sdelay $0x3  }
0x98: {  	_ =	strace s17  }
0x99: {  	s3 =	sld [smem:$0x3FFC];
	_ =	sdelay $0x3  }
0x9a: {  	_ =	strace s3  }
0x9b: {  	s3 =	sld [smem:$0x3FFD];
	_ =	sdelay $0x3  }
0x9c: {  	_ =	strace s3  }
0x9d: {  	_ =	strace $0x8FFFFFFF  }
0x9e: {  	s18 =	sld [smem:$0x3FDB];
	_ =	sdelay $0x1  }
0x9f: {  	s19 =	simm.s32 $_scs_section_size  }
0xa0: {  	s5 =	simm.s32 $_size__tile_overlayer_lowered;
	s6 =	simm.s32 $_tile_overlayer_lowered  }
0xa1: {  	s22 =	simm.s32 $0x1BFF;
	s21 =	sshll.u32 s6, $0x1;
	s3 =	sadd.s32 s19, s18  }
0xa2: {  	s7 =	simm.s32 $0x0;
	s20 =	sshll.u32 s5, $0x1;
	s5 =	sadd.s32 s21, s3  }
0xa3: {  	[timem:s7], [sflag:s22] =	dma.local [hbm:s5], s20  }
0xa4: {  	_ =	swait.ge [sflag:s22], s20  }
0xa5: {  	s4 =	ssub.s32 $0x0, s20;
	[sflag:s22] =	ssyncset.done $0x0  }
0xa6: {  	[sflag:s22] =	ssyncadd.s32 s4;
	_ =	sdelay $0x1  }
0xa7: {  	s23 =	simm.s32 $0x1B8B  }
0xa8: {  	_ =	swait.ge [sflag:s23], $0x1  }
0xa9: {  	[sflag:s23] =	ssyncset.done $0x0  }
0xaa: {  	s25 =	simm.s32 $0x1B8E;
	s24 =	sld [smem:$0x3FFE];
	[sflag:s23] =	ssyncadd.s32 $0xFFFFFFFF  }
0xab: {  	s26 =	simm.s32 $execute0_lowered;
	[smem:$0x3FD2] =	sst s25  }
0xac: {  	s5 =	sshll.u32 s26, $0x1;
	_ =	strace $0x80000046;
	[dreg:$0x1] =	wrdreg $0xFFFFFFFF  }
0xad: {  	s28 =	simm.s32 $_size_execute0_lowered;
	s3 =	sadd.s32 s3, s5;
	[dreg:$0x0] =	wrdreg $0x0  }
0xae: {  	s5 =	sshll.u32 s28, $0x1;
	[dreg:$0x2] =	wrdreg s3  }
0xaf: {  	[dreg:$0x3] =	wrdreg s5  }
0xb0: {  	[dreg:$0x4] =	wrdreg $0xC0  }
0xb1: {  	_ =	task [dreg:s7], $0x5FFFF  }
0xb2: {  	[dreg:$0x1] =	wrdreg $0xFFFFFFFF  }
0xb3: {  	[dreg:$0x0] =	wrdreg $0x60  }
0xb4: {  	[dreg:$0x2] =	wrdreg s16  }
0xb5: {  	[dreg:$0x3] =	wrdreg s24  }
0xb6: {  	[dreg:$0x4] =	wrdreg $0xB000  }
0xb7: {  	[dreg:$0x5] =	wrdreg $0x9  }
0xb8: {  	_ =	task.clear_ibuf [dreg:s7], $0x6FFFF;
	_ =	strace $0x90000046  }
0xb9: {  	s29 =	simm.s32 $0x9;
	_ =	strace $0x80000048  }
0xba: {  	_ =	swait.ge [sflag:s29], $0x1  }
0xbb: {  	[sflag:s29] =	ssyncadd.s32 $0xFFFFFFFF  }
0xbc: {  	_ =	strace $0x90000048  }
0xbd: {  	_ =	sfence  }
0xbe: {  	s30 =	sld [smem:$0x0];
	_ =	sdelay $0x2  }
0xbf: {  	s31 =	sshll.u32 s1, $0xD;
	s1 =	sshrl.u32 s1, $0x2  }
0xc0: {  	s3 =	sand.u32 $0x4000, s31;
	s1 =	sadd.s32 s1, s30  }
0xc1: {  	s0 =	sor.u32 s3, s0;
	s1 =	sshll.u32 s1, $0x11  }
0xc2: {  	s0 =	sor.u32 s1, s0  }
0xc3: {  	s0 =	sadd.s32 $0x8F2B, s0  }
0xc4: {  	[sflag:s0] =	ssyncadd.remote.s32 $0x1  }
0xc5: {  	_ =	sfence.sel $0xFFFF  }
0xc6: {  	[dreg:$0x0] =	wrdreg $0xFFFFFFFF;
	(pc) =	sbr.abs _section_cstart, $3  }
0xc7: {  	[dreg:$0x1] =	wrdreg $0xFFFFFFFF  }
0xc8: {  	_ =	task.clear_ibuf [dreg:s7], $0x2FFFF;
	_ =	strace $0x9FFFFFFF  }
0xc9: {  	(tm) =	ssettm $0x7FFFFFFF  }
tec
execute0_lowered:
.L_overlay_start_1:
0x0: {  	(tag) =	ssettag $0x1  }
0x1: {  	s4 =	rddreg [dreg:$0x0]  }
0x2: {  	s5 =	rddreg [dreg:$0x1]  }
0x3: {  	s0 =	srdreg.scid;
	s2 =	rddreg [dreg:$0x2]  }
0x4: {  	s1 =	stileid.u32;
	s3 =	simm.s32 $0x0;
	s10 =	simm.s32 $0x80  }
0x5: {  	s11 =	simm.s32 $0x200;
	s12 =	simm.s32 $0x60;
	s13 =	simm.s32 $0x100  }
0x6: {  	s14 =	simm.s32 $0x180;
	s6 =	sand.u32 $0x1, s0;
	s0 =	rddreg [dreg:$0x3]  }
0x7: {  	s17 =	simm.s32 $0x0;
	s7 =	smul.u32 $0x900, s1;
	[smem:$0x7FF] =	sst s3  }
0x8: {  	s15 =	sshll.u32 s1, $0x6;
	s8 =	sshll.u32 s6, $0x4;
	s9 =	smul.u32 $0x9000, s6  }
0x9: {  	_ =	strace $0x80000047;
	s6 =	ssub.s32 $0x2, s6;
	s8 =	sor.u32 s1, s8  }
0xa: {  	s30 =	sshrl.u32 s6, $0x1;
	s8 =	smul.u32 $0x60, s8;
	s9 =	sadd.s32 s7, s9  }
0xb: {  	s15 =	sor.u32 $0x1C01, s15;
	s31 =	ssub.s32 s6, s30;
	s9 =	sshrl.u32 s9, $0x3  }
0xc: {  	s6 =	sadd.s32 s7, s2;
	s8 =	sshrl.u32 s8, $0x3;
	s9 =	sadd.s32 s9, s5  }
0xd: {  	s16 =	sshrl.u32 s6, $0x3;
	s4 =	sadd.s32 s4, s8;
	s7 =	sadd.s32 $0x1800, s9  }
0xe: {  	v0 =	vimm.f32 $1.000000000e+00;
	v1 =	vimm.f32 $0.0e+00;
	s8 =	smax.u32 s31, $0x1;
	s9 =	simm.s32 $0x1;
	s5 =	sadd.s32 $0x180, s4  }
.LBB2_1:
0xf: {  	[tilespmem:s3], [sflag:$0x1] =	stream.linear.gather [hbm4b:s4+s3], $0x60, $0x38;
	[tilespmem:$0x1400] =	vst v63  }
0x10: {  	_ =	swait.ge [sflag:s9], $0x60  }
0x11: {  	[sflag:s9] =	ssyncset.done $0x0  }
0x12: {  	[sflag:s9] =	ssyncadd.s32 $0xFFFFFFA0  }
0x13: {  	[tilespmem:s10], [sflag:$0x1] =	stream.linear.gather [hbm4b:s5+s3], $0x60, $0x38;
	[tilespmem:$0x1400] =	vst v63  }
0x14: {  	_ =	swait.ge [sflag:s9], $0x60  }
0x15: {  	[sflag:s9] =	ssyncset.done $0x0  }
0x16: {  	[sflag:s9] =	ssyncadd.s32 $0xFFFFFFA0  }
0x17: {  	v2 =	vld [tilespmem:$0x80]  }
0x18: {  	v3 =	vld [tilespmem:$0x0]  }
0x19: {  	v4 =	vld [tilespmem:$0x90]  }
0x1a: {  	v5 =	vld [tilespmem:$0x10]  }
0x1b: {  	v6 =	vld [tilespmem:$0xA0]  }
0x1c: {  	v7 =	vld [tilespmem:$0x20]  }
0x1d: {  	v8 =	vld [tilespmem:$0xB0]  }
0x1e: {  	v9 =	vld [tilespmem:$0xC0]  }
0x1f: {  	v10 =	vld [tilespmem:$0x30];
	v2 =	vmul.u32 $0xC0, v2  }
0x20: {  	v11 =	vld [tilespmem:$0x40];
	v4 =	vmul.u32 $0xC0, v4  }
0x21: {  	[tilespmem:$0x180] =	vst v0;
	v2 =	vadd.s32 v3, v2;
	v3 =	vmul.u32 $0xC0, v6  }
0x22: {  	v62 =	vmul.u32 $0xC0, v8;
	[tilespmem:$0x100] =	vst v2;
	v2 =	vadd.s32 v5, v4  }
0x23: {  	[tilespmem:$0x110] =	vst v2;
	v2 =	vadd.s32 v7, v3;
	v3 =	vmul.u32 $0xC0, v9  }
0x24: {  	v63 =	vld [tilespmem:$0xD0];
	[tilespmem:$0x120] =	vst v2;
	v2 =	vadd.s32 v10, v62  }
0x25: {  	[tilespmem:$0x130] =	vst v2;
	v2 =	vadd.s32 v11, v3  }
0x26: {  	[tilespmem:$0x140] =	vst v2;
	v2 =	vld [tilespmem:$0x50]  }
0x27: {  	[tilespmem:$0x190] =	vst v0  }
0x28: {  	[tilespmem:$0x1A0] =	vst v0  }
0x29: {  	[tilespmem:$0x1B0] =	vst v0;
	v3 =	vmul.u32 $0xC0, v63  }
0x2a: {  	[tilespmem:$0x1C0] =	vst v0  }
0x2b: {  	[tilespmem:$0x1D0] =	vst v0;
	v2 =	vadd.s32 v2, v3  }
0x2c: {  	s18 =	simm.s32 $0x40;
	s19 =	simm.s32 $0x0;
	[tilespmem:$0x150] =	vst v2  }
.LBB2_2:
0x2d: {  	p0 =	sne.s32 s18, $0x23C0;
	[tilespmem:s19+$0x200] =	vst v1;
	s19 =	smov.u32 s18;
	s18 =	sadd.s32 $0x40, s18  }
.Ltmp0:
0x2e: {  	(pc) =	sbr.rel @p0 .LBB2_2-.Ltmp0, $2  }
0x2f: {  	_ =	sdelay $0x2  }
0x30: {  	s19 =	sshra.s32 s19, $0x2  }
0x31: {  	[tilespmem:s19+$0x200] =	vst v1  }
0x32: {  	[spmem:s6] =	stream.linear.scatter [tilespmem:s11], [sflag:$0x1], $0x900, $0x38;
	[tilespmem:$0x1400] =	vst v63  }
0x33: {  	_ =	swait.ge [sflag:s9], $0x900  }
0x34: {  	[sflag:s9] =	ssyncset.done $0x0  }
0x35: {  	[sflag:s9] =	ssyncadd.s32 $0xFFFFF700  }
0x36: {  	[bflag:$0x0] =	sbarrier.arrive $0xFFFF  }
0x37: {  	[spmem:s2] =	stream.indirect.scatter.add.f32 [tilespmem:s14], [sflag:$0x1], $0x1, s13, s12, $0xb8;
	[tilespmem:$0x1400] =	vst v63  }
0x38: {  	_ =	swait.ge [sflag:s9], $0x60  }
0x39: {  	s17 =	sadd.s32 $0x1, s17;
	[sflag:s9] =	ssyncset.done $0x0  }
0x3a: {  	p0 =	sne.s32 s17, s8;
	[sflag:s9] =	ssyncadd.s32 $0xFFFFFFA0  }
.Ltmp1:
0x3b: {  	[bflag:$0x0] =	sbarrier.arrive $0xFFFF;
	(pc) =	sbr.rel @p0 .LBB2_1-.Ltmp1, $4  }
0x3c: {  	[hbm:s7], [sflag:s15] =	dma.local [spmem:s16], $0x120  }
0x3d: {  	_ =	swait.ge [sflag:s9], $0x120  }
0x3e: {  	[sflag:s9] =	ssyncset.done $0x0  }
0x3f: {  	[sflag:s9] =	ssyncadd.s32 $0xFFFFFEE0  }
0x40: {  	_ =	sfence.sel $0x180000  }
0x41: {  	[bflag:$0x0] =	sbarrier.arrive $0xFFFF  }
0x42: {  	p0 =	sne.s32 s1, $0x0;
	_ =	strace $0x90000047  }
0x43: {  	s0 =	sadd.s32 @!p0 $0x100000, s0;
	[bflag:$0x2] =	sbarrier.arrive $0xFFFF  }
0x44: {  	[sflag:s0] =	ssyncadd.tile.s32 @!p0 $0x1;
	_ =	shalt  }
.Lfunc_end2:
_tile_overlayer_lowered:
.L_overlay_start_2:
0x45: {  	(tag) =	ssettag $0x2  }
0x46: {  	s0 =	rddreg [dreg:$0x0];
	s2 =	stileid.u32  }
0x47: {  	s1 =	rddreg [dreg:$0x1];
	p0 =	sne.s32 s2, $0x0  }
0x48: {  	s3 =	rddreg [dreg:$0x2];
	[bflag:$0x3] =	sbarrier.arrive $0xFFFF;
	s2 =	simm.s32 @!p0 $0x1C01  }
0x49: {  	[timem:s3], [sflag:s2] =	dma.local @!p0 [hbm:s0], s1  }
0x4a: {  	s0 =	simm.s32 @!p0 $0x1  }
0x4b: {  	_ =	swait.ge @!p0 [sflag:s0], s1  }
0x4c: {  	s1 =	ssub.s32 @!p0 $0x0, s1;
	[sflag:s0] =	ssyncset.done @!p0 $0x0  }
0x4d: {  	[sflag:s0] =	ssyncadd.s32 @!p0 s1  }
0x4e: {  	[bflag:$0x3] =	sbarrier.arrive $0xFFFF  }
0x4f: {  	_ =	shalt  }

</sc_bundles>
